<compile_context>
chip_gen: v7x
topology: tpu7x:2x2x1
jax: 0.10.2.dev20260603
libtpu: 0.0.44.dev20260713+nightly
codegen_flags: <defaults>
</compile_context>

<pallas_src>
import functools

import jax
import jax.numpy as jnp
from jax import lax
from jax.experimental import pallas as pl
from jax.experimental.pallas import tpu as pltpu
from jax.experimental.pallas import tpu_sc as plsc

N = 10000
E = 320000
IN_CH = 128
HID = 256
HALF = HID // 2
N_CLASSES = 2

NC = 2
NS = 16
NP = 10240
RPT = NP // NS

CHUNK = 80
E_CHUNKS = E // CHUNK
FULL_PER_TILE = E_CHUNKS // NS
TAIL_CHUNKS = E_CHUNKS - FULL_PER_TILE * NS

DEG_W = 128
DEG_OW = 128
NT = NC * NS
DEG_FULL = E_CHUNKS // NT
DEG_TAIL = E_CHUNKS - DEG_FULL * NT


def _deg_body(col_ref, ones_ref, zeros_ref, out_ref,
              idx0, idx1, idx2, idx3, idx4, idx5, idx6, idx7, ones_v,
              sem0, sem1, sem2, sem3, sem4, sem5, sem6, sem7,
              dsem0, dsem1, dsem2, dsem3, dsem4, dsem5, dsem6, dsem7, degs):
    c = lax.axis_index("c")
    s = lax.axis_index("s")
    tile = c * NS + s
    pltpu.sync_copy(zeros_ref, degs.at[pl.ds(s * RPT, RPT)])
    pltpu.sync_copy(ones_ref, ones_v)
    plsc.subcore_barrier()

    idx = (idx0, idx1, idx2, idx3, idx4, idx5, idx6, idx7)
    sem = (sem0, sem1, sem2, sem3, sem4, sem5, sem6, sem7)
    dsem = (dsem0, dsem1, dsem2, dsem3, dsem4, dsem5, dsem6, dsem7)

    def start_idx(k, g):
        base = pl.multiple_of((tile + NT * g) * CHUNK, 8)
        pltpu.async_copy(col_ref.at[pl.ds(base, CHUNK)], idx[k], sem[k])

    def scatter(k):
        pltpu.make_async_copy(col_ref.at[pl.ds(0, CHUNK)], idx[k], sem[k]).wait()
        pltpu.async_copy(ones_v, degs.at[idx[k]], dsem[k], add=True)

    def drain(k):
        pltpu.make_async_copy(ones_v, degs.at[idx[k]], dsem[k]).wait()

    for k in range(8):
        start_idx(k, k)

    def body(j, carry):
        g0 = 8 * j
        for k in range(8):
            g = g0 + k

            @pl.when(g < DEG_FULL)
            def _(k=k):
                scatter(k)

            @pl.when(jnp.logical_and(g >= 4, g - 4 < DEG_FULL))
            def _(k=k, g=g):
                drain((k + 4) % 8)

                @pl.when(g + 4 < DEG_FULL)
                def _(k=k, g=g):
                    start_idx((k + 4) % 8, g + 4)

        return carry

    lax.fori_loop(0, (DEG_FULL + 7) // 8 + 1, body, 0)

    @pl.when(tile < DEG_TAIL)
    def _():
        base = pl.multiple_of((E_CHUNKS - DEG_TAIL + tile) * CHUNK, 8)
        pltpu.sync_copy(col_ref.at[pl.ds(base, CHUNK)], idx[0])
        pltpu.sync_copy(ones_v, degs.at[idx[0]], add=True)

    plsc.subcore_barrier()
    pltpu.sync_copy(degs.at[pl.ds(s * RPT, RPT)], out_ref.at[c, pl.ds(s * RPT, RPT)])


_deg_kernel = functools.partial(
    pl.kernel,
    out_type=jax.ShapeDtypeStruct((NC, NP, DEG_OW), jnp.float32),
    mesh=plsc.VectorSubcoreMesh(core_axis_name="c", subcore_axis_name="s"),
    scratch_types=(
        [pltpu.VMEM((CHUNK,), jnp.int32)] * 8
        + [pltpu.VMEM((CHUNK, DEG_W), jnp.float32)]
        + [pltpu.SemaphoreType.DMA] * 16
        + [pltpu.VMEM_SHARED((NP, DEG_W), jnp.float32)]
    ),
)(_deg_body)



def _msg_body(hp_ref, row_ref, col_ref, zeros_ref, out_ref,
              idx_r0, idx_c0, idx_r1, idx_c1, idx_r2, idx_c2, idx_r3, idx_c3,
              idx_r4, idx_c4, idx_r5, idx_c5,
              buf0, buf1, buf2,
              isem0, isem1, isem2, isem3, isem4, isem5,
              gsem0, gsem1, gsem2, ssem0, ssem1, ssem2, accs):
    c = lax.axis_index("c")
    s = lax.axis_index("s")
    pltpu.sync_copy(zeros_ref, accs.at[pl.ds(s * RPT, RPT)])
    plsc.subcore_barrier()

    idx_r = (idx_r0, idx_r1, idx_r2, idx_r3, idx_r4, idx_r5)
    idx_c = (idx_c0, idx_c1, idx_c2, idx_c3, idx_c4, idx_c5)
    isem = (isem0, isem1, isem2, isem3, isem4, isem5)
    buf = (buf0, buf1, buf2)
    gsem = (gsem0, gsem1, gsem2)
    ssem = (ssem0, ssem1, ssem2)

    def start_idx(k, g):
        base = pl.multiple_of((s + NS * g) * CHUNK, 8)
        pltpu.async_copy(row_ref.at[pl.ds(base, CHUNK)], idx_r[k], isem[k])
        pltpu.async_copy(col_ref.at[pl.ds(base, CHUNK)], idx_c[k], isem[k])

    def wait_idx(k):
        pltpu.make_async_copy(row_ref.at[pl.ds(0, CHUNK)], idx_r[k], isem[k]).wait()
        pltpu.make_async_copy(col_ref.at[pl.ds(0, CHUNK)], idx_c[k], isem[k]).wait()

    def fire_gather(b, k):
        pltpu.async_copy(hp_ref.at[c].at[idx_r[k]], buf[b], gsem[b])

    def fire_scatter(b, k):
        pltpu.make_async_copy(hp_ref.at[c].at[idx_r[k]], buf[b], gsem[b]).wait()
        pltpu.async_copy(buf[b], accs.at[idx_c[k]], ssem[b], add=True)

    def drain_scatter(b, k):
        pltpu.make_async_copy(buf[b], accs.at[idx_c[k]], ssem[b]).wait()

    for k in range(6):
        start_idx(k, k)
    wait_idx(0)
    fire_gather(0, 0)
    wait_idx(1)
    fire_gather(1, 1)

    def body(j, carry):
        g0 = 6 * j
        for k in range(6):
            b = k % 3
            g = g0 + k

            @pl.when(g < FULL_PER_TILE)
            def _(b=b, k=k):
                fire_scatter(b, k)

            @pl.when(jnp.logical_and(g >= 1, g - 1 < FULL_PER_TILE))
            def _(g=g, k=k):
                drain_scatter((k + 2) % 3, (k + 5) % 6)

                @pl.when(g + 5 < FULL_PER_TILE)
                def _(g=g, k=k):
                    start_idx((k + 5) % 6, g + 5)

            @pl.when(g + 2 < FULL_PER_TILE)
            def _(g=g, k=k):
                wait_idx((k + 2) % 6)
                fire_gather((k + 2) % 3, (k + 2) % 6)

        return carry

    lax.fori_loop(0, FULL_PER_TILE // 6 + 1, body, 0)

    @pl.when(s < TAIL_CHUNKS)
    def _():
        base = pl.multiple_of((E_CHUNKS - TAIL_CHUNKS + s) * CHUNK, 8)
        pltpu.sync_copy(row_ref.at[pl.ds(base, CHUNK)], idx_r[0])
        pltpu.sync_copy(col_ref.at[pl.ds(base, CHUNK)], idx_c[0])
        pltpu.sync_copy(hp_ref.at[c].at[idx_r[0]], buf[0])
        pltpu.sync_copy(buf[0], accs.at[idx_c[0]], add=True)

    plsc.subcore_barrier()
    pltpu.sync_copy(accs.at[pl.ds(s * RPT, RPT)], out_ref.at[c, pl.ds(s * RPT, RPT)])


_msg_kernel = functools.partial(
    pl.kernel,
    out_type=jax.ShapeDtypeStruct((NC, NP, HALF), jnp.float32),
    mesh=plsc.VectorSubcoreMesh(core_axis_name="c", subcore_axis_name="s"),
    scratch_types=(
        [pltpu.VMEM((CHUNK,), jnp.int32)] * 12
        + [pltpu.VMEM((CHUNK, HALF), jnp.float32)] * 3
        + [pltpu.SemaphoreType.DMA] * 12
        + [pltpu.VMEM_SHARED((NP, HALF), jnp.float32)]
    ),
)(_msg_body)

BLK = 400
GRID = N // BLK


def _dinv_of(degp_ref):
    deg = degp_ref[0, :, 0] + degp_ref[1, :, 0] + 1.0
    return lax.rsqrt(deg)


def _l1_body(x_ref, w_ref, degp_ref, out_ref):
    dinv = _dinv_of(degp_ref)
    h = jnp.dot(x_ref[...], w_ref[...], preferred_element_type=jnp.float32)
    hp = h * dinv[:, None]
    out_ref[0] = hp[:, :HALF]
    out_ref[1] = hp[:, HALF:]


_l1 = pl.pallas_call(
    _l1_body,
    grid=(GRID,),
    in_specs=[
        pl.BlockSpec((BLK, IN_CH), lambda i: (i, 0)),
        pl.BlockSpec((IN_CH, HID), lambda i: (0, 0)),
        pl.BlockSpec((NC, BLK, 1), lambda i: (0, i, 0)),
    ],
    out_specs=pl.BlockSpec((NC, BLK, HALF), lambda i: (0, i, 0)),
    out_shape=jax.ShapeDtypeStruct((NC, NP, HALF), jnp.float32),
)


def _mid_body(acc_ref, hp_ref, degp_ref, w_ref, b_ref, out_ref):
    dinv = _dinv_of(degp_ref)
    t = jnp.concatenate([acc_ref[0] + hp_ref[0], acc_ref[1] + hp_ref[1]], axis=1)
    z = jnp.maximum(t * dinv[:, None] + b_ref[...], 0.0)
    h = jnp.dot(z, w_ref[...], preferred_element_type=jnp.float32)
    hp = h * dinv[:, None]
    out_ref[0] = hp[:, :HALF]
    out_ref[1] = hp[:, HALF:]


_mid = pl.pallas_call(
    _mid_body,
    grid=(GRID,),
    in_specs=[
        pl.BlockSpec((NC, BLK, HALF), lambda i: (0, i, 0)),
        pl.BlockSpec((NC, BLK, HALF), lambda i: (0, i, 0)),
        pl.BlockSpec((NC, BLK, 1), lambda i: (0, i, 0)),
        pl.BlockSpec((HID, HID), lambda i: (0, 0)),
        pl.BlockSpec((HID,), lambda i: (0,)),
    ],
    out_specs=pl.BlockSpec((NC, BLK, HALF), lambda i: (0, i, 0)),
    out_shape=jax.ShapeDtypeStruct((NC, NP, HALF), jnp.float32),
)


def _out_body(acc_ref, hp_ref, degp_ref, wc_ref, b_ref, bc_ref, out_ref):
    dinv = _dinv_of(degp_ref)
    t = jnp.concatenate([acc_ref[0] + hp_ref[0], acc_ref[1] + hp_ref[1]], axis=1)
    z = jnp.maximum(t * dinv[:, None] + b_ref[...], 0.0)
    out_ref[...] = jnp.dot(z, wc_ref[...], preferred_element_type=jnp.float32) + bc_ref[...]


_out = pl.pallas_call(
    _out_body,
    grid=(GRID,),
    in_specs=[
        pl.BlockSpec((NC, BLK, HALF), lambda i: (0, i, 0)),
        pl.BlockSpec((NC, BLK, HALF), lambda i: (0, i, 0)),
        pl.BlockSpec((NC, BLK, 1), lambda i: (0, i, 0)),
        pl.BlockSpec((HID, N_CLASSES), lambda i: (0, 0)),
        pl.BlockSpec((HID,), lambda i: (0,)),
        pl.BlockSpec((N_CLASSES,), lambda i: (0,)),
    ],
    out_specs=pl.BlockSpec((BLK, N_CLASSES), lambda i: (i, 0)),
    out_shape=jax.ShapeDtypeStruct((N, N_CLASSES), jnp.float32),
)


def kernel(x, edge_index, W1, b1, W2, b2, Wc, bc):
    row = edge_index[0].astype(jnp.int32)
    col = edge_index[1].astype(jnp.int32)
    ones16 = jnp.ones((CHUNK, DEG_W), jnp.float32)
    zeros16 = jnp.zeros((RPT, DEG_W), jnp.float32)
    zeros128 = jnp.zeros((RPT, HALF), jnp.float32)

    degp = _deg_kernel(col, ones16, zeros16)
    degp = degp[:, :, :1]
    hp1 = _l1(x, W1, degp)
    acc1 = _msg_kernel(hp1, row, col, zeros128)
    hp2 = _mid(acc1, hp1, degp, W2, b1)
    acc2 = _msg_kernel(hp2, row, col, zeros128)
    return _out(acc2, hp2, degp, Wc, b2, bc)

# --- scband reference (transcript-rebuilt; emitter-appended) ---
"""Pipeline reference for scband-delay-gnn-82678120448675 (READ-ONLY COPY).

The authoritative reference and input builder live on the scoring server;
editing this copy changes nothing except your own understanding.
"""

import jax, jax.numpy as jnp
import numpy as np

N_NODES = 10000
N_EDGES = 320000
IN_CH = 128
HID = 256
N_CLASSES = 2


def gcn_conv(x, edge_index, W, b, n_nodes):
    # PyG GCNConv with add_self_loops=True, normalize=True, edge_weight=None
    row = edge_index[0]
    col = edge_index[1]
    loop = jnp.arange(n_nodes, dtype=edge_index.dtype)
    row = jnp.concatenate([row, loop])
    col = jnp.concatenate([col, loop])
    ew = jnp.ones(row.shape[0], dtype=x.dtype)
    deg = jnp.zeros((n_nodes,), dtype=x.dtype).at[col].add(ew)
    deg_inv_sqrt = jnp.where(deg > 0, jax.lax.rsqrt(jnp.where(deg > 0, deg, 1.0)), 0.0)
    norm = deg_inv_sqrt[row] * ew * deg_inv_sqrt[col]
    h = x @ W  # linear transform
    msg = norm[:, None] * jnp.take(h, row, axis=0)  # gather + scale
    out = jnp.zeros((n_nodes, W.shape[1]), dtype=x.dtype).at[col].add(msg)  # scatter-add
    return out + b


def setup_inputs(seed: int = 0) -> dict:
    key = jax.random.key(seed)
    k1, k2, k3, k4, k5 = jax.random.split(key, 5)
    x = jax.random.normal(k1, (N_NODES, IN_CH), dtype=jnp.float32)
    edge_index = jax.random.randint(k2, (2, N_EDGES), 0, N_NODES, dtype=jnp.int64)
    s1 = 1.0 / np.sqrt(IN_CH)
    s2 = 1.0 / np.sqrt(HID)
    W1 = jax.random.uniform(k3, (IN_CH, HID), dtype=jnp.float32, minval=-s1, maxval=s1)
    b1 = jnp.zeros((HID,), dtype=jnp.float32)
    W2 = jax.random.uniform(k4, (HID, HID), dtype=jnp.float32, minval=-s2, maxval=s2)
    b2 = jnp.zeros((HID,), dtype=jnp.float32)
    Wc = jax.random.uniform(k5, (HID, N_CLASSES), dtype=jnp.float32, minval=-s2, maxval=s2)
    bc = jnp.zeros((N_CLASSES,), dtype=jnp.float32)
    return {"x": x, "edge_index": edge_index, "W1": W1, "b1": b1, "W2": W2, "b2": b2, "Wc": Wc, "bc": bc}


def reference(x, edge_index, W1, b1, W2, b2, Wc, bc):
    # layer 1: GCNConv -> relu (dropout is identity in eval mode)
    h = gcn_conv(x, edge_index, W1, b1, N_NODES)
    h = jax.nn.relu(h)
    # layer 2
    h = gcn_conv(h, edge_index, W2, b2, N_NODES)
    h = jax.nn.relu(h)
    # classifier
    logits = h @ Wc + bc
    return logits

if __name__ == "__main__":
    import jax
    _d = setup_inputs()
    print(jax.jit(kernel)(*tuple(_d.values())))

</pallas_src>

<mosaic_0001>
#map = affine_map<(d0, d1) -> (0)>
#map1 = affine_map<(d0, d1) -> (0, 0)>
#map2 = affine_map<(d0, d1) -> (0, 0, 0)>
module attributes {stable_mosaic.version = 14 : i64} {
  func.func @_deg_body(%arg0: i32, %arg1: i32, %arg2: memref<320000xi32, #tpu.memory_space<hbm>>, %arg3: memref<80x128xf32, #tpu.memory_space<hbm>>, %arg4: memref<640x128xf32, #tpu.memory_space<hbm>>, %arg5: memref<2x10240x128xf32, #tpu.memory_space<hbm>>, %arg6: memref<80xi32, #tpu.memory_space<vmem>>, %arg7: memref<80xi32, #tpu.memory_space<vmem>>, %arg8: memref<80xi32, #tpu.memory_space<vmem>>, %arg9: memref<80xi32, #tpu.memory_space<vmem>>, %arg10: memref<80xi32, #tpu.memory_space<vmem>>, %arg11: memref<80xi32, #tpu.memory_space<vmem>>, %arg12: memref<80xi32, #tpu.memory_space<vmem>>, %arg13: memref<80xi32, #tpu.memory_space<vmem>>, %arg14: memref<80x128xf32, #tpu.memory_space<vmem>>, %arg15: memref<!tpu.dma_semaphore, #tpu.memory_space<semaphore_mem>>, %arg16: memref<!tpu.dma_semaphore, #tpu.memory_space<semaphore_mem>>, %arg17: memref<!tpu.dma_semaphore, #tpu.memory_space<semaphore_mem>>, %arg18: memref<!tpu.dma_semaphore, #tpu.memory_space<semaphore_mem>>, %arg19: memref<!tpu.dma_semaphore, #tpu.memory_space<semaphore_mem>>, %arg20: memref<!tpu.dma_semaphore, #tpu.memory_space<semaphore_mem>>, %arg21: memref<!tpu.dma_semaphore, #tpu.memory_space<semaphore_mem>>, %arg22: memref<!tpu.dma_semaphore, #tpu.memory_space<semaphore_mem>>, %arg23: memref<!tpu.dma_semaphore, #tpu.memory_space<semaphore_mem>>, %arg24: memref<!tpu.dma_semaphore, #tpu.memory_space<semaphore_mem>>, %arg25: memref<!tpu.dma_semaphore, #tpu.memory_space<semaphore_mem>>, %arg26: memref<!tpu.dma_semaphore, #tpu.memory_space<semaphore_mem>>, %arg27: memref<!tpu.dma_semaphore, #tpu.memory_space<semaphore_mem>>, %arg28: memref<!tpu.dma_semaphore, #tpu.memory_space<semaphore_mem>>, %arg29: memref<!tpu.dma_semaphore, #tpu.memory_space<semaphore_mem>>, %arg30: memref<!tpu.dma_semaphore, #tpu.memory_space<semaphore_mem>>, %arg31: memref<10240x128xf32, #tpu.memory_space<vmem_shared>>) attributes {dimension_semantics = [#tpu.dimension_semantics<core_parallel>, #tpu.dimension_semantics<subcore_parallel>], iteration_bounds = array<i64: 2, 16>, scalar_prefetch = 0 : i64, scratch_operands = 26 : i64, tpu.core_type = #tpu.core_type<sc_vector_subcore>, window_params = [{transform_indices = #map}, {transform_indices = #map1}, {transform_indices = #map1}, {transform_indices = #map2}]} {
    %mul3A = arith.constant 16 : i32
    %mul3A_0 = arith.muli %arg0, %mul3A : i32
    %add3A = arith.addi %mul3A_0, %arg1 : i32
    %mul3A_1 = arith.constant 640 : i32
    %mul3A_2 = arith.muli %arg1, %mul3A_1 : i32
    "tpu.region"() ({
      %run_scoped3A = tpu.sem_alloc : memref<!tpu.dma_semaphore, #tpu.memory_space<semaphore_mem>>
      %dma_start3A_69 = arith.constant 0 : i32
      %dma_start3A_70 = tpu.memref_slice %arg31[%mul3A_2, %dma_start3A_69] : memref<10240x128xf32, #tpu.memory_space<vmem_shared>> -> memref<640x128xf32, #tpu.memory_space<vmem_shared>>
      tpu.enqueue_dma source(%arg4 : memref<640x128xf32, #tpu.memory_space<hbm>>) target(%dma_start3A_70 : memref<640x128xf32, #tpu.memory_space<vmem_shared>>) target_semaphore(%run_scoped3A : memref<!tpu.dma_semaphore, #tpu.memory_space<semaphore_mem>>)
      %dma_wait3A = arith.constant 0 : i32
      %dma_wait3A_71 = tpu.memref_slice %arg31[%mul3A_2, %dma_wait3A] : memref<10240x128xf32, #tpu.memory_space<vmem_shared>> -> memref<640x128xf32, #tpu.memory_space<vmem_shared>>
      tpu.wait_dma2 semaphore(%run_scoped3A : memref<!tpu.dma_semaphore, #tpu.memory_space<semaphore_mem>>) src(%arg4 : memref<640x128xf32, #tpu.memory_space<hbm>>) dst(%dma_wait3A_71 : memref<640x128xf32, #tpu.memory_space<vmem_shared>>)
      tpu.yield
    }) : () -> ()
    "tpu.region"() ({
      %run_scoped3A = tpu.sem_alloc : memref<!tpu.dma_semaphore, #tpu.memory_space<semaphore_mem>>
      tpu.enqueue_dma source(%arg3 : memref<80x128xf32, #tpu.memory_space<hbm>>) target(%arg14 : memref<80x128xf32, #tpu.memory_space<vmem>>) target_semaphore(%run_scoped3A : memref<!tpu.dma_semaphore, #tpu.memory_space<semaphore_mem>>)
      tpu.wait_dma2 semaphore(%run_scoped3A : memref<!tpu.dma_semaphore, #tpu.memory_space<semaphore_mem>>) src(%arg3 : memref<80x128xf32, #tpu.memory_space<hbm>>) dst(%arg14 : memref<80x128xf32, #tpu.memory_space<vmem>>)
      tpu.yield
    }) : () -> ()
    %barrier3A = arith.constant 0 : index
    tpu.barrier barrier_id(%barrier3A)
    %add3A_3 = arith.constant 0 : i32
    %add3A_4 = arith.addi %add3A, %add3A_3 : i32
    %mul3A_5 = arith.constant 80 : i32
    %mul3A_6 = arith.muli %add3A_4, %mul3A_5 : i32
    %multiple_of3A = tpu.assume_multiple %mul3A_6, 8 : i32
    %dma_start3A = tpu.memref_slice %arg2[%multiple_of3A] : memref<320000xi32, #tpu.memory_space<hbm>> -> memref<80xi32, #tpu.memory_space<hbm>>
    %dma_start3A_7 = tpu.memref_slice %arg2[%multiple_of3A] : memref<320000xi32, #tpu.memory_space<hbm>> -> memref<80xi32, #tpu.memory_space<hbm>>
    tpu.enqueue_dma source(%dma_start3A_7 : memref<80xi32, #tpu.memory_space<hbm>>) target(%arg6 : memref<80xi32, #tpu.memory_space<vmem>>) target_semaphore(%arg15 : memref<!tpu.dma_semaphore, #tpu.memory_space<semaphore_mem>>)
    %add3A_8 = arith.constant 32 : i32
    %add3A_9 = arith.addi %add3A, %add3A_8 : i32
    %mul3A_10 = arith.constant 80 : i32
    %mul3A_11 = arith.muli %add3A_9, %mul3A_10 : i32
    %multiple_of3A_12 = tpu.assume_multiple %mul3A_11, 8 : i32
    %dma_start3A_13 = tpu.memref_slice %arg2[%multiple_of3A_12] : memref<320000xi32, #tpu.memory_space<hbm>> -> memref<80xi32, #tpu.memory_space<hbm>>
    %dma_start3A_14 = tpu.memref_slice %arg2[%multiple_of3A_12] : memref<320000xi32, #tpu.memory_space<hbm>> -> memref<80xi32, #tpu.memory_space<hbm>>
    tpu.enqueue_dma source(%dma_start3A_14 : memref<80xi32, #tpu.memory_space<hbm>>) target(%arg7 : memref<80xi32, #tpu.memory_space<vmem>>) target_semaphore(%arg16 : memref<!tpu.dma_semaphore, #tpu.memory_space<semaphore_mem>>)
    %add3A_15 = arith.constant 64 : i32
    %add3A_16 = arith.addi %add3A, %add3A_15 : i32
    %mul3A_17 = arith.constant 80 : i32
    %mul3A_18 = arith.muli %add3A_16, %mul3A_17 : i32
    %multiple_of3A_19 = tpu.assume_multiple %mul3A_18, 8 : i32
    %dma_start3A_20 = tpu.memref_slice %arg2[%multiple_of3A_19] : memref<320000xi32, #tpu.memory_space<hbm>> -> memref<80xi32, #tpu.memory_space<hbm>>
    %dma_start3A_21 = tpu.memref_slice %arg2[%multiple_of3A_19] : memref<320000xi32, #tpu.memory_space<hbm>> -> memref<80xi32, #tpu.memory_space<hbm>>
    tpu.enqueue_dma source(%dma_start3A_21 : memref<80xi32, #tpu.memory_space<hbm>>) target(%arg8 : memref<80xi32, #tpu.memory_space<vmem>>) target_semaphore(%arg17 : memref<!tpu.dma_semaphore, #tpu.memory_space<semaphore_mem>>)
    %add3A_22 = arith.constant 96 : i32
    %add3A_23 = arith.addi %add3A, %add3A_22 : i32
    %mul3A_24 = arith.constant 80 : i32
    %mul3A_25 = arith.muli %add3A_23, %mul3A_24 : i32
    %multiple_of3A_26 = tpu.assume_multiple %mul3A_25, 8 : i32
    %dma_start3A_27 = tpu.memref_slice %arg2[%multiple_of3A_26] : memref<320000xi32, #tpu.memory_space<hbm>> -> memref<80xi32, #tpu.memory_space<hbm>>
    %dma_start3A_28 = tpu.memref_slice %arg2[%multiple_of3A_26] : memref<320000xi32, #tpu.memory_space<hbm>> -> memref<80xi32, #tpu.memory_space<hbm>>
    tpu.enqueue_dma source(%dma_start3A_28 : memref<80xi32, #tpu.memory_space<hbm>>) target(%arg9 : memref<80xi32, #tpu.memory_space<vmem>>) target_semaphore(%arg18 : memref<!tpu.dma_semaphore, #tpu.memory_space<semaphore_mem>>)
    %add3A_29 = arith.constant 128 : i32
    %add3A_30 = arith.addi %add3A, %add3A_29 : i32
    %mul3A_31 = arith.constant 80 : i32
    %mul3A_32 = arith.muli %add3A_30, %mul3A_31 : i32
    %multiple_of3A_33 = tpu.assume_multiple %mul3A_32, 8 : i32
    %dma_start3A_34 = tpu.memref_slice %arg2[%multiple_of3A_33] : memref<320000xi32, #tpu.memory_space<hbm>> -> memref<80xi32, #tpu.memory_space<hbm>>
    %dma_start3A_35 = tpu.memref_slice %arg2[%multiple_of3A_33] : memref<320000xi32, #tpu.memory_space<hbm>> -> memref<80xi32, #tpu.memory_space<hbm>>
    tpu.enqueue_dma source(%dma_start3A_35 : memref<80xi32, #tpu.memory_space<hbm>>) target(%arg10 : memref<80xi32, #tpu.memory_space<vmem>>) target_semaphore(%arg19 : memref<!tpu.dma_semaphore, #tpu.memory_space<semaphore_mem>>)
    %add3A_36 = arith.constant 160 : i32
    %add3A_37 = arith.addi %add3A, %add3A_36 : i32
    %mul3A_38 = arith.constant 80 : i32
    %mul3A_39 = arith.muli %add3A_37, %mul3A_38 : i32
    %multiple_of3A_40 = tpu.assume_multiple %mul3A_39, 8 : i32
    %dma_start3A_41 = tpu.memref_slice %arg2[%multiple_of3A_40] : memref<320000xi32, #tpu.memory_space<hbm>> -> memref<80xi32, #tpu.memory_space<hbm>>
    %dma_start3A_42 = tpu.memref_slice %arg2[%multiple_of3A_40] : memref<320000xi32, #tpu.memory_space<hbm>> -> memref<80xi32, #tpu.memory_space<hbm>>
    tpu.enqueue_dma source(%dma_start3A_42 : memref<80xi32, #tpu.memory_space<hbm>>) target(%arg11 : memref<80xi32, #tpu.memory_space<vmem>>) target_semaphore(%arg20 : memref<!tpu.dma_semaphore, #tpu.memory_space<semaphore_mem>>)
    %add3A_43 = arith.constant 192 : i32
    %add3A_44 = arith.addi %add3A, %add3A_43 : i32
    %mul3A_45 = arith.constant 80 : i32
    %mul3A_46 = arith.muli %add3A_44, %mul3A_45 : i32
    %multiple_of3A_47 = tpu.assume_multiple %mul3A_46, 8 : i32
    %dma_start3A_48 = tpu.memref_slice %arg2[%multiple_of3A_47] : memref<320000xi32, #tpu.memory_space<hbm>> -> memref<80xi32, #tpu.memory_space<hbm>>
    %dma_start3A_49 = tpu.memref_slice %arg2[%multiple_of3A_47] : memref<320000xi32, #tpu.memory_space<hbm>> -> memref<80xi32, #tpu.memory_space<hbm>>
    tpu.enqueue_dma source(%dma_start3A_49 : memref<80xi32, #tpu.memory_space<hbm>>) target(%arg12 : memref<80xi32, #tpu.memory_space<vmem>>) target_semaphore(%arg21 : memref<!tpu.dma_semaphore, #tpu.memory_space<semaphore_mem>>)
    %add3A_50 = arith.constant 224 : i32
    %add3A_51 = arith.addi %add3A, %add3A_50 : i32
    %mul3A_52 = arith.constant 80 : i32
    %mul3A_53 = arith.muli %add3A_51, %mul3A_52 : i32
    %multiple_of3A_54 = tpu.assume_multiple %mul3A_53, 8 : i32
    %dma_start3A_55 = tpu.memref_slice %arg2[%multiple_of3A_54] : memref<320000xi32, #tpu.memory_space<hbm>> -> memref<80xi32, #tpu.memory_space<hbm>>
    %dma_start3A_56 = tpu.memref_slice %arg2[%multiple_of3A_54] : memref<320000xi32, #tpu.memory_space<hbm>> -> memref<80xi32, #tpu.memory_space<hbm>>
    tpu.enqueue_dma source(%dma_start3A_56 : memref<80xi32, #tpu.memory_space<hbm>>) target(%arg13 : memref<80xi32, #tpu.memory_space<vmem>>) target_semaphore(%arg22 : memref<!tpu.dma_semaphore, #tpu.memory_space<semaphore_mem>>)
    %scan3A = arith.constant 0 : i32
    %scan3A_57 = arith.constant 0 : i32
    %scan3A_58 = arith.constant 17 : i32
    %scan3A_59 = arith.addi %scan3A_57, %scan3A_58 : i32
    %scan3A_60 = arith.constant 1 : i32
    scf.for %scan3A_69 = %scan3A_57 to %scan3A_59 step %scan3A_60  : i32 {
      %mul3A_70 = arith.constant 8 : i32
      %mul3A_71 = arith.muli %mul3A_70, %scan3A_69 : i32
      %add3A_72 = arith.constant 0 : i32
      %add3A_73 = arith.addi %mul3A_71, %add3A_72 : i32
      %lt3A_74 = arith.constant 125 : i32
      %lt3A_75 = arith.cmpi slt, %add3A_73, %lt3A_74 : i32
      %convert_element_type3A_76 = arith.extui %lt3A_75 : i1 to i32
      %cond3A_77 = arith.constant 0 : i32
      %cond3A_78 = arith.cmpi ne, %convert_element_type3A_76, %cond3A_77 : i32
      scf.if %cond3A_78 {
        %dma_wait3A = arith.constant 0 : i32
        %dma_wait3A_205 = tpu.memref_slice %arg2[%dma_wait3A] : memref<320000xi32, #tpu.memory_space<hbm>> -> memref<80xi32, #tpu.memory_space<hbm>>
        %dma_wait3A_206 = arith.constant 0 : i32
        %dma_wait3A_207 = tpu.memref_slice %arg2[%dma_wait3A_206] : memref<320000xi32, #tpu.memory_space<hbm>> -> memref<80xi32, #tpu.memory_space<hbm>>
        tpu.wait_dma2 semaphore(%arg15 : memref<!tpu.dma_semaphore, #tpu.memory_space<semaphore_mem>>) src(%dma_wait3A_207 : memref<80xi32, #tpu.memory_space<hbm>>) dst(%arg6 : memref<80xi32, #tpu.memory_space<vmem>>)
        %dma_start3A_208 = arith.constant 0 : i32
        %dma_start3A_209 = arith.constant 0 : i32
        %dma_start3A_210 = tpu.memref_slice %arg31[%dma_start3A_208, %dma_start3A_209] : memref<10240x128xf32, #tpu.memory_space<vmem_shared>> -> memref<10240x128xf32, #tpu.memory_space<vmem_shared>>
        tpu.enqueue_indirect_dma source(%arg14 : memref<80x128xf32, #tpu.memory_space<vmem>>) target(%dma_start3A_210 : memref<10240x128xf32, #tpu.memory_space<vmem_shared>>) offsets(%arg6 : memref<80xi32, #tpu.memory_space<vmem>>) semaphore(%arg23 : memref<!tpu.dma_semaphore, #tpu.memory_space<semaphore_mem>>) {add = true}
      } else {
      }
      %ge3A = arith.constant 4 : i32
      %ge3A_79 = arith.cmpi sge, %add3A_73, %ge3A : i32
      %sub3A = arith.constant 4 : i32
      %sub3A_80 = arith.subi %add3A_73, %sub3A : i32
      %lt3A_81 = arith.constant 125 : i32
      %lt3A_82 = arith.cmpi slt, %sub3A_80, %lt3A_81 : i32
      %and3A = arith.andi %ge3A_79, %lt3A_82 : i1
      %convert_element_type3A_83 = arith.extui %and3A : i1 to i32
      %cond3A_84 = arith.constant 0 : i32
      %cond3A_85 = arith.cmpi ne, %convert_element_type3A_83, %cond3A_84 : i32
      scf.if %cond3A_85 {
        %dma_wait3A = arith.constant 0 : i32
        %dma_wait3A_205 = arith.constant 0 : i32
        %dma_wait3A_206 = tpu.memref_slice %arg31[%dma_wait3A, %dma_wait3A_205] : memref<10240x128xf32, #tpu.memory_space<vmem_shared>> -> memref<10240x128xf32, #tpu.memory_space<vmem_shared>>
        tpu.wait_indirect_dma semaphore(%arg27 : memref<!tpu.dma_semaphore, #tpu.memory_space<semaphore_mem>>) src(%arg14 : memref<80x128xf32, #tpu.memory_space<vmem>>) dst(%dma_wait3A_206 : memref<10240x128xf32, #tpu.memory_space<vmem_shared>>)
        %add3A_207 = arith.constant 4 : i32
        %add3A_208 = arith.addi %add3A_73, %add3A_207 : i32
        %lt3A_209 = arith.constant 125 : i32
        %lt3A_210 = arith.cmpi slt, %add3A_208, %lt3A_209 : i32
        %convert_element_type3A_211 = arith.extui %lt3A_210 : i1 to i32
        %cond3A_212 = arith.constant 0 : i32
        %cond3A_213 = arith.cmpi ne, %convert_element_type3A_211, %cond3A_212 : i32
        scf.if %cond3A_213 {
          %add3A_214 = arith.constant 4 : i32
          %add3A_215 = arith.addi %add3A_73, %add3A_214 : i32
          %mul3A_216 = arith.constant 32 : i32
          %mul3A_217 = arith.muli %mul3A_216, %add3A_215 : i32
          %add3A_218 = arith.addi %add3A, %mul3A_217 : i32
          %mul3A_219 = arith.constant 80 : i32
          %mul3A_220 = arith.muli %add3A_218, %mul3A_219 : i32
          %multiple_of3A_221 = tpu.assume_multiple %mul3A_220, 8 : i32
          %dma_start3A_222 = tpu.memref_slice %arg2[%multiple_of3A_221] : memref<320000xi32, #tpu.memory_space<hbm>> -> memref<80xi32, #tpu.memory_space<hbm>>
          %dma_start3A_223 = tpu.memref_slice %arg2[%multiple_of3A_221] : memref<320000xi32, #tpu.memory_space<hbm>> -> memref<80xi32, #tpu.memory_space<hbm>>
          tpu.enqueue_dma source(%dma_start3A_223 : memref<80xi32, #tpu.memory_space<hbm>>) target(%arg10 : memref<80xi32, #tpu.memory_space<vmem>>) target_semaphore(%arg19 : memref<!tpu.dma_semaphore, #tpu.memory_space<semaphore_mem>>)
        } else {
        }
      } else {
      }
      %add3A_86 = arith.constant 1 : i32
      %add3A_87 = arith.addi %mul3A_71, %add3A_86 : i32
      %lt3A_88 = arith.constant 125 : i32
      %lt3A_89 = arith.cmpi slt, %add3A_87, %lt3A_88 : i32
      %convert_element_type3A_90 = arith.extui %lt3A_89 : i1 to i32
      %cond3A_91 = arith.constant 0 : i32
      %cond3A_92 = arith.cmpi ne, %convert_element_type3A_90, %cond3A_91 : i32
      scf.if %cond3A_92 {
        %dma_wait3A = arith.constant 0 : i32
        %dma_wait3A_205 = tpu.memref_slice %arg2[%dma_wait3A] : memref<320000xi32, #tpu.memory_space<hbm>> -> memref<80xi32, #tpu.memory_space<hbm>>
        %dma_wait3A_206 = arith.constant 0 : i32
        %dma_wait3A_207 = tpu.memref_slice %arg2[%dma_wait3A_206] : memref<320000xi32, #tpu.memory_space<hbm>> -> memref<80xi32, #tpu.memory_space<hbm>>
        tpu.wait_dma2 semaphore(%arg16 : memref<!tpu.dma_semaphore, #tpu.memory_space<semaphore_mem>>) src(%dma_wait3A_207 : memref<80xi32, #tpu.memory_space<hbm>>) dst(%arg7 : memref<80xi32, #tpu.memory_space<vmem>>)
        %dma_start3A_208 = arith.constant 0 : i32
        %dma_start3A_209 = arith.constant 0 : i32
        %dma_start3A_210 = tpu.memref_slice %arg31[%dma_start3A_208, %dma_start3A_209] : memref<10240x128xf32, #tpu.memory_space<vmem_shared>> -> memref<10240x128xf32, #tpu.memory_space<vmem_shared>>
        tpu.enqueue_indirect_dma source(%arg14 : memref<80x128xf32, #tpu.memory_space<vmem>>) target(%dma_start3A_210 : memref<10240x128xf32, #tpu.memory_space<vmem_shared>>) offsets(%arg7 : memref<80xi32, #tpu.memory_space<vmem>>) semaphore(%arg24 : memref<!tpu.dma_semaphore, #tpu.memory_space<semaphore_mem>>) {add = true}
      } else {
      }
      %ge3A_93 = arith.constant 4 : i32
      %ge3A_94 = arith.cmpi sge, %add3A_87, %ge3A_93 : i32
      %sub3A_95 = arith.constant 4 : i32
      %sub3A_96 = arith.subi %add3A_87, %sub3A_95 : i32
      %lt3A_97 = arith.constant 125 : i32
      %lt3A_98 = arith.cmpi slt, %sub3A_96, %lt3A_97 : i32
      %and3A_99 = arith.andi %ge3A_94, %lt3A_98 : i1
      %convert_element_type3A_100 = arith.extui %and3A_99 : i1 to i32
      %cond3A_101 = arith.constant 0 : i32
      %cond3A_102 = arith.cmpi ne, %convert_element_type3A_100, %cond3A_101 : i32
      scf.if %cond3A_102 {
        %dma_wait3A = arith.constant 0 : i32
        %dma_wait3A_205 = arith.constant 0 : i32
        %dma_wait3A_206 = tpu.memref_slice %arg31[%dma_wait3A, %dma_wait3A_205] : memref<10240x128xf32, #tpu.memory_space<vmem_shared>> -> memref<10240x128xf32, #tpu.memory_space<vmem_shared>>
        tpu.wait_indirect_dma semaphore(%arg28 : memref<!tpu.dma_semaphore, #tpu.memory_space<semaphore_mem>>) src(%arg14 : memref<80x128xf32, #tpu.memory_space<vmem>>) dst(%dma_wait3A_206 : memref<10240x128xf32, #tpu.memory_space<vmem_shared>>)
        %add3A_207 = arith.constant 4 : i32
        %add3A_208 = arith.addi %add3A_87, %add3A_207 : i32
        %lt3A_209 = arith.constant 125 : i32
        %lt3A_210 = arith.cmpi slt, %add3A_208, %lt3A_209 : i32
        %convert_element_type3A_211 = arith.extui %lt3A_210 : i1 to i32
        %cond3A_212 = arith.constant 0 : i32
        %cond3A_213 = arith.cmpi ne, %convert_element_type3A_211, %cond3A_212 : i32
        scf.if %cond3A_213 {
          %add3A_214 = arith.constant 4 : i32
          %add3A_215 = arith.addi %add3A_87, %add3A_214 : i32
          %mul3A_216 = arith.constant 32 : i32
          %mul3A_217 = arith.muli %mul3A_216, %add3A_215 : i32
          %add3A_218 = arith.addi %add3A, %mul3A_217 : i32
          %mul3A_219 = arith.constant 80 : i32
          %mul3A_220 = arith.muli %add3A_218, %mul3A_219 : i32
          %multiple_of3A_221 = tpu.assume_multiple %mul3A_220, 8 : i32
          %dma_start3A_222 = tpu.memref_slice %arg2[%multiple_of3A_221] : memref<320000xi32, #tpu.memory_space<hbm>> -> memref<80xi32, #tpu.memory_space<hbm>>
          %dma_start3A_223 = tpu.memref_slice %arg2[%multiple_of3A_221] : memref<320000xi32, #tpu.memory_space<hbm>> -> memref<80xi32, #tpu.memory_space<hbm>>
          tpu.enqueue_dma source(%dma_start3A_223 : memref<80xi32, #tpu.memory_space<hbm>>) target(%arg11 : memref<80xi32, #tpu.memory_space<vmem>>) target_semaphore(%arg20 : memref<!tpu.dma_semaphore, #tpu.memory_space<semaphore_mem>>)
        } else {
        }
      } else {
      }
      %add3A_103 = arith.constant 2 : i32
      %add3A_104 = arith.addi %mul3A_71, %add3A_103 : i32
      %lt3A_105 = arith.constant 125 : i32
      %lt3A_106 = arith.cmpi slt, %add3A_104, %lt3A_105 : i32
      %convert_element_type3A_107 = arith.extui %lt3A_106 : i1 to i32
      %cond3A_108 = arith.constant 0 : i32
      %cond3A_109 = arith.cmpi ne, %convert_element_type3A_107, %cond3A_108 : i32
      scf.if %cond3A_109 {
        %dma_wait3A = arith.constant 0 : i32
        %dma_wait3A_205 = tpu.memref_slice %arg2[%dma_wait3A] : memref<320000xi32, #tpu.memory_space<hbm>> -> memref<80xi32, #tpu.memory_space<hbm>>
        %dma_wait3A_206 = arith.constant 0 : i32
        %dma_wait3A_207 = tpu.memref_slice %arg2[%dma_wait3A_206] : memref<320000xi32, #tpu.memory_space<hbm>> -> memref<80xi32, #tpu.memory_space<hbm>>
        tpu.wait_dma2 semaphore(%arg17 : memref<!tpu.dma_semaphore, #tpu.memory_space<semaphore_mem>>) src(%dma_wait3A_207 : memref<80xi32, #tpu.memory_space<hbm>>) dst(%arg8 : memref<80xi32, #tpu.memory_space<vmem>>)
        %dma_start3A_208 = arith.constant 0 : i32
        %dma_start3A_209 = arith.constant 0 : i32
        %dma_start3A_210 = tpu.memref_slice %arg31[%dma_start3A_208, %dma_start3A_209] : memref<10240x128xf32, #tpu.memory_space<vmem_shared>> -> memref<10240x128xf32, #tpu.memory_space<vmem_shared>>
        tpu.enqueue_indirect_dma source(%arg14 : memref<80x128xf32, #tpu.memory_space<vmem>>) target(%dma_start3A_210 : memref<10240x128xf32, #tpu.memory_space<vmem_shared>>) offsets(%arg8 : memref<80xi32, #tpu.memory_space<vmem>>) semaphore(%arg25 : memref<!tpu.dma_semaphore, #tpu.memory_space<semaphore_mem>>) {add = true}
      } else {
      }
      %ge3A_110 = arith.constant 4 : i32
      %ge3A_111 = arith.cmpi sge, %add3A_104, %ge3A_110 : i32
      %sub3A_112 = arith.constant 4 : i32
      %sub3A_113 = arith.subi %add3A_104, %sub3A_112 : i32
      %lt3A_114 = arith.constant 125 : i32
      %lt3A_115 = arith.cmpi slt, %sub3A_113, %lt3A_114 : i32
      %and3A_116 = arith.andi %ge3A_111, %lt3A_115 : i1
      %convert_element_type3A_117 = arith.extui %and3A_116 : i1 to i32
      %cond3A_118 = arith.constant 0 : i32
      %cond3A_119 = arith.cmpi ne, %convert_element_type3A_117, %cond3A_118 : i32
      scf.if %cond3A_119 {
        %dma_wait3A = arith.constant 0 : i32
        %dma_wait3A_205 = arith.constant 0 : i32
        %dma_wait3A_206 = tpu.memref_slice %arg31[%dma_wait3A, %dma_wait3A_205] : memref<10240x128xf32, #tpu.memory_space<vmem_shared>> -> memref<10240x128xf32, #tpu.memory_space<vmem_shared>>
        tpu.wait_indirect_dma semaphore(%arg29 : memref<!tpu.dma_semaphore, #tpu.memory_space<semaphore_mem>>) src(%arg14 : memref<80x128xf32, #tpu.memory_space<vmem>>) dst(%dma_wait3A_206 : memref<10240x128xf32, #tpu.memory_space<vmem_shared>>)
        %add3A_207 = arith.constant 4 : i32
        %add3A_208 = arith.addi %add3A_104, %add3A_207 : i32
        %lt3A_209 = arith.constant 125 : i32
        %lt3A_210 = arith.cmpi slt, %add3A_208, %lt3A_209 : i32
        %convert_element_type3A_211 = arith.extui %lt3A_210 : i1 to i32
        %cond3A_212 = arith.constant 0 : i32
        %cond3A_213 = arith.cmpi ne, %convert_element_type3A_211, %cond3A_212 : i32
        scf.if %cond3A_213 {
          %add3A_214 = arith.constant 4 : i32
          %add3A_215 = arith.addi %add3A_104, %add3A_214 : i32
          %mul3A_216 = arith.constant 32 : i32
          %mul3A_217 = arith.muli %mul3A_216, %add3A_215 : i32
          %add3A_218 = arith.addi %add3A, %mul3A_217 : i32
          %mul3A_219 = arith.constant 80 : i32
          %mul3A_220 = arith.muli %add3A_218, %mul3A_219 : i32
          %multiple_of3A_221 = tpu.assume_multiple %mul3A_220, 8 : i32
          %dma_start3A_222 = tpu.memref_slice %arg2[%multiple_of3A_221] : memref<320000xi32, #tpu.memory_space<hbm>> -> memref<80xi32, #tpu.memory_space<hbm>>
          %dma_start3A_223 = tpu.memref_slice %arg2[%multiple_of3A_221] : memref<320000xi32, #tpu.memory_space<hbm>> -> memref<80xi32, #tpu.memory_space<hbm>>
          tpu.enqueue_dma source(%dma_start3A_223 : memref<80xi32, #tpu.memory_space<hbm>>) target(%arg12 : memref<80xi32, #tpu.memory_space<vmem>>) target_semaphore(%arg21 : memref<!tpu.dma_semaphore, #tpu.memory_space<semaphore_mem>>)
        } else {
        }
      } else {
      }
      %add3A_120 = arith.constant 3 : i32
      %add3A_121 = arith.addi %mul3A_71, %add3A_120 : i32
      %lt3A_122 = arith.constant 125 : i32
      %lt3A_123 = arith.cmpi slt, %add3A_121, %lt3A_122 : i32
      %convert_element_type3A_124 = arith.extui %lt3A_123 : i1 to i32
      %cond3A_125 = arith.constant 0 : i32
      %cond3A_126 = arith.cmpi ne, %convert_element_type3A_124, %cond3A_125 : i32
      scf.if %cond3A_126 {
        %dma_wait3A = arith.constant 0 : i32
        %dma_wait3A_205 = tpu.memref_slice %arg2[%dma_wait3A] : memref<320000xi32, #tpu.memory_space<hbm>> -> memref<80xi32, #tpu.memory_space<hbm>>
        %dma_wait3A_206 = arith.constant 0 : i32
        %dma_wait3A_207 = tpu.memref_slice %arg2[%dma_wait3A_206] : memref<320000xi32, #tpu.memory_space<hbm>> -> memref<80xi32, #tpu.memory_space<hbm>>
        tpu.wait_dma2 semaphore(%arg18 : memref<!tpu.dma_semaphore, #tpu.memory_space<semaphore_mem>>) src(%dma_wait3A_207 : memref<80xi32, #tpu.memory_space<hbm>>) dst(%arg9 : memref<80xi32, #tpu.memory_space<vmem>>)
        %dma_start3A_208 = arith.constant 0 : i32
        %dma_start3A_209 = arith.constant 0 : i32
        %dma_start3A_210 = tpu.memref_slice %arg31[%dma_start3A_208, %dma_start3A_209] : memref<10240x128xf32, #tpu.memory_space<vmem_shared>> -> memref<10240x128xf32, #tpu.memory_space<vmem_shared>>
        tpu.enqueue_indirect_dma source(%arg14 : memref<80x128xf32, #tpu.memory_space<vmem>>) target(%dma_start3A_210 : memref<10240x128xf32, #tpu.memory_space<vmem_shared>>) offsets(%arg9 : memref<80xi32, #tpu.memory_space<vmem>>) semaphore(%arg26 : memref<!tpu.dma_semaphore, #tpu.memory_space<semaphore_mem>>) {add = true}
      } else {
      }
      %ge3A_127 = arith.constant 4 : i32
      %ge3A_128 = arith.cmpi sge, %add3A_121, %ge3A_127 : i32
      %sub3A_129 = arith.constant 4 : i32
      %sub3A_130 = arith.subi %add3A_121, %sub3A_129 : i32
      %lt3A_131 = arith.constant 125 : i32
      %lt3A_132 = arith.cmpi slt, %sub3A_130, %lt3A_131 : i32
      %and3A_133 = arith.andi %ge3A_128, %lt3A_132 : i1
      %convert_element_type3A_134 = arith.extui %and3A_133 : i1 to i32
      %cond3A_135 = arith.constant 0 : i32
      %cond3A_136 = arith.cmpi ne, %convert_element_type3A_134, %cond3A_135 : i32
      scf.if %cond3A_136 {
        %dma_wait3A = arith.constant 0 : i32
        %dma_wait3A_205 = arith.constant 0 : i32
        %dma_wait3A_206 = tpu.memref_slice %arg31[%dma_wait3A, %dma_wait3A_205] : memref<10240x128xf32, #tpu.memory_space<vmem_shared>> -> memref<10240x128xf32, #tpu.memory_space<vmem_shared>>
        tpu.wait_indirect_dma semaphore(%arg30 : memref<!tpu.dma_semaphore, #tpu.memory_space<semaphore_mem>>) src(%arg14 : memref<80x128xf32, #tpu.memory_space<vmem>>) dst(%dma_wait3A_206 : memref<10240x128xf32, #tpu.memory_space<vmem_shared>>)
        %add3A_207 = arith.constant 4 : i32
        %add3A_208 = arith.addi %add3A_121, %add3A_207 : i32
        %lt3A_209 = arith.constant 125 : i32
        %lt3A_210 = arith.cmpi slt, %add3A_208, %lt3A_209 : i32
        %convert_element_type3A_211 = arith.extui %lt3A_210 : i1 to i32
        %cond3A_212 = arith.constant 0 : i32
        %cond3A_213 = arith.cmpi ne, %convert_element_type3A_211, %cond3A_212 : i32
        scf.if %cond3A_213 {
          %add3A_214 = arith.constant 4 : i32
          %add3A_215 = arith.addi %add3A_121, %add3A_214 : i32
          %mul3A_216 = arith.constant 32 : i32
          %mul3A_217 = arith.muli %mul3A_216, %add3A_215 : i32
          %add3A_218 = arith.addi %add3A, %mul3A_217 : i32
          %mul3A_219 = arith.constant 80 : i32
          %mul3A_220 = arith.muli %add3A_218, %mul3A_219 : i32
          %multiple_of3A_221 = tpu.assume_multiple %mul3A_220, 8 : i32
          %dma_start3A_222 = tpu.memref_slice %arg2[%multiple_of3A_221] : memref<320000xi32, #tpu.memory_space<hbm>> -> memref<80xi32, #tpu.memory_space<hbm>>
          %dma_start3A_223 = tpu.memref_slice %arg2[%multiple_of3A_221] : memref<320000xi32, #tpu.memory_space<hbm>> -> memref<80xi32, #tpu.memory_space<hbm>>
          tpu.enqueue_dma source(%dma_start3A_223 : memref<80xi32, #tpu.memory_space<hbm>>) target(%arg13 : memref<80xi32, #tpu.memory_space<vmem>>) target_semaphore(%arg22 : memref<!tpu.dma_semaphore, #tpu.memory_space<semaphore_mem>>)
        } else {
        }
      } else {
      }
      %add3A_137 = arith.constant 4 : i32
      %add3A_138 = arith.addi %mul3A_71, %add3A_137 : i32
      %lt3A_139 = arith.constant 125 : i32
      %lt3A_140 = arith.cmpi slt, %add3A_138, %lt3A_139 : i32
      %convert_element_type3A_141 = arith.extui %lt3A_140 : i1 to i32
      %cond3A_142 = arith.constant 0 : i32
      %cond3A_143 = arith.cmpi ne, %convert_element_type3A_141, %cond3A_142 : i32
      scf.if %cond3A_143 {
        %dma_wait3A = arith.constant 0 : i32
        %dma_wait3A_205 = tpu.memref_slice %arg2[%dma_wait3A] : memref<320000xi32, #tpu.memory_space<hbm>> -> memref<80xi32, #tpu.memory_space<hbm>>
        %dma_wait3A_206 = arith.constant 0 : i32
        %dma_wait3A_207 = tpu.memref_slice %arg2[%dma_wait3A_206] : memref<320000xi32, #tpu.memory_space<hbm>> -> memref<80xi32, #tpu.memory_space<hbm>>
        tpu.wait_dma2 semaphore(%arg19 : memref<!tpu.dma_semaphore, #tpu.memory_space<semaphore_mem>>) src(%dma_wait3A_207 : memref<80xi32, #tpu.memory_space<hbm>>) dst(%arg10 : memref<80xi32, #tpu.memory_space<vmem>>)
        %dma_start3A_208 = arith.constant 0 : i32
        %dma_start3A_209 = arith.constant 0 : i32
        %dma_start3A_210 = tpu.memref_slice %arg31[%dma_start3A_208, %dma_start3A_209] : memref<10240x128xf32, #tpu.memory_space<vmem_shared>> -> memref<10240x128xf32, #tpu.memory_space<vmem_shared>>
        tpu.enqueue_indirect_dma source(%arg14 : memref<80x128xf32, #tpu.memory_space<vmem>>) target(%dma_start3A_210 : memref<10240x128xf32, #tpu.memory_space<vmem_shared>>) offsets(%arg10 : memref<80xi32, #tpu.memory_space<vmem>>) semaphore(%arg27 : memref<!tpu.dma_semaphore, #tpu.memory_space<semaphore_mem>>) {add = true}
      } else {
      }
      %ge3A_144 = arith.constant 4 : i32
      %ge3A_145 = arith.cmpi sge, %add3A_138, %ge3A_144 : i32
      %sub3A_146 = arith.constant 4 : i32
      %sub3A_147 = arith.subi %add3A_138, %sub3A_146 : i32
      %lt3A_148 = arith.constant 125 : i32
      %lt3A_149 = arith.cmpi slt, %sub3A_147, %lt3A_148 : i32
      %and3A_150 = arith.andi %ge3A_145, %lt3A_149 : i1
      %convert_element_type3A_151 = arith.extui %and3A_150 : i1 to i32
      %cond3A_152 = arith.constant 0 : i32
      %cond3A_153 = arith.cmpi ne, %convert_element_type3A_151, %cond3A_152 : i32
      scf.if %cond3A_153 {
        %dma_wait3A = arith.constant 0 : i32
        %dma_wait3A_205 = arith.constant 0 : i32
        %dma_wait3A_206 = tpu.memref_slice %arg31[%dma_wait3A, %dma_wait3A_205] : memref<10240x128xf32, #tpu.memory_space<vmem_shared>> -> memref<10240x128xf32, #tpu.memory_space<vmem_shared>>
        tpu.wait_indirect_dma semaphore(%arg23 : memref<!tpu.dma_semaphore, #tpu.memory_space<semaphore_mem>>) src(%arg14 : memref<80x128xf32, #tpu.memory_space<vmem>>) dst(%dma_wait3A_206 : memref<10240x128xf32, #tpu.memory_space<vmem_shared>>)
        %add3A_207 = arith.constant 4 : i32
        %add3A_208 = arith.addi %add3A_138, %add3A_207 : i32
        %lt3A_209 = arith.constant 125 : i32
        %lt3A_210 = arith.cmpi slt, %add3A_208, %lt3A_209 : i32
        %convert_element_type3A_211 = arith.extui %lt3A_210 : i1 to i32
        %cond3A_212 = arith.constant 0 : i32
        %cond3A_213 = arith.cmpi ne, %convert_element_type3A_211, %cond3A_212 : i32
        scf.if %cond3A_213 {
          %add3A_214 = arith.constant 4 : i32
          %add3A_215 = arith.addi %add3A_138, %add3A_214 : i32
          %mul3A_216 = arith.constant 32 : i32
          %mul3A_217 = arith.muli %mul3A_216, %add3A_215 : i32
          %add3A_218 = arith.addi %add3A, %mul3A_217 : i32
          %mul3A_219 = arith.constant 80 : i32
          %mul3A_220 = arith.muli %add3A_218, %mul3A_219 : i32
          %multiple_of3A_221 = tpu.assume_multiple %mul3A_220, 8 : i32
          %dma_start3A_222 = tpu.memref_slice %arg2[%multiple_of3A_221] : memref<320000xi32, #tpu.memory_space<hbm>> -> memref<80xi32, #tpu.memory_space<hbm>>
          %dma_start3A_223 = tpu.memref_slice %arg2[%multiple_of3A_221] : memref<320000xi32, #tpu.memory_space<hbm>> -> memref<80xi32, #tpu.memory_space<hbm>>
          tpu.enqueue_dma source(%dma_start3A_223 : memref<80xi32, #tpu.memory_space<hbm>>) target(%arg6 : memref<80xi32, #tpu.memory_space<vmem>>) target_semaphore(%arg15 : memref<!tpu.dma_semaphore, #tpu.memory_space<semaphore_mem>>)
        } else {
        }
      } else {
      }
      %add3A_154 = arith.constant 5 : i32
      %add3A_155 = arith.addi %mul3A_71, %add3A_154 : i32
      %lt3A_156 = arith.constant 125 : i32
      %lt3A_157 = arith.cmpi slt, %add3A_155, %lt3A_156 : i32
      %convert_element_type3A_158 = arith.extui %lt3A_157 : i1 to i32
      %cond3A_159 = arith.constant 0 : i32
      %cond3A_160 = arith.cmpi ne, %convert_element_type3A_158, %cond3A_159 : i32
      scf.if %cond3A_160 {
        %dma_wait3A = arith.constant 0 : i32
        %dma_wait3A_205 = tpu.memref_slice %arg2[%dma_wait3A] : memref<320000xi32, #tpu.memory_space<hbm>> -> memref<80xi32, #tpu.memory_space<hbm>>
        %dma_wait3A_206 = arith.constant 0 : i32
        %dma_wait3A_207 = tpu.memref_slice %arg2[%dma_wait3A_206] : memref<320000xi32, #tpu.memory_space<hbm>> -> memref<80xi32, #tpu.memory_space<hbm>>
        tpu.wait_dma2 semaphore(%arg20 : memref<!tpu.dma_semaphore, #tpu.memory_space<semaphore_mem>>) src(%dma_wait3A_207 : memref<80xi32, #tpu.memory_space<hbm>>) dst(%arg11 : memref<80xi32, #tpu.memory_space<vmem>>)
        %dma_start3A_208 = arith.constant 0 : i32
        %dma_start3A_209 = arith.constant 0 : i32
        %dma_start3A_210 = tpu.memref_slice %arg31[%dma_start3A_208, %dma_start3A_209] : memref<10240x128xf32, #tpu.memory_space<vmem_shared>> -> memref<10240x128xf32, #tpu.memory_space<vmem_shared>>
        tpu.enqueue_indirect_dma source(%arg14 : memref<80x128xf32, #tpu.memory_space<vmem>>) target(%dma_start3A_210 : memref<10240x128xf32, #tpu.memory_space<vmem_shared>>) offsets(%arg11 : memref<80xi32, #tpu.memory_space<vmem>>) semaphore(%arg28 : memref<!tpu.dma_semaphore, #tpu.memory_space<semaphore_mem>>) {add = true}
      } else {
      }
      %ge3A_161 = arith.constant 4 : i32
      %ge3A_162 = arith.cmpi sge, %add3A_155, %ge3A_161 : i32
      %sub3A_163 = arith.constant 4 : i32
      %sub3A_164 = arith.subi %add3A_155, %sub3A_163 : i32
      %lt3A_165 = arith.constant 125 : i32
      %lt3A_166 = arith.cmpi slt, %sub3A_164, %lt3A_165 : i32
      %and3A_167 = arith.andi %ge3A_162, %lt3A_166 : i1
      %convert_element_type3A_168 = arith.extui %and3A_167 : i1 to i32
      %cond3A_169 = arith.constant 0 : i32
      %cond3A_170 = arith.cmpi ne, %convert_element_type3A_168, %cond3A_169 : i32
      scf.if %cond3A_170 {
        %dma_wait3A = arith.constant 0 : i32
        %dma_wait3A_205 = arith.constant 0 : i32
        %dma_wait3A_206 = tpu.memref_slice %arg31[%dma_wait3A, %dma_wait3A_205] : memref<10240x128xf32, #tpu.memory_space<vmem_shared>> -> memref<10240x128xf32, #tpu.memory_space<vmem_shared>>
        tpu.wait_indirect_dma semaphore(%arg24 : memref<!tpu.dma_semaphore, #tpu.memory_space<semaphore_mem>>) src(%arg14 : memref<80x128xf32, #tpu.memory_space<vmem>>) dst(%dma_wait3A_206 : memref<10240x128xf32, #tpu.memory_space<vmem_shared>>)
        %add3A_207 = arith.constant 4 : i32
        %add3A_208 = arith.addi %add3A_155, %add3A_207 : i32
        %lt3A_209 = arith.constant 125 : i32
        %lt3A_210 = arith.cmpi slt, %add3A_208, %lt3A_209 : i32
        %convert_element_type3A_211 = arith.extui %lt3A_210 : i1 to i32
        %cond3A_212 = arith.constant 0 : i32
        %cond3A_213 = arith.cmpi ne, %convert_element_type3A_211, %cond3A_212 : i32
        scf.if %cond3A_213 {
          %add3A_214 = arith.constant 4 : i32
          %add3A_215 = arith.addi %add3A_155, %add3A_214 : i32
          %mul3A_216 = arith.constant 32 : i32
          %mul3A_217 = arith.muli %mul3A_216, %add3A_215 : i32
          %add3A_218 = arith.addi %add3A, %mul3A_217 : i32
          %mul3A_219 = arith.constant 80 : i32
          %mul3A_220 = arith.muli %add3A_218, %mul3A_219 : i32
          %multiple_of3A_221 = tpu.assume_multiple %mul3A_220, 8 : i32
          %dma_start3A_222 = tpu.memref_slice %arg2[%multiple_of3A_221] : memref<320000xi32, #tpu.memory_space<hbm>> -> memref<80xi32, #tpu.memory_space<hbm>>
          %dma_start3A_223 = tpu.memref_slice %arg2[%multiple_of3A_221] : memref<320000xi32, #tpu.memory_space<hbm>> -> memref<80xi32, #tpu.memory_space<hbm>>
          tpu.enqueue_dma source(%dma_start3A_223 : memref<80xi32, #tpu.memory_space<hbm>>) target(%arg7 : memref<80xi32, #tpu.memory_space<vmem>>) target_semaphore(%arg16 : memref<!tpu.dma_semaphore, #tpu.memory_space<semaphore_mem>>)
        } else {
        }
      } else {
      }
      %add3A_171 = arith.constant 6 : i32
      %add3A_172 = arith.addi %mul3A_71, %add3A_171 : i32
      %lt3A_173 = arith.constant 125 : i32
      %lt3A_174 = arith.cmpi slt, %add3A_172, %lt3A_173 : i32
      %convert_element_type3A_175 = arith.extui %lt3A_174 : i1 to i32
      %cond3A_176 = arith.constant 0 : i32
      %cond3A_177 = arith.cmpi ne, %convert_element_type3A_175, %cond3A_176 : i32
      scf.if %cond3A_177 {
        %dma_wait3A = arith.constant 0 : i32
        %dma_wait3A_205 = tpu.memref_slice %arg2[%dma_wait3A] : memref<320000xi32, #tpu.memory_space<hbm>> -> memref<80xi32, #tpu.memory_space<hbm>>
        %dma_wait3A_206 = arith.constant 0 : i32
        %dma_wait3A_207 = tpu.memref_slice %arg2[%dma_wait3A_206] : memref<320000xi32, #tpu.memory_space<hbm>> -> memref<80xi32, #tpu.memory_space<hbm>>
        tpu.wait_dma2 semaphore(%arg21 : memref<!tpu.dma_semaphore, #tpu.memory_space<semaphore_mem>>) src(%dma_wait3A_207 : memref<80xi32, #tpu.memory_space<hbm>>) dst(%arg12 : memref<80xi32, #tpu.memory_space<vmem>>)
        %dma_start3A_208 = arith.constant 0 : i32
        %dma_start3A_209 = arith.constant 0 : i32
        %dma_start3A_210 = tpu.memref_slice %arg31[%dma_start3A_208, %dma_start3A_209] : memref<10240x128xf32, #tpu.memory_space<vmem_shared>> -> memref<10240x128xf32, #tpu.memory_space<vmem_shared>>
        tpu.enqueue_indirect_dma source(%arg14 : memref<80x128xf32, #tpu.memory_space<vmem>>) target(%dma_start3A_210 : memref<10240x128xf32, #tpu.memory_space<vmem_shared>>) offsets(%arg12 : memref<80xi32, #tpu.memory_space<vmem>>) semaphore(%arg29 : memref<!tpu.dma_semaphore, #tpu.memory_space<semaphore_mem>>) {add = true}
      } else {
      }
      %ge3A_178 = arith.constant 4 : i32
      %ge3A_179 = arith.cmpi sge, %add3A_172, %ge3A_178 : i32
      %sub3A_180 = arith.constant 4 : i32
      %sub3A_181 = arith.subi %add3A_172, %sub3A_180 : i32
      %lt3A_182 = arith.constant 125 : i32
      %lt3A_183 = arith.cmpi slt, %sub3A_181, %lt3A_182 : i32
      %and3A_184 = arith.andi %ge3A_179, %lt3A_183 : i1
      %convert_element_type3A_185 = arith.extui %and3A_184 : i1 to i32
      %cond3A_186 = arith.constant 0 : i32
      %cond3A_187 = arith.cmpi ne, %convert_element_type3A_185, %cond3A_186 : i32
      scf.if %cond3A_187 {
        %dma_wait3A = arith.constant 0 : i32
        %dma_wait3A_205 = arith.constant 0 : i32
        %dma_wait3A_206 = tpu.memref_slice %arg31[%dma_wait3A, %dma_wait3A_205] : memref<10240x128xf32, #tpu.memory_space<vmem_shared>> -> memref<10240x128xf32, #tpu.memory_space<vmem_shared>>
        tpu.wait_indirect_dma semaphore(%arg25 : memref<!tpu.dma_semaphore, #tpu.memory_space<semaphore_mem>>) src(%arg14 : memref<80x128xf32, #tpu.memory_space<vmem>>) dst(%dma_wait3A_206 : memref<10240x128xf32, #tpu.memory_space<vmem_shared>>)
        %add3A_207 = arith.constant 4 : i32
        %add3A_208 = arith.addi %add3A_172, %add3A_207 : i32
        %lt3A_209 = arith.constant 125 : i32
        %lt3A_210 = arith.cmpi slt, %add3A_208, %lt3A_209 : i32
        %convert_element_type3A_211 = arith.extui %lt3A_210 : i1 to i32
        %cond3A_212 = arith.constant 0 : i32
        %cond3A_213 = arith.cmpi ne, %convert_element_type3A_211, %cond3A_212 : i32
        scf.if %cond3A_213 {
          %add3A_214 = arith.constant 4 : i32
          %add3A_215 = arith.addi %add3A_172, %add3A_214 : i32
          %mul3A_216 = arith.constant 32 : i32
          %mul3A_217 = arith.muli %mul3A_216, %add3A_215 : i32
          %add3A_218 = arith.addi %add3A, %mul3A_217 : i32
          %mul3A_219 = arith.constant 80 : i32
          %mul3A_220 = arith.muli %add3A_218, %mul3A_219 : i32
          %multiple_of3A_221 = tpu.assume_multiple %mul3A_220, 8 : i32
          %dma_start3A_222 = tpu.memref_slice %arg2[%multiple_of3A_221] : memref<320000xi32, #tpu.memory_space<hbm>> -> memref<80xi32, #tpu.memory_space<hbm>>
          %dma_start3A_223 = tpu.memref_slice %arg2[%multiple_of3A_221] : memref<320000xi32, #tpu.memory_space<hbm>> -> memref<80xi32, #tpu.memory_space<hbm>>
          tpu.enqueue_dma source(%dma_start3A_223 : memref<80xi32, #tpu.memory_space<hbm>>) target(%arg8 : memref<80xi32, #tpu.memory_space<vmem>>) target_semaphore(%arg17 : memref<!tpu.dma_semaphore, #tpu.memory_space<semaphore_mem>>)
        } else {
        }
      } else {
      }
      %add3A_188 = arith.constant 7 : i32
      %add3A_189 = arith.addi %mul3A_71, %add3A_188 : i32
      %lt3A_190 = arith.constant 125 : i32
      %lt3A_191 = arith.cmpi slt, %add3A_189, %lt3A_190 : i32
      %convert_element_type3A_192 = arith.extui %lt3A_191 : i1 to i32
      %cond3A_193 = arith.constant 0 : i32
      %cond3A_194 = arith.cmpi ne, %convert_element_type3A_192, %cond3A_193 : i32
      scf.if %cond3A_194 {
        %dma_wait3A = arith.constant 0 : i32
        %dma_wait3A_205 = tpu.memref_slice %arg2[%dma_wait3A] : memref<320000xi32, #tpu.memory_space<hbm>> -> memref<80xi32, #tpu.memory_space<hbm>>
        %dma_wait3A_206 = arith.constant 0 : i32
        %dma_wait3A_207 = tpu.memref_slice %arg2[%dma_wait3A_206] : memref<320000xi32, #tpu.memory_space<hbm>> -> memref<80xi32, #tpu.memory_space<hbm>>
        tpu.wait_dma2 semaphore(%arg22 : memref<!tpu.dma_semaphore, #tpu.memory_space<semaphore_mem>>) src(%dma_wait3A_207 : memref<80xi32, #tpu.memory_space<hbm>>) dst(%arg13 : memref<80xi32, #tpu.memory_space<vmem>>)
        %dma_start3A_208 = arith.constant 0 : i32
        %dma_start3A_209 = arith.constant 0 : i32
        %dma_start3A_210 = tpu.memref_slice %arg31[%dma_start3A_208, %dma_start3A_209] : memref<10240x128xf32, #tpu.memory_space<vmem_shared>> -> memref<10240x128xf32, #tpu.memory_space<vmem_shared>>
        tpu.enqueue_indirect_dma source(%arg14 : memref<80x128xf32, #tpu.memory_space<vmem>>) target(%dma_start3A_210 : memref<10240x128xf32, #tpu.memory_space<vmem_shared>>) offsets(%arg13 : memref<80xi32, #tpu.memory_space<vmem>>) semaphore(%arg30 : memref<!tpu.dma_semaphore, #tpu.memory_space<semaphore_mem>>) {add = true}
      } else {
      }
      %ge3A_195 = arith.constant 4 : i32
      %ge3A_196 = arith.cmpi sge, %add3A_189, %ge3A_195 : i32
      %sub3A_197 = arith.constant 4 : i32
      %sub3A_198 = arith.subi %add3A_189, %sub3A_197 : i32
      %lt3A_199 = arith.constant 125 : i32
      %lt3A_200 = arith.cmpi slt, %sub3A_198, %lt3A_199 : i32
      %and3A_201 = arith.andi %ge3A_196, %lt3A_200 : i1
      %convert_element_type3A_202 = arith.extui %and3A_201 : i1 to i32
      %cond3A_203 = arith.constant 0 : i32
      %cond3A_204 = arith.cmpi ne, %convert_element_type3A_202, %cond3A_203 : i32
      scf.if %cond3A_204 {
        %dma_wait3A = arith.constant 0 : i32
        %dma_wait3A_205 = arith.constant 0 : i32
        %dma_wait3A_206 = tpu.memref_slice %arg31[%dma_wait3A, %dma_wait3A_205] : memref<10240x128xf32, #tpu.memory_space<vmem_shared>> -> memref<10240x128xf32, #tpu.memory_space<vmem_shared>>
        tpu.wait_indirect_dma semaphore(%arg26 : memref<!tpu.dma_semaphore, #tpu.memory_space<semaphore_mem>>) src(%arg14 : memref<80x128xf32, #tpu.memory_space<vmem>>) dst(%dma_wait3A_206 : memref<10240x128xf32, #tpu.memory_space<vmem_shared>>)
        %add3A_207 = arith.constant 4 : i32
        %add3A_208 = arith.addi %add3A_189, %add3A_207 : i32
        %lt3A_209 = arith.constant 125 : i32
        %lt3A_210 = arith.cmpi slt, %add3A_208, %lt3A_209 : i32
        %convert_element_type3A_211 = arith.extui %lt3A_210 : i1 to i32
        %cond3A_212 = arith.constant 0 : i32
        %cond3A_213 = arith.cmpi ne, %convert_element_type3A_211, %cond3A_212 : i32
        scf.if %cond3A_213 {
          %add3A_214 = arith.constant 4 : i32
          %add3A_215 = arith.addi %add3A_189, %add3A_214 : i32
          %mul3A_216 = arith.constant 32 : i32
          %mul3A_217 = arith.muli %mul3A_216, %add3A_215 : i32
          %add3A_218 = arith.addi %add3A, %mul3A_217 : i32
          %mul3A_219 = arith.constant 80 : i32
          %mul3A_220 = arith.muli %add3A_218, %mul3A_219 : i32
          %multiple_of3A_221 = tpu.assume_multiple %mul3A_220, 8 : i32
          %dma_start3A_222 = tpu.memref_slice %arg2[%multiple_of3A_221] : memref<320000xi32, #tpu.memory_space<hbm>> -> memref<80xi32, #tpu.memory_space<hbm>>
          %dma_start3A_223 = tpu.memref_slice %arg2[%multiple_of3A_221] : memref<320000xi32, #tpu.memory_space<hbm>> -> memref<80xi32, #tpu.memory_space<hbm>>
          tpu.enqueue_dma source(%dma_start3A_223 : memref<80xi32, #tpu.memory_space<hbm>>) target(%arg9 : memref<80xi32, #tpu.memory_space<vmem>>) target_semaphore(%arg18 : memref<!tpu.dma_semaphore, #tpu.memory_space<semaphore_mem>>)
        } else {
        }
      } else {
      }
    }
    %scan3A_61 = arith.constant 17 : i32
    %lt3A = arith.constant 0 : i32
    %lt3A_62 = arith.cmpi slt, %add3A, %lt3A : i32
    %convert_element_type3A = arith.extui %lt3A_62 : i1 to i32
    %cond3A = arith.constant 0 : i32
    %cond3A_63 = arith.cmpi ne, %convert_element_type3A, %cond3A : i32
    scf.if %cond3A_63 {
      %add3A_69 = arith.constant 4000 : i32
      %add3A_70 = arith.addi %add3A_69, %add3A : i32
      %mul3A_71 = arith.constant 80 : i32
      %mul3A_72 = arith.muli %add3A_70, %mul3A_71 : i32
      %multiple_of3A_73 = tpu.assume_multiple %mul3A_72, 8 : i32
      "tpu.region"() ({
        %run_scoped3A = tpu.sem_alloc : memref<!tpu.dma_semaphore, #tpu.memory_space<semaphore_mem>>
        %dma_start3A_74 = tpu.memref_slice %arg2[%multiple_of3A_73] : memref<320000xi32, #tpu.memory_space<hbm>> -> memref<80xi32, #tpu.memory_space<hbm>>
        %dma_start3A_75 = tpu.memref_slice %arg2[%multiple_of3A_73] : memref<320000xi32, #tpu.memory_space<hbm>> -> memref<80xi32, #tpu.memory_space<hbm>>
        tpu.enqueue_dma source(%dma_start3A_75 : memref<80xi32, #tpu.memory_space<hbm>>) target(%arg6 : memref<80xi32, #tpu.memory_space<vmem>>) target_semaphore(%run_scoped3A : memref<!tpu.dma_semaphore, #tpu.memory_space<semaphore_mem>>)
        %dma_wait3A = tpu.memref_slice %arg2[%multiple_of3A_73] : memref<320000xi32, #tpu.memory_space<hbm>> -> memref<80xi32, #tpu.memory_space<hbm>>
        %dma_wait3A_76 = tpu.memref_slice %arg2[%multiple_of3A_73] : memref<320000xi32, #tpu.memory_space<hbm>> -> memref<80xi32, #tpu.memory_space<hbm>>
        tpu.wait_dma2 semaphore(%run_scoped3A : memref<!tpu.dma_semaphore, #tpu.memory_space<semaphore_mem>>) src(%dma_wait3A_76 : memref<80xi32, #tpu.memory_space<hbm>>) dst(%arg6 : memref<80xi32, #tpu.memory_space<vmem>>)
        tpu.yield
      }) : () -> ()
      "tpu.region"() ({
        %run_scoped3A = tpu.sem_alloc : memref<!tpu.dma_semaphore, #tpu.memory_space<semaphore_mem>>
        %dma_start3A_74 = arith.constant 0 : i32
        %dma_start3A_75 = arith.constant 0 : i32
        %dma_start3A_76 = tpu.memref_slice %arg31[%dma_start3A_74, %dma_start3A_75] : memref<10240x128xf32, #tpu.memory_space<vmem_shared>> -> memref<10240x128xf32, #tpu.memory_space<vmem_shared>>
        tpu.enqueue_indirect_dma source(%arg14 : memref<80x128xf32, #tpu.memory_space<vmem>>) target(%dma_start3A_76 : memref<10240x128xf32, #tpu.memory_space<vmem_shared>>) offsets(%arg6 : memref<80xi32, #tpu.memory_space<vmem>>) semaphore(%run_scoped3A : memref<!tpu.dma_semaphore, #tpu.memory_space<semaphore_mem>>) {add = true}
        %dma_wait3A = arith.constant 0 : i32
        %dma_wait3A_77 = arith.constant 0 : i32
        %dma_wait3A_78 = tpu.memref_slice %arg31[%dma_wait3A, %dma_wait3A_77] : memref<10240x128xf32, #tpu.memory_space<vmem_shared>> -> memref<10240x128xf32, #tpu.memory_space<vmem_shared>>
        tpu.wait_indirect_dma semaphore(%run_scoped3A : memref<!tpu.dma_semaphore, #tpu.memory_space<semaphore_mem>>) src(%arg14 : memref<80x128xf32, #tpu.memory_space<vmem>>) dst(%dma_wait3A_78 : memref<10240x128xf32, #tpu.memory_space<vmem_shared>>)
        tpu.yield
      }) : () -> ()
    } else {
    }
    %barrier3A_64 = arith.constant 0 : index
    tpu.barrier barrier_id(%barrier3A_64)
    %mul3A_65 = arith.constant 640 : i32
    %mul3A_66 = arith.muli %arg1, %mul3A_65 : i32
    %mul3A_67 = arith.constant 640 : i32
    %mul3A_68 = arith.muli %arg1, %mul3A_67 : i32
    "tpu.region"() ({
      %run_scoped3A = tpu.sem_alloc : memref<!tpu.dma_semaphore, #tpu.memory_space<semaphore_mem>>
      %dma_start3A_69 = arith.constant 0 : i32
      %dma_start3A_70 = tpu.memref_slice %arg5[%arg0, %mul3A_68, %dma_start3A_69] : memref<2x10240x128xf32, #tpu.memory_space<hbm>> -> memref<1x640x128xf32, #tpu.memory_space<hbm>>
      %dma_start3A_71 = tpu.memref_squeeze %dma_start3A_70 : memref<1x640x128xf32, #tpu.memory_space<hbm>> -> memref<640x128xf32, #tpu.memory_space<hbm>>
      %dma_start3A_72 = arith.constant 0 : i32
      %dma_start3A_73 = tpu.memref_slice %arg31[%mul3A_66, %dma_start3A_72] : memref<10240x128xf32, #tpu.memory_space<vmem_shared>> -> memref<640x128xf32, #tpu.memory_space<vmem_shared>>
      tpu.enqueue_dma source(%dma_start3A_73 : memref<640x128xf32, #tpu.memory_space<vmem_shared>>) target(%dma_start3A_71 : memref<640x128xf32, #tpu.memory_space<hbm>>) target_semaphore(%run_scoped3A : memref<!tpu.dma_semaphore, #tpu.memory_space<semaphore_mem>>)
      %dma_wait3A = arith.constant 0 : i32
      %dma_wait3A_74 = tpu.memref_slice %arg5[%arg0, %mul3A_68, %dma_wait3A] : memref<2x10240x128xf32, #tpu.memory_space<hbm>> -> memref<1x640x128xf32, #tpu.memory_space<hbm>>
      %dma_wait3A_75 = tpu.memref_squeeze %dma_wait3A_74 : memref<1x640x128xf32, #tpu.memory_space<hbm>> -> memref<640x128xf32, #tpu.memory_space<hbm>>
      %dma_wait3A_76 = arith.constant 0 : i32
      %dma_wait3A_77 = tpu.memref_slice %arg31[%mul3A_66, %dma_wait3A_76] : memref<10240x128xf32, #tpu.memory_space<vmem_shared>> -> memref<640x128xf32, #tpu.memory_space<vmem_shared>>
      tpu.wait_dma2 semaphore(%run_scoped3A : memref<!tpu.dma_semaphore, #tpu.memory_space<semaphore_mem>>) src(%dma_wait3A_77 : memref<640x128xf32, #tpu.memory_space<vmem_shared>>) dst(%dma_wait3A_75 : memref<640x128xf32, #tpu.memory_space<hbm>>)
      tpu.yield
    }) : () -> ()
    return
  }
}

#map = affine_map<(d0, d1) -> (0, 0, 0)>
#map1 = affine_map<(d0, d1) -> (0)>
#map2 = affine_map<(d0, d1) -> (0, 0)>
module attributes {stable_mosaic.version = 14 : i64} {
  func.func @_msg_body(%arg0: i32, %arg1: i32, %arg2: memref<2x10240x128xf32, #tpu.memory_space<hbm>>, %arg3: memref<320000xi32, #tpu.memory_space<hbm>>, %arg4: memref<320000xi32, #tpu.memory_space<hbm>>, %arg5: memref<640x128xf32, #tpu.memory_space<hbm>>, %arg6: memref<2x10240x128xf32, #tpu.memory_space<hbm>>, %arg7: memref<80xi32, #tpu.memory_space<vmem>>, %arg8: memref<80xi32, #tpu.memory_space<vmem>>, %arg9: memref<80xi32, #tpu.memory_space<vmem>>, %arg10: memref<80xi32, #tpu.memory_space<vmem>>, %arg11: memref<80xi32, #tpu.memory_space<vmem>>, %arg12: memref<80xi32, #tpu.memory_space<vmem>>, %arg13: memref<80xi32, #tpu.memory_space<vmem>>, %arg14: memref<80xi32, #tpu.memory_space<vmem>>, %arg15: memref<80xi32, #tpu.memory_space<vmem>>, %arg16: memref<80xi32, #tpu.memory_space<vmem>>, %arg17: memref<80xi32, #tpu.memory_space<vmem>>, %arg18: memref<80xi32, #tpu.memory_space<vmem>>, %arg19: memref<80x128xf32, #tpu.memory_space<vmem>>, %arg20: memref<80x128xf32, #tpu.memory_space<vmem>>, %arg21: memref<80x128xf32, #tpu.memory_space<vmem>>, %arg22: memref<!tpu.dma_semaphore, #tpu.memory_space<semaphore_mem>>, %arg23: memref<!tpu.dma_semaphore, #tpu.memory_space<semaphore_mem>>, %arg24: memref<!tpu.dma_semaphore, #tpu.memory_space<semaphore_mem>>, %arg25: memref<!tpu.dma_semaphore, #tpu.memory_space<semaphore_mem>>, %arg26: memref<!tpu.dma_semaphore, #tpu.memory_space<semaphore_mem>>, %arg27: memref<!tpu.dma_semaphore, #tpu.memory_space<semaphore_mem>>, %arg28: memref<!tpu.dma_semaphore, #tpu.memory_space<semaphore_mem>>, %arg29: memref<!tpu.dma_semaphore, #tpu.memory_space<semaphore_mem>>, %arg30: memref<!tpu.dma_semaphore, #tpu.memory_space<semaphore_mem>>, %arg31: memref<!tpu.dma_semaphore, #tpu.memory_space<semaphore_mem>>, %arg32: memref<!tpu.dma_semaphore, #tpu.memory_space<semaphore_mem>>, %arg33: memref<!tpu.dma_semaphore, #tpu.memory_space<semaphore_mem>>, %arg34: memref<10240x128xf32, #tpu.memory_space<vmem_shared>>) attributes {dimension_semantics = [#tpu.dimension_semantics<core_parallel>, #tpu.dimension_semantics<subcore_parallel>], iteration_bounds = array<i64: 2, 16>, scalar_prefetch = 0 : i64, scratch_operands = 28 : i64, tpu.core_type = #tpu.core_type<sc_vector_subcore>, window_params = [{transform_indices = #map}, {transform_indices = #map1}, {transform_indices = #map1}, {transform_indices = #map2}, {transform_indices = #map}]} {
    %mul3A = arith.constant 640 : i32
    %mul3A_0 = arith.muli %arg1, %mul3A : i32
    "tpu.region"() ({
      %run_scoped3A = tpu.sem_alloc : memref<!tpu.dma_semaphore, #tpu.memory_space<semaphore_mem>>
      %dma_start3A_93 = arith.constant 0 : i32
      %dma_start3A_94 = tpu.memref_slice %arg34[%mul3A_0, %dma_start3A_93] : memref<10240x128xf32, #tpu.memory_space<vmem_shared>> -> memref<640x128xf32, #tpu.memory_space<vmem_shared>>
      tpu.enqueue_dma source(%arg5 : memref<640x128xf32, #tpu.memory_space<hbm>>) target(%dma_start3A_94 : memref<640x128xf32, #tpu.memory_space<vmem_shared>>) target_semaphore(%run_scoped3A : memref<!tpu.dma_semaphore, #tpu.memory_space<semaphore_mem>>)
      %dma_wait3A_95 = arith.constant 0 : i32
      %dma_wait3A_96 = tpu.memref_slice %arg34[%mul3A_0, %dma_wait3A_95] : memref<10240x128xf32, #tpu.memory_space<vmem_shared>> -> memref<640x128xf32, #tpu.memory_space<vmem_shared>>
      tpu.wait_dma2 semaphore(%run_scoped3A : memref<!tpu.dma_semaphore, #tpu.memory_space<semaphore_mem>>) src(%arg5 : memref<640x128xf32, #tpu.memory_space<hbm>>) dst(%dma_wait3A_96 : memref<640x128xf32, #tpu.memory_space<vmem_shared>>)
      tpu.yield
    }) : () -> ()
    %barrier3A = arith.constant 0 : index
    tpu.barrier barrier_id(%barrier3A)
    %add3A = arith.constant 0 : i32
    %add3A_1 = arith.addi %arg1, %add3A : i32
    %mul3A_2 = arith.constant 80 : i32
    %mul3A_3 = arith.muli %add3A_1, %mul3A_2 : i32
    %multiple_of3A = tpu.assume_multiple %mul3A_3, 8 : i32
    %dma_start3A = tpu.memref_slice %arg3[%multiple_of3A] : memref<320000xi32, #tpu.memory_space<hbm>> -> memref<80xi32, #tpu.memory_space<hbm>>
    %dma_start3A_4 = tpu.memref_slice %arg3[%multiple_of3A] : memref<320000xi32, #tpu.memory_space<hbm>> -> memref<80xi32, #tpu.memory_space<hbm>>
    tpu.enqueue_dma source(%dma_start3A_4 : memref<80xi32, #tpu.memory_space<hbm>>) target(%arg7 : memref<80xi32, #tpu.memory_space<vmem>>) target_semaphore(%arg22 : memref<!tpu.dma_semaphore, #tpu.memory_space<semaphore_mem>>)
    %dma_start3A_5 = tpu.memref_slice %arg4[%multiple_of3A] : memref<320000xi32, #tpu.memory_space<hbm>> -> memref<80xi32, #tpu.memory_space<hbm>>
    %dma_start3A_6 = tpu.memref_slice %arg4[%multiple_of3A] : memref<320000xi32, #tpu.memory_space<hbm>> -> memref<80xi32, #tpu.memory_space<hbm>>
    tpu.enqueue_dma source(%dma_start3A_6 : memref<80xi32, #tpu.memory_space<hbm>>) target(%arg8 : memref<80xi32, #tpu.memory_space<vmem>>) target_semaphore(%arg22 : memref<!tpu.dma_semaphore, #tpu.memory_space<semaphore_mem>>)
    %add3A_7 = arith.constant 16 : i32
    %add3A_8 = arith.addi %arg1, %add3A_7 : i32
    %mul3A_9 = arith.constant 80 : i32
    %mul3A_10 = arith.muli %add3A_8, %mul3A_9 : i32
    %multiple_of3A_11 = tpu.assume_multiple %mul3A_10, 8 : i32
    %dma_start3A_12 = tpu.memref_slice %arg3[%multiple_of3A_11] : memref<320000xi32, #tpu.memory_space<hbm>> -> memref<80xi32, #tpu.memory_space<hbm>>
    %dma_start3A_13 = tpu.memref_slice %arg3[%multiple_of3A_11] : memref<320000xi32, #tpu.memory_space<hbm>> -> memref<80xi32, #tpu.memory_space<hbm>>
    tpu.enqueue_dma source(%dma_start3A_13 : memref<80xi32, #tpu.memory_space<hbm>>) target(%arg9 : memref<80xi32, #tpu.memory_space<vmem>>) target_semaphore(%arg23 : memref<!tpu.dma_semaphore, #tpu.memory_space<semaphore_mem>>)
    %dma_start3A_14 = tpu.memref_slice %arg4[%multiple_of3A_11] : memref<320000xi32, #tpu.memory_space<hbm>> -> memref<80xi32, #tpu.memory_space<hbm>>
    %dma_start3A_15 = tpu.memref_slice %arg4[%multiple_of3A_11] : memref<320000xi32, #tpu.memory_space<hbm>> -> memref<80xi32, #tpu.memory_space<hbm>>
    tpu.enqueue_dma source(%dma_start3A_15 : memref<80xi32, #tpu.memory_space<hbm>>) target(%arg10 : memref<80xi32, #tpu.memory_space<vmem>>) target_semaphore(%arg23 : memref<!tpu.dma_semaphore, #tpu.memory_space<semaphore_mem>>)
    %add3A_16 = arith.constant 32 : i32
    %add3A_17 = arith.addi %arg1, %add3A_16 : i32
    %mul3A_18 = arith.constant 80 : i32
    %mul3A_19 = arith.muli %add3A_17, %mul3A_18 : i32
    %multiple_of3A_20 = tpu.assume_multiple %mul3A_19, 8 : i32
    %dma_start3A_21 = tpu.memref_slice %arg3[%multiple_of3A_20] : memref<320000xi32, #tpu.memory_space<hbm>> -> memref<80xi32, #tpu.memory_space<hbm>>
    %dma_start3A_22 = tpu.memref_slice %arg3[%multiple_of3A_20] : memref<320000xi32, #tpu.memory_space<hbm>> -> memref<80xi32, #tpu.memory_space<hbm>>
    tpu.enqueue_dma source(%dma_start3A_22 : memref<80xi32, #tpu.memory_space<hbm>>) target(%arg11 : memref<80xi32, #tpu.memory_space<vmem>>) target_semaphore(%arg24 : memref<!tpu.dma_semaphore, #tpu.memory_space<semaphore_mem>>)
    %dma_start3A_23 = tpu.memref_slice %arg4[%multiple_of3A_20] : memref<320000xi32, #tpu.memory_space<hbm>> -> memref<80xi32, #tpu.memory_space<hbm>>
    %dma_start3A_24 = tpu.memref_slice %arg4[%multiple_of3A_20] : memref<320000xi32, #tpu.memory_space<hbm>> -> memref<80xi32, #tpu.memory_space<hbm>>
    tpu.enqueue_dma source(%dma_start3A_24 : memref<80xi32, #tpu.memory_space<hbm>>) target(%arg12 : memref<80xi32, #tpu.memory_space<vmem>>) target_semaphore(%arg24 : memref<!tpu.dma_semaphore, #tpu.memory_space<semaphore_mem>>)
    %add3A_25 = arith.constant 48 : i32
    %add3A_26 = arith.addi %arg1, %add3A_25 : i32
    %mul3A_27 = arith.constant 80 : i32
    %mul3A_28 = arith.muli %add3A_26, %mul3A_27 : i32
    %multiple_of3A_29 = tpu.assume_multiple %mul3A_28, 8 : i32
    %dma_start3A_30 = tpu.memref_slice %arg3[%multiple_of3A_29] : memref<320000xi32, #tpu.memory_space<hbm>> -> memref<80xi32, #tpu.memory_space<hbm>>
    %dma_start3A_31 = tpu.memref_slice %arg3[%multiple_of3A_29] : memref<320000xi32, #tpu.memory_space<hbm>> -> memref<80xi32, #tpu.memory_space<hbm>>
    tpu.enqueue_dma source(%dma_start3A_31 : memref<80xi32, #tpu.memory_space<hbm>>) target(%arg13 : memref<80xi32, #tpu.memory_space<vmem>>) target_semaphore(%arg25 : memref<!tpu.dma_semaphore, #tpu.memory_space<semaphore_mem>>)
    %dma_start3A_32 = tpu.memref_slice %arg4[%multiple_of3A_29] : memref<320000xi32, #tpu.memory_space<hbm>> -> memref<80xi32, #tpu.memory_space<hbm>>
    %dma_start3A_33 = tpu.memref_slice %arg4[%multiple_of3A_29] : memref<320000xi32, #tpu.memory_space<hbm>> -> memref<80xi32, #tpu.memory_space<hbm>>
    tpu.enqueue_dma source(%dma_start3A_33 : memref<80xi32, #tpu.memory_space<hbm>>) target(%arg14 : memref<80xi32, #tpu.memory_space<vmem>>) target_semaphore(%arg25 : memref<!tpu.dma_semaphore, #tpu.memory_space<semaphore_mem>>)
    %add3A_34 = arith.constant 64 : i32
    %add3A_35 = arith.addi %arg1, %add3A_34 : i32
    %mul3A_36 = arith.constant 80 : i32
    %mul3A_37 = arith.muli %add3A_35, %mul3A_36 : i32
    %multiple_of3A_38 = tpu.assume_multiple %mul3A_37, 8 : i32
    %dma_start3A_39 = tpu.memref_slice %arg3[%multiple_of3A_38] : memref<320000xi32, #tpu.memory_space<hbm>> -> memref<80xi32, #tpu.memory_space<hbm>>
    %dma_start3A_40 = tpu.memref_slice %arg3[%multiple_of3A_38] : memref<320000xi32, #tpu.memory_space<hbm>> -> memref<80xi32, #tpu.memory_space<hbm>>
    tpu.enqueue_dma source(%dma_start3A_40 : memref<80xi32, #tpu.memory_space<hbm>>) target(%arg15 : memref<80xi32, #tpu.memory_space<vmem>>) target_semaphore(%arg26 : memref<!tpu.dma_semaphore, #tpu.memory_space<semaphore_mem>>)
    %dma_start3A_41 = tpu.memref_slice %arg4[%multiple_of3A_38] : memref<320000xi32, #tpu.memory_space<hbm>> -> memref<80xi32, #tpu.memory_space<hbm>>
    %dma_start3A_42 = tpu.memref_slice %arg4[%multiple_of3A_38] : memref<320000xi32, #tpu.memory_space<hbm>> -> memref<80xi32, #tpu.memory_space<hbm>>
    tpu.enqueue_dma source(%dma_start3A_42 : memref<80xi32, #tpu.memory_space<hbm>>) target(%arg16 : memref<80xi32, #tpu.memory_space<vmem>>) target_semaphore(%arg26 : memref<!tpu.dma_semaphore, #tpu.memory_space<semaphore_mem>>)
    %add3A_43 = arith.constant 80 : i32
    %add3A_44 = arith.addi %arg1, %add3A_43 : i32
    %mul3A_45 = arith.constant 80 : i32
    %mul3A_46 = arith.muli %add3A_44, %mul3A_45 : i32
    %multiple_of3A_47 = tpu.assume_multiple %mul3A_46, 8 : i32
    %dma_start3A_48 = tpu.memref_slice %arg3[%multiple_of3A_47] : memref<320000xi32, #tpu.memory_space<hbm>> -> memref<80xi32, #tpu.memory_space<hbm>>
    %dma_start3A_49 = tpu.memref_slice %arg3[%multiple_of3A_47] : memref<320000xi32, #tpu.memory_space<hbm>> -> memref<80xi32, #tpu.memory_space<hbm>>
    tpu.enqueue_dma source(%dma_start3A_49 : memref<80xi32, #tpu.memory_space<hbm>>) target(%arg17 : memref<80xi32, #tpu.memory_space<vmem>>) target_semaphore(%arg27 : memref<!tpu.dma_semaphore, #tpu.memory_space<semaphore_mem>>)
    %dma_start3A_50 = tpu.memref_slice %arg4[%multiple_of3A_47] : memref<320000xi32, #tpu.memory_space<hbm>> -> memref<80xi32, #tpu.memory_space<hbm>>
    %dma_start3A_51 = tpu.memref_slice %arg4[%multiple_of3A_47] : memref<320000xi32, #tpu.memory_space<hbm>> -> memref<80xi32, #tpu.memory_space<hbm>>
    tpu.enqueue_dma source(%dma_start3A_51 : memref<80xi32, #tpu.memory_space<hbm>>) target(%arg18 : memref<80xi32, #tpu.memory_space<vmem>>) target_semaphore(%arg27 : memref<!tpu.dma_semaphore, #tpu.memory_space<semaphore_mem>>)
    %dma_wait3A = arith.constant 0 : i32
    %dma_wait3A_52 = tpu.memref_slice %arg3[%dma_wait3A] : memref<320000xi32, #tpu.memory_space<hbm>> -> memref<80xi32, #tpu.memory_space<hbm>>
    %dma_wait3A_53 = arith.constant 0 : i32
    %dma_wait3A_54 = tpu.memref_slice %arg3[%dma_wait3A_53] : memref<320000xi32, #tpu.memory_space<hbm>> -> memref<80xi32, #tpu.memory_space<hbm>>
    tpu.wait_dma2 semaphore(%arg22 : memref<!tpu.dma_semaphore, #tpu.memory_space<semaphore_mem>>) src(%dma_wait3A_54 : memref<80xi32, #tpu.memory_space<hbm>>) dst(%arg7 : memref<80xi32, #tpu.memory_space<vmem>>)
    %dma_wait3A_55 = arith.constant 0 : i32
    %dma_wait3A_56 = tpu.memref_slice %arg4[%dma_wait3A_55] : memref<320000xi32, #tpu.memory_space<hbm>> -> memref<80xi32, #tpu.memory_space<hbm>>
    %dma_wait3A_57 = arith.constant 0 : i32
    %dma_wait3A_58 = tpu.memref_slice %arg4[%dma_wait3A_57] : memref<320000xi32, #tpu.memory_space<hbm>> -> memref<80xi32, #tpu.memory_space<hbm>>
    tpu.wait_dma2 semaphore(%arg22 : memref<!tpu.dma_semaphore, #tpu.memory_space<semaphore_mem>>) src(%dma_wait3A_58 : memref<80xi32, #tpu.memory_space<hbm>>) dst(%arg8 : memref<80xi32, #tpu.memory_space<vmem>>)
    %dma_start3A_59 = arith.constant 0 : i32
    %dma_start3A_60 = arith.constant 0 : i32
    %dma_start3A_61 = tpu.memref_slice %arg2[%arg0, %dma_start3A_59, %dma_start3A_60] : memref<2x10240x128xf32, #tpu.memory_space<hbm>> -> memref<1x10240x128xf32, #tpu.memory_space<hbm>>
    %dma_start3A_62 = tpu.memref_squeeze %dma_start3A_61 : memref<1x10240x128xf32, #tpu.memory_space<hbm>> -> memref<10240x128xf32, #tpu.memory_space<hbm>>
    %dma_start3A_63 = arith.constant 0 : i32
    %dma_start3A_64 = arith.constant 0 : i32
    %dma_start3A_65 = tpu.memref_slice %dma_start3A_62[%dma_start3A_63, %dma_start3A_64] : memref<10240x128xf32, #tpu.memory_space<hbm>> -> memref<10240x128xf32, #tpu.memory_space<hbm>>
    tpu.enqueue_indirect_dma source(%dma_start3A_65 : memref<10240x128xf32, #tpu.memory_space<hbm>>) target(%arg19 : memref<80x128xf32, #tpu.memory_space<vmem>>) offsets(%arg7 : memref<80xi32, #tpu.memory_space<vmem>>) semaphore(%arg28 : memref<!tpu.dma_semaphore, #tpu.memory_space<semaphore_mem>>)
    %dma_wait3A_66 = arith.constant 0 : i32
    %dma_wait3A_67 = tpu.memref_slice %arg3[%dma_wait3A_66] : memref<320000xi32, #tpu.memory_space<hbm>> -> memref<80xi32, #tpu.memory_space<hbm>>
    %dma_wait3A_68 = arith.constant 0 : i32
    %dma_wait3A_69 = tpu.memref_slice %arg3[%dma_wait3A_68] : memref<320000xi32, #tpu.memory_space<hbm>> -> memref<80xi32, #tpu.memory_space<hbm>>
    tpu.wait_dma2 semaphore(%arg23 : memref<!tpu.dma_semaphore, #tpu.memory_space<semaphore_mem>>) src(%dma_wait3A_69 : memref<80xi32, #tpu.memory_space<hbm>>) dst(%arg9 : memref<80xi32, #tpu.memory_space<vmem>>)
    %dma_wait3A_70 = arith.constant 0 : i32
    %dma_wait3A_71 = tpu.memref_slice %arg4[%dma_wait3A_70] : memref<320000xi32, #tpu.memory_space<hbm>> -> memref<80xi32, #tpu.memory_space<hbm>>
    %dma_wait3A_72 = arith.constant 0 : i32
    %dma_wait3A_73 = tpu.memref_slice %arg4[%dma_wait3A_72] : memref<320000xi32, #tpu.memory_space<hbm>> -> memref<80xi32, #tpu.memory_space<hbm>>
    tpu.wait_dma2 semaphore(%arg23 : memref<!tpu.dma_semaphore, #tpu.memory_space<semaphore_mem>>) src(%dma_wait3A_73 : memref<80xi32, #tpu.memory_space<hbm>>) dst(%arg10 : memref<80xi32, #tpu.memory_space<vmem>>)
    %dma_start3A_74 = arith.constant 0 : i32
    %dma_start3A_75 = arith.constant 0 : i32
    %dma_start3A_76 = tpu.memref_slice %arg2[%arg0, %dma_start3A_74, %dma_start3A_75] : memref<2x10240x128xf32, #tpu.memory_space<hbm>> -> memref<1x10240x128xf32, #tpu.memory_space<hbm>>
    %dma_start3A_77 = tpu.memref_squeeze %dma_start3A_76 : memref<1x10240x128xf32, #tpu.memory_space<hbm>> -> memref<10240x128xf32, #tpu.memory_space<hbm>>
    %dma_start3A_78 = arith.constant 0 : i32
    %dma_start3A_79 = arith.constant 0 : i32
    %dma_start3A_80 = tpu.memref_slice %dma_start3A_77[%dma_start3A_78, %dma_start3A_79] : memref<10240x128xf32, #tpu.memory_space<hbm>> -> memref<10240x128xf32, #tpu.memory_space<hbm>>
    tpu.enqueue_indirect_dma source(%dma_start3A_80 : memref<10240x128xf32, #tpu.memory_space<hbm>>) target(%arg20 : memref<80x128xf32, #tpu.memory_space<vmem>>) offsets(%arg9 : memref<80xi32, #tpu.memory_space<vmem>>) semaphore(%arg29 : memref<!tpu.dma_semaphore, #tpu.memory_space<semaphore_mem>>)
    %scan3A = arith.constant 0 : i32
    %scan3A_81 = arith.constant 0 : i32
    %scan3A_82 = arith.constant 42 : i32
    %scan3A_83 = arith.addi %scan3A_81, %scan3A_82 : i32
    %scan3A_84 = arith.constant 1 : i32
    scf.for %scan3A_93 = %scan3A_81 to %scan3A_83 step %scan3A_84  : i32 {
      %mul3A_94 = arith.constant 6 : i32
      %mul3A_95 = arith.muli %mul3A_94, %scan3A_93 : i32
      %add3A_96 = arith.constant 0 : i32
      %add3A_97 = arith.addi %mul3A_95, %add3A_96 : i32
      %lt3A_98 = arith.constant 250 : i32
      %lt3A_99 = arith.cmpi slt, %add3A_97, %lt3A_98 : i32
      %convert_element_type3A_100 = arith.extui %lt3A_99 : i1 to i32
      %cond3A_101 = arith.constant 0 : i32
      %cond3A_102 = arith.cmpi ne, %convert_element_type3A_100, %cond3A_101 : i32
      scf.if %cond3A_102 {
        %dma_wait3A_237 = arith.constant 0 : i32
        %dma_wait3A_238 = arith.constant 0 : i32
        %dma_wait3A_239 = tpu.memref_slice %arg2[%arg0, %dma_wait3A_237, %dma_wait3A_238] : memref<2x10240x128xf32, #tpu.memory_space<hbm>> -> memref<1x10240x128xf32, #tpu.memory_space<hbm>>
        %dma_wait3A_240 = tpu.memref_squeeze %dma_wait3A_239 : memref<1x10240x128xf32, #tpu.memory_space<hbm>> -> memref<10240x128xf32, #tpu.memory_space<hbm>>
        %dma_wait3A_241 = arith.constant 0 : i32
        %dma_wait3A_242 = arith.constant 0 : i32
        %dma_wait3A_243 = tpu.memref_slice %dma_wait3A_240[%dma_wait3A_241, %dma_wait3A_242] : memref<10240x128xf32, #tpu.memory_space<hbm>> -> memref<10240x128xf32, #tpu.memory_space<hbm>>
        tpu.wait_indirect_dma semaphore(%arg28 : memref<!tpu.dma_semaphore, #tpu.memory_space<semaphore_mem>>) src(%dma_wait3A_243 : memref<10240x128xf32, #tpu.memory_space<hbm>>) dst(%arg19 : memref<80x128xf32, #tpu.memory_space<vmem>>)
        %dma_start3A_244 = arith.constant 0 : i32
        %dma_start3A_245 = arith.constant 0 : i32
        %dma_start3A_246 = tpu.memref_slice %arg34[%dma_start3A_244, %dma_start3A_245] : memref<10240x128xf32, #tpu.memory_space<vmem_shared>> -> memref<10240x128xf32, #tpu.memory_space<vmem_shared>>
        tpu.enqueue_indirect_dma source(%arg19 : memref<80x128xf32, #tpu.memory_space<vmem>>) target(%dma_start3A_246 : memref<10240x128xf32, #tpu.memory_space<vmem_shared>>) offsets(%arg8 : memref<80xi32, #tpu.memory_space<vmem>>) semaphore(%arg31 : memref<!tpu.dma_semaphore, #tpu.memory_space<semaphore_mem>>) {add = true}
      } else {
      }
      %ge3A = arith.constant 1 : i32
      %ge3A_103 = arith.cmpi sge, %add3A_97, %ge3A : i32
      %sub3A = arith.constant 1 : i32
      %sub3A_104 = arith.subi %add3A_97, %sub3A : i32
      %lt3A_105 = arith.constant 250 : i32
      %lt3A_106 = arith.cmpi slt, %sub3A_104, %lt3A_105 : i32
      %and3A = arith.andi %ge3A_103, %lt3A_106 : i1
      %convert_element_type3A_107 = arith.extui %and3A : i1 to i32
      %cond3A_108 = arith.constant 0 : i32
      %cond3A_109 = arith.cmpi ne, %convert_element_type3A_107, %cond3A_108 : i32
      scf.if %cond3A_109 {
        %dma_wait3A_237 = arith.constant 0 : i32
        %dma_wait3A_238 = arith.constant 0 : i32
        %dma_wait3A_239 = tpu.memref_slice %arg34[%dma_wait3A_237, %dma_wait3A_238] : memref<10240x128xf32, #tpu.memory_space<vmem_shared>> -> memref<10240x128xf32, #tpu.memory_space<vmem_shared>>
        tpu.wait_indirect_dma semaphore(%arg33 : memref<!tpu.dma_semaphore, #tpu.memory_space<semaphore_mem>>) src(%arg21 : memref<80x128xf32, #tpu.memory_space<vmem>>) dst(%dma_wait3A_239 : memref<10240x128xf32, #tpu.memory_space<vmem_shared>>)
        %add3A_240 = arith.constant 5 : i32
        %add3A_241 = arith.addi %add3A_97, %add3A_240 : i32
        %lt3A_242 = arith.constant 250 : i32
        %lt3A_243 = arith.cmpi slt, %add3A_241, %lt3A_242 : i32
        %convert_element_type3A_244 = arith.extui %lt3A_243 : i1 to i32
        %cond3A_245 = arith.constant 0 : i32
        %cond3A_246 = arith.cmpi ne, %convert_element_type3A_244, %cond3A_245 : i32
        scf.if %cond3A_246 {
          %add3A_247 = arith.constant 5 : i32
          %add3A_248 = arith.addi %add3A_97, %add3A_247 : i32
          %mul3A_249 = arith.constant 16 : i32
          %mul3A_250 = arith.muli %mul3A_249, %add3A_248 : i32
          %add3A_251 = arith.addi %arg1, %mul3A_250 : i32
          %mul3A_252 = arith.constant 80 : i32
          %mul3A_253 = arith.muli %add3A_251, %mul3A_252 : i32
          %multiple_of3A_254 = tpu.assume_multiple %mul3A_253, 8 : i32
          %dma_start3A_255 = tpu.memref_slice %arg3[%multiple_of3A_254] : memref<320000xi32, #tpu.memory_space<hbm>> -> memref<80xi32, #tpu.memory_space<hbm>>
          %dma_start3A_256 = tpu.memref_slice %arg3[%multiple_of3A_254] : memref<320000xi32, #tpu.memory_space<hbm>> -> memref<80xi32, #tpu.memory_space<hbm>>
          tpu.enqueue_dma source(%dma_start3A_256 : memref<80xi32, #tpu.memory_space<hbm>>) target(%arg17 : memref<80xi32, #tpu.memory_space<vmem>>) target_semaphore(%arg27 : memref<!tpu.dma_semaphore, #tpu.memory_space<semaphore_mem>>)
          %dma_start3A_257 = tpu.memref_slice %arg4[%multiple_of3A_254] : memref<320000xi32, #tpu.memory_space<hbm>> -> memref<80xi32, #tpu.memory_space<hbm>>
          %dma_start3A_258 = tpu.memref_slice %arg4[%multiple_of3A_254] : memref<320000xi32, #tpu.memory_space<hbm>> -> memref<80xi32, #tpu.memory_space<hbm>>
          tpu.enqueue_dma source(%dma_start3A_258 : memref<80xi32, #tpu.memory_space<hbm>>) target(%arg18 : memref<80xi32, #tpu.memory_space<vmem>>) target_semaphore(%arg27 : memref<!tpu.dma_semaphore, #tpu.memory_space<semaphore_mem>>)
        } else {
        }
      } else {
      }
      %add3A_110 = arith.constant 2 : i32
      %add3A_111 = arith.addi %add3A_97, %add3A_110 : i32
      %lt3A_112 = arith.constant 250 : i32
      %lt3A_113 = arith.cmpi slt, %add3A_111, %lt3A_112 : i32
      %convert_element_type3A_114 = arith.extui %lt3A_113 : i1 to i32
      %cond3A_115 = arith.constant 0 : i32
      %cond3A_116 = arith.cmpi ne, %convert_element_type3A_114, %cond3A_115 : i32
      scf.if %cond3A_116 {
        %dma_wait3A_237 = arith.constant 0 : i32
        %dma_wait3A_238 = tpu.memref_slice %arg3[%dma_wait3A_237] : memref<320000xi32, #tpu.memory_space<hbm>> -> memref<80xi32, #tpu.memory_space<hbm>>
        %dma_wait3A_239 = arith.constant 0 : i32
        %dma_wait3A_240 = tpu.memref_slice %arg3[%dma_wait3A_239] : memref<320000xi32, #tpu.memory_space<hbm>> -> memref<80xi32, #tpu.memory_space<hbm>>
        tpu.wait_dma2 semaphore(%arg24 : memref<!tpu.dma_semaphore, #tpu.memory_space<semaphore_mem>>) src(%dma_wait3A_240 : memref<80xi32, #tpu.memory_space<hbm>>) dst(%arg11 : memref<80xi32, #tpu.memory_space<vmem>>)
        %dma_wait3A_241 = arith.constant 0 : i32
        %dma_wait3A_242 = tpu.memref_slice %arg4[%dma_wait3A_241] : memref<320000xi32, #tpu.memory_space<hbm>> -> memref<80xi32, #tpu.memory_space<hbm>>
        %dma_wait3A_243 = arith.constant 0 : i32
        %dma_wait3A_244 = tpu.memref_slice %arg4[%dma_wait3A_243] : memref<320000xi32, #tpu.memory_space<hbm>> -> memref<80xi32, #tpu.memory_space<hbm>>
        tpu.wait_dma2 semaphore(%arg24 : memref<!tpu.dma_semaphore, #tpu.memory_space<semaphore_mem>>) src(%dma_wait3A_244 : memref<80xi32, #tpu.memory_space<hbm>>) dst(%arg12 : memref<80xi32, #tpu.memory_space<vmem>>)
        %dma_start3A_245 = arith.constant 0 : i32
        %dma_start3A_246 = arith.constant 0 : i32
        %dma_start3A_247 = tpu.memref_slice %arg2[%arg0, %dma_start3A_245, %dma_start3A_246] : memref<2x10240x128xf32, #tpu.memory_space<hbm>> -> memref<1x10240x128xf32, #tpu.memory_space<hbm>>
        %dma_start3A_248 = tpu.memref_squeeze %dma_start3A_247 : memref<1x10240x128xf32, #tpu.memory_space<hbm>> -> memref<10240x128xf32, #tpu.memory_space<hbm>>
        %dma_start3A_249 = arith.constant 0 : i32
        %dma_start3A_250 = arith.constant 0 : i32
        %dma_start3A_251 = tpu.memref_slice %dma_start3A_248[%dma_start3A_249, %dma_start3A_250] : memref<10240x128xf32, #tpu.memory_space<hbm>> -> memref<10240x128xf32, #tpu.memory_space<hbm>>
        tpu.enqueue_indirect_dma source(%dma_start3A_251 : memref<10240x128xf32, #tpu.memory_space<hbm>>) target(%arg21 : memref<80x128xf32, #tpu.memory_space<vmem>>) offsets(%arg11 : memref<80xi32, #tpu.memory_space<vmem>>) semaphore(%arg30 : memref<!tpu.dma_semaphore, #tpu.memory_space<semaphore_mem>>)
      } else {
      }
      %add3A_117 = arith.constant 1 : i32
      %add3A_118 = arith.addi %mul3A_95, %add3A_117 : i32
      %lt3A_119 = arith.constant 250 : i32
      %lt3A_120 = arith.cmpi slt, %add3A_118, %lt3A_119 : i32
      %convert_element_type3A_121 = arith.extui %lt3A_120 : i1 to i32
      %cond3A_122 = arith.constant 0 : i32
      %cond3A_123 = arith.cmpi ne, %convert_element_type3A_121, %cond3A_122 : i32
      scf.if %cond3A_123 {
        %dma_wait3A_237 = arith.constant 0 : i32
        %dma_wait3A_238 = arith.constant 0 : i32
        %dma_wait3A_239 = tpu.memref_slice %arg2[%arg0, %dma_wait3A_237, %dma_wait3A_238] : memref<2x10240x128xf32, #tpu.memory_space<hbm>> -> memref<1x10240x128xf32, #tpu.memory_space<hbm>>
        %dma_wait3A_240 = tpu.memref_squeeze %dma_wait3A_239 : memref<1x10240x128xf32, #tpu.memory_space<hbm>> -> memref<10240x128xf32, #tpu.memory_space<hbm>>
        %dma_wait3A_241 = arith.constant 0 : i32
        %dma_wait3A_242 = arith.constant 0 : i32
        %dma_wait3A_243 = tpu.memref_slice %dma_wait3A_240[%dma_wait3A_241, %dma_wait3A_242] : memref<10240x128xf32, #tpu.memory_space<hbm>> -> memref<10240x128xf32, #tpu.memory_space<hbm>>
        tpu.wait_indirect_dma semaphore(%arg29 : memref<!tpu.dma_semaphore, #tpu.memory_space<semaphore_mem>>) src(%dma_wait3A_243 : memref<10240x128xf32, #tpu.memory_space<hbm>>) dst(%arg20 : memref<80x128xf32, #tpu.memory_space<vmem>>)
        %dma_start3A_244 = arith.constant 0 : i32
        %dma_start3A_245 = arith.constant 0 : i32
        %dma_start3A_246 = tpu.memref_slice %arg34[%dma_start3A_244, %dma_start3A_245] : memref<10240x128xf32, #tpu.memory_space<vmem_shared>> -> memref<10240x128xf32, #tpu.memory_space<vmem_shared>>
        tpu.enqueue_indirect_dma source(%arg20 : memref<80x128xf32, #tpu.memory_space<vmem>>) target(%dma_start3A_246 : memref<10240x128xf32, #tpu.memory_space<vmem_shared>>) offsets(%arg10 : memref<80xi32, #tpu.memory_space<vmem>>) semaphore(%arg32 : memref<!tpu.dma_semaphore, #tpu.memory_space<semaphore_mem>>) {add = true}
      } else {
      }
      %ge3A_124 = arith.constant 1 : i32
      %ge3A_125 = arith.cmpi sge, %add3A_118, %ge3A_124 : i32
      %sub3A_126 = arith.constant 1 : i32
      %sub3A_127 = arith.subi %add3A_118, %sub3A_126 : i32
      %lt3A_128 = arith.constant 250 : i32
      %lt3A_129 = arith.cmpi slt, %sub3A_127, %lt3A_128 : i32
      %and3A_130 = arith.andi %ge3A_125, %lt3A_129 : i1
      %convert_element_type3A_131 = arith.extui %and3A_130 : i1 to i32
      %cond3A_132 = arith.constant 0 : i32
      %cond3A_133 = arith.cmpi ne, %convert_element_type3A_131, %cond3A_132 : i32
      scf.if %cond3A_133 {
        %dma_wait3A_237 = arith.constant 0 : i32
        %dma_wait3A_238 = arith.constant 0 : i32
        %dma_wait3A_239 = tpu.memref_slice %arg34[%dma_wait3A_237, %dma_wait3A_238] : memref<10240x128xf32, #tpu.memory_space<vmem_shared>> -> memref<10240x128xf32, #tpu.memory_space<vmem_shared>>
        tpu.wait_indirect_dma semaphore(%arg31 : memref<!tpu.dma_semaphore, #tpu.memory_space<semaphore_mem>>) src(%arg19 : memref<80x128xf32, #tpu.memory_space<vmem>>) dst(%dma_wait3A_239 : memref<10240x128xf32, #tpu.memory_space<vmem_shared>>)
        %add3A_240 = arith.constant 5 : i32
        %add3A_241 = arith.addi %add3A_118, %add3A_240 : i32
        %lt3A_242 = arith.constant 250 : i32
        %lt3A_243 = arith.cmpi slt, %add3A_241, %lt3A_242 : i32
        %convert_element_type3A_244 = arith.extui %lt3A_243 : i1 to i32
        %cond3A_245 = arith.constant 0 : i32
        %cond3A_246 = arith.cmpi ne, %convert_element_type3A_244, %cond3A_245 : i32
        scf.if %cond3A_246 {
          %add3A_247 = arith.constant 5 : i32
          %add3A_248 = arith.addi %add3A_118, %add3A_247 : i32
          %mul3A_249 = arith.constant 16 : i32
          %mul3A_250 = arith.muli %mul3A_249, %add3A_248 : i32
          %add3A_251 = arith.addi %arg1, %mul3A_250 : i32
          %mul3A_252 = arith.constant 80 : i32
          %mul3A_253 = arith.muli %add3A_251, %mul3A_252 : i32
          %multiple_of3A_254 = tpu.assume_multiple %mul3A_253, 8 : i32
          %dma_start3A_255 = tpu.memref_slice %arg3[%multiple_of3A_254] : memref<320000xi32, #tpu.memory_space<hbm>> -> memref<80xi32, #tpu.memory_space<hbm>>
          %dma_start3A_256 = tpu.memref_slice %arg3[%multiple_of3A_254] : memref<320000xi32, #tpu.memory_space<hbm>> -> memref<80xi32, #tpu.memory_space<hbm>>
          tpu.enqueue_dma source(%dma_start3A_256 : memref<80xi32, #tpu.memory_space<hbm>>) target(%arg7 : memref<80xi32, #tpu.memory_space<vmem>>) target_semaphore(%arg22 : memref<!tpu.dma_semaphore, #tpu.memory_space<semaphore_mem>>)
          %dma_start3A_257 = tpu.memref_slice %arg4[%multiple_of3A_254] : memref<320000xi32, #tpu.memory_space<hbm>> -> memref<80xi32, #tpu.memory_space<hbm>>
          %dma_start3A_258 = tpu.memref_slice %arg4[%multiple_of3A_254] : memref<320000xi32, #tpu.memory_space<hbm>> -> memref<80xi32, #tpu.memory_space<hbm>>
          tpu.enqueue_dma source(%dma_start3A_258 : memref<80xi32, #tpu.memory_space<hbm>>) target(%arg8 : memref<80xi32, #tpu.memory_space<vmem>>) target_semaphore(%arg22 : memref<!tpu.dma_semaphore, #tpu.memory_space<semaphore_mem>>)
        } else {
        }
      } else {
      }
      %add3A_134 = arith.constant 2 : i32
      %add3A_135 = arith.addi %add3A_118, %add3A_134 : i32
      %lt3A_136 = arith.constant 250 : i32
      %lt3A_137 = arith.cmpi slt, %add3A_135, %lt3A_136 : i32
      %convert_element_type3A_138 = arith.extui %lt3A_137 : i1 to i32
      %cond3A_139 = arith.constant 0 : i32
      %cond3A_140 = arith.cmpi ne, %convert_element_type3A_138, %cond3A_139 : i32
      scf.if %cond3A_140 {
        %dma_wait3A_237 = arith.constant 0 : i32
        %dma_wait3A_238 = tpu.memref_slice %arg3[%dma_wait3A_237] : memref<320000xi32, #tpu.memory_space<hbm>> -> memref<80xi32, #tpu.memory_space<hbm>>
        %dma_wait3A_239 = arith.constant 0 : i32
        %dma_wait3A_240 = tpu.memref_slice %arg3[%dma_wait3A_239] : memref<320000xi32, #tpu.memory_space<hbm>> -> memref<80xi32, #tpu.memory_space<hbm>>
        tpu.wait_dma2 semaphore(%arg25 : memref<!tpu.dma_semaphore, #tpu.memory_space<semaphore_mem>>) src(%dma_wait3A_240 : memref<80xi32, #tpu.memory_space<hbm>>) dst(%arg13 : memref<80xi32, #tpu.memory_space<vmem>>)
        %dma_wait3A_241 = arith.constant 0 : i32
        %dma_wait3A_242 = tpu.memref_slice %arg4[%dma_wait3A_241] : memref<320000xi32, #tpu.memory_space<hbm>> -> memref<80xi32, #tpu.memory_space<hbm>>
        %dma_wait3A_243 = arith.constant 0 : i32
        %dma_wait3A_244 = tpu.memref_slice %arg4[%dma_wait3A_243] : memref<320000xi32, #tpu.memory_space<hbm>> -> memref<80xi32, #tpu.memory_space<hbm>>
        tpu.wait_dma2 semaphore(%arg25 : memref<!tpu.dma_semaphore, #tpu.memory_space<semaphore_mem>>) src(%dma_wait3A_244 : memref<80xi32, #tpu.memory_space<hbm>>) dst(%arg14 : memref<80xi32, #tpu.memory_space<vmem>>)
        %dma_start3A_245 = arith.constant 0 : i32
        %dma_start3A_246 = arith.constant 0 : i32
        %dma_start3A_247 = tpu.memref_slice %arg2[%arg0, %dma_start3A_245, %dma_start3A_246] : memref<2x10240x128xf32, #tpu.memory_space<hbm>> -> memref<1x10240x128xf32, #tpu.memory_space<hbm>>
        %dma_start3A_248 = tpu.memref_squeeze %dma_start3A_247 : memref<1x10240x128xf32, #tpu.memory_space<hbm>> -> memref<10240x128xf32, #tpu.memory_space<hbm>>
        %dma_start3A_249 = arith.constant 0 : i32
        %dma_start3A_250 = arith.constant 0 : i32
        %dma_start3A_251 = tpu.memref_slice %dma_start3A_248[%dma_start3A_249, %dma_start3A_250] : memref<10240x128xf32, #tpu.memory_space<hbm>> -> memref<10240x128xf32, #tpu.memory_space<hbm>>
        tpu.enqueue_indirect_dma source(%dma_start3A_251 : memref<10240x128xf32, #tpu.memory_space<hbm>>) target(%arg19 : memref<80x128xf32, #tpu.memory_space<vmem>>) offsets(%arg13 : memref<80xi32, #tpu.memory_space<vmem>>) semaphore(%arg28 : memref<!tpu.dma_semaphore, #tpu.memory_space<semaphore_mem>>)
      } else {
      }
      %add3A_141 = arith.constant 2 : i32
      %add3A_142 = arith.addi %mul3A_95, %add3A_141 : i32
      %lt3A_143 = arith.constant 250 : i32
      %lt3A_144 = arith.cmpi slt, %add3A_142, %lt3A_143 : i32
      %convert_element_type3A_145 = arith.extui %lt3A_144 : i1 to i32
      %cond3A_146 = arith.constant 0 : i32
      %cond3A_147 = arith.cmpi ne, %convert_element_type3A_145, %cond3A_146 : i32
      scf.if %cond3A_147 {
        %dma_wait3A_237 = arith.constant 0 : i32
        %dma_wait3A_238 = arith.constant 0 : i32
        %dma_wait3A_239 = tpu.memref_slice %arg2[%arg0, %dma_wait3A_237, %dma_wait3A_238] : memref<2x10240x128xf32, #tpu.memory_space<hbm>> -> memref<1x10240x128xf32, #tpu.memory_space<hbm>>
        %dma_wait3A_240 = tpu.memref_squeeze %dma_wait3A_239 : memref<1x10240x128xf32, #tpu.memory_space<hbm>> -> memref<10240x128xf32, #tpu.memory_space<hbm>>
        %dma_wait3A_241 = arith.constant 0 : i32
        %dma_wait3A_242 = arith.constant 0 : i32
        %dma_wait3A_243 = tpu.memref_slice %dma_wait3A_240[%dma_wait3A_241, %dma_wait3A_242] : memref<10240x128xf32, #tpu.memory_space<hbm>> -> memref<10240x128xf32, #tpu.memory_space<hbm>>
        tpu.wait_indirect_dma semaphore(%arg30 : memref<!tpu.dma_semaphore, #tpu.memory_space<semaphore_mem>>) src(%dma_wait3A_243 : memref<10240x128xf32, #tpu.memory_space<hbm>>) dst(%arg21 : memref<80x128xf32, #tpu.memory_space<vmem>>)
        %dma_start3A_244 = arith.constant 0 : i32
        %dma_start3A_245 = arith.constant 0 : i32
        %dma_start3A_246 = tpu.memref_slice %arg34[%dma_start3A_244, %dma_start3A_245] : memref<10240x128xf32, #tpu.memory_space<vmem_shared>> -> memref<10240x128xf32, #tpu.memory_space<vmem_shared>>
        tpu.enqueue_indirect_dma source(%arg21 : memref<80x128xf32, #tpu.memory_space<vmem>>) target(%dma_start3A_246 : memref<10240x128xf32, #tpu.memory_space<vmem_shared>>) offsets(%arg12 : memref<80xi32, #tpu.memory_space<vmem>>) semaphore(%arg33 : memref<!tpu.dma_semaphore, #tpu.memory_space<semaphore_mem>>) {add = true}
      } else {
      }
      %ge3A_148 = arith.constant 1 : i32
      %ge3A_149 = arith.cmpi sge, %add3A_142, %ge3A_148 : i32
      %sub3A_150 = arith.constant 1 : i32
      %sub3A_151 = arith.subi %add3A_142, %sub3A_150 : i32
      %lt3A_152 = arith.constant 250 : i32
      %lt3A_153 = arith.cmpi slt, %sub3A_151, %lt3A_152 : i32
      %and3A_154 = arith.andi %ge3A_149, %lt3A_153 : i1
      %convert_element_type3A_155 = arith.extui %and3A_154 : i1 to i32
      %cond3A_156 = arith.constant 0 : i32
      %cond3A_157 = arith.cmpi ne, %convert_element_type3A_155, %cond3A_156 : i32
      scf.if %cond3A_157 {
        %dma_wait3A_237 = arith.constant 0 : i32
        %dma_wait3A_238 = arith.constant 0 : i32
        %dma_wait3A_239 = tpu.memref_slice %arg34[%dma_wait3A_237, %dma_wait3A_238] : memref<10240x128xf32, #tpu.memory_space<vmem_shared>> -> memref<10240x128xf32, #tpu.memory_space<vmem_shared>>
        tpu.wait_indirect_dma semaphore(%arg32 : memref<!tpu.dma_semaphore, #tpu.memory_space<semaphore_mem>>) src(%arg20 : memref<80x128xf32, #tpu.memory_space<vmem>>) dst(%dma_wait3A_239 : memref<10240x128xf32, #tpu.memory_space<vmem_shared>>)
        %add3A_240 = arith.constant 5 : i32
        %add3A_241 = arith.addi %add3A_142, %add3A_240 : i32
        %lt3A_242 = arith.constant 250 : i32
        %lt3A_243 = arith.cmpi slt, %add3A_241, %lt3A_242 : i32
        %convert_element_type3A_244 = arith.extui %lt3A_243 : i1 to i32
        %cond3A_245 = arith.constant 0 : i32
        %cond3A_246 = arith.cmpi ne, %convert_element_type3A_244, %cond3A_245 : i32
        scf.if %cond3A_246 {
          %add3A_247 = arith.constant 5 : i32
          %add3A_248 = arith.addi %add3A_142, %add3A_247 : i32
          %mul3A_249 = arith.constant 16 : i32
          %mul3A_250 = arith.muli %mul3A_249, %add3A_248 : i32
          %add3A_251 = arith.addi %arg1, %mul3A_250 : i32
          %mul3A_252 = arith.constant 80 : i32
          %mul3A_253 = arith.muli %add3A_251, %mul3A_252 : i32
          %multiple_of3A_254 = tpu.assume_multiple %mul3A_253, 8 : i32
          %dma_start3A_255 = tpu.memref_slice %arg3[%multiple_of3A_254] : memref<320000xi32, #tpu.memory_space<hbm>> -> memref<80xi32, #tpu.memory_space<hbm>>
          %dma_start3A_256 = tpu.memref_slice %arg3[%multiple_of3A_254] : memref<320000xi32, #tpu.memory_space<hbm>> -> memref<80xi32, #tpu.memory_space<hbm>>
          tpu.enqueue_dma source(%dma_start3A_256 : memref<80xi32, #tpu.memory_space<hbm>>) target(%arg9 : memref<80xi32, #tpu.memory_space<vmem>>) target_semaphore(%arg23 : memref<!tpu.dma_semaphore, #tpu.memory_space<semaphore_mem>>)
          %dma_start3A_257 = tpu.memref_slice %arg4[%multiple_of3A_254] : memref<320000xi32, #tpu.memory_space<hbm>> -> memref<80xi32, #tpu.memory_space<hbm>>
          %dma_start3A_258 = tpu.memref_slice %arg4[%multiple_of3A_254] : memref<320000xi32, #tpu.memory_space<hbm>> -> memref<80xi32, #tpu.memory_space<hbm>>
          tpu.enqueue_dma source(%dma_start3A_258 : memref<80xi32, #tpu.memory_space<hbm>>) target(%arg10 : memref<80xi32, #tpu.memory_space<vmem>>) target_semaphore(%arg23 : memref<!tpu.dma_semaphore, #tpu.memory_space<semaphore_mem>>)
        } else {
        }
      } else {
      }
      %add3A_158 = arith.constant 2 : i32
      %add3A_159 = arith.addi %add3A_142, %add3A_158 : i32
      %lt3A_160 = arith.constant 250 : i32
      %lt3A_161 = arith.cmpi slt, %add3A_159, %lt3A_160 : i32
      %convert_element_type3A_162 = arith.extui %lt3A_161 : i1 to i32
      %cond3A_163 = arith.constant 0 : i32
      %cond3A_164 = arith.cmpi ne, %convert_element_type3A_162, %cond3A_163 : i32
      scf.if %cond3A_164 {
        %dma_wait3A_237 = arith.constant 0 : i32
        %dma_wait3A_238 = tpu.memref_slice %arg3[%dma_wait3A_237] : memref<320000xi32, #tpu.memory_space<hbm>> -> memref<80xi32, #tpu.memory_space<hbm>>
        %dma_wait3A_239 = arith.constant 0 : i32
        %dma_wait3A_240 = tpu.memref_slice %arg3[%dma_wait3A_239] : memref<320000xi32, #tpu.memory_space<hbm>> -> memref<80xi32, #tpu.memory_space<hbm>>
        tpu.wait_dma2 semaphore(%arg26 : memref<!tpu.dma_semaphore, #tpu.memory_space<semaphore_mem>>) src(%dma_wait3A_240 : memref<80xi32, #tpu.memory_space<hbm>>) dst(%arg15 : memref<80xi32, #tpu.memory_space<vmem>>)
        %dma_wait3A_241 = arith.constant 0 : i32
        %dma_wait3A_242 = tpu.memref_slice %arg4[%dma_wait3A_241] : memref<320000xi32, #tpu.memory_space<hbm>> -> memref<80xi32, #tpu.memory_space<hbm>>
        %dma_wait3A_243 = arith.constant 0 : i32
        %dma_wait3A_244 = tpu.memref_slice %arg4[%dma_wait3A_243] : memref<320000xi32, #tpu.memory_space<hbm>> -> memref<80xi32, #tpu.memory_space<hbm>>
        tpu.wait_dma2 semaphore(%arg26 : memref<!tpu.dma_semaphore, #tpu.memory_space<semaphore_mem>>) src(%dma_wait3A_244 : memref<80xi32, #tpu.memory_space<hbm>>) dst(%arg16 : memref<80xi32, #tpu.memory_space<vmem>>)
        %dma_start3A_245 = arith.constant 0 : i32
        %dma_start3A_246 = arith.constant 0 : i32
        %dma_start3A_247 = tpu.memref_slice %arg2[%arg0, %dma_start3A_245, %dma_start3A_246] : memref<2x10240x128xf32, #tpu.memory_space<hbm>> -> memref<1x10240x128xf32, #tpu.memory_space<hbm>>
        %dma_start3A_248 = tpu.memref_squeeze %dma_start3A_247 : memref<1x10240x128xf32, #tpu.memory_space<hbm>> -> memref<10240x128xf32, #tpu.memory_space<hbm>>
        %dma_start3A_249 = arith.constant 0 : i32
        %dma_start3A_250 = arith.constant 0 : i32
        %dma_start3A_251 = tpu.memref_slice %dma_start3A_248[%dma_start3A_249, %dma_start3A_250] : memref<10240x128xf32, #tpu.memory_space<hbm>> -> memref<10240x128xf32, #tpu.memory_space<hbm>>
        tpu.enqueue_indirect_dma source(%dma_start3A_251 : memref<10240x128xf32, #tpu.memory_space<hbm>>) target(%arg20 : memref<80x128xf32, #tpu.memory_space<vmem>>) offsets(%arg15 : memref<80xi32, #tpu.memory_space<vmem>>) semaphore(%arg29 : memref<!tpu.dma_semaphore, #tpu.memory_space<semaphore_mem>>)
      } else {
      }
      %add3A_165 = arith.constant 3 : i32
      %add3A_166 = arith.addi %mul3A_95, %add3A_165 : i32
      %lt3A_167 = arith.constant 250 : i32
      %lt3A_168 = arith.cmpi slt, %add3A_166, %lt3A_167 : i32
      %convert_element_type3A_169 = arith.extui %lt3A_168 : i1 to i32
      %cond3A_170 = arith.constant 0 : i32
      %cond3A_171 = arith.cmpi ne, %convert_element_type3A_169, %cond3A_170 : i32
      scf.if %cond3A_171 {
        %dma_wait3A_237 = arith.constant 0 : i32
        %dma_wait3A_238 = arith.constant 0 : i32
        %dma_wait3A_239 = tpu.memref_slice %arg2[%arg0, %dma_wait3A_237, %dma_wait3A_238] : memref<2x10240x128xf32, #tpu.memory_space<hbm>> -> memref<1x10240x128xf32, #tpu.memory_space<hbm>>
        %dma_wait3A_240 = tpu.memref_squeeze %dma_wait3A_239 : memref<1x10240x128xf32, #tpu.memory_space<hbm>> -> memref<10240x128xf32, #tpu.memory_space<hbm>>
        %dma_wait3A_241 = arith.constant 0 : i32
        %dma_wait3A_242 = arith.constant 0 : i32
        %dma_wait3A_243 = tpu.memref_slice %dma_wait3A_240[%dma_wait3A_241, %dma_wait3A_242] : memref<10240x128xf32, #tpu.memory_space<hbm>> -> memref<10240x128xf32, #tpu.memory_space<hbm>>
        tpu.wait_indirect_dma semaphore(%arg28 : memref<!tpu.dma_semaphore, #tpu.memory_space<semaphore_mem>>) src(%dma_wait3A_243 : memref<10240x128xf32, #tpu.memory_space<hbm>>) dst(%arg19 : memref<80x128xf32, #tpu.memory_space<vmem>>)
        %dma_start3A_244 = arith.constant 0 : i32
        %dma_start3A_245 = arith.constant 0 : i32
        %dma_start3A_246 = tpu.memref_slice %arg34[%dma_start3A_244, %dma_start3A_245] : memref<10240x128xf32, #tpu.memory_space<vmem_shared>> -> memref<10240x128xf32, #tpu.memory_space<vmem_shared>>
        tpu.enqueue_indirect_dma source(%arg19 : memref<80x128xf32, #tpu.memory_space<vmem>>) target(%dma_start3A_246 : memref<10240x128xf32, #tpu.memory_space<vmem_shared>>) offsets(%arg14 : memref<80xi32, #tpu.memory_space<vmem>>) semaphore(%arg31 : memref<!tpu.dma_semaphore, #tpu.memory_space<semaphore_mem>>) {add = true}
      } else {
      }
      %ge3A_172 = arith.constant 1 : i32
      %ge3A_173 = arith.cmpi sge, %add3A_166, %ge3A_172 : i32
      %sub3A_174 = arith.constant 1 : i32
      %sub3A_175 = arith.subi %add3A_166, %sub3A_174 : i32
      %lt3A_176 = arith.constant 250 : i32
      %lt3A_177 = arith.cmpi slt, %sub3A_175, %lt3A_176 : i32
      %and3A_178 = arith.andi %ge3A_173, %lt3A_177 : i1
      %convert_element_type3A_179 = arith.extui %and3A_178 : i1 to i32
      %cond3A_180 = arith.constant 0 : i32
      %cond3A_181 = arith.cmpi ne, %convert_element_type3A_179, %cond3A_180 : i32
      scf.if %cond3A_181 {
        %dma_wait3A_237 = arith.constant 0 : i32
        %dma_wait3A_238 = arith.constant 0 : i32
        %dma_wait3A_239 = tpu.memref_slice %arg34[%dma_wait3A_237, %dma_wait3A_238] : memref<10240x128xf32, #tpu.memory_space<vmem_shared>> -> memref<10240x128xf32, #tpu.memory_space<vmem_shared>>
        tpu.wait_indirect_dma semaphore(%arg33 : memref<!tpu.dma_semaphore, #tpu.memory_space<semaphore_mem>>) src(%arg21 : memref<80x128xf32, #tpu.memory_space<vmem>>) dst(%dma_wait3A_239 : memref<10240x128xf32, #tpu.memory_space<vmem_shared>>)
        %add3A_240 = arith.constant 5 : i32
        %add3A_241 = arith.addi %add3A_166, %add3A_240 : i32
        %lt3A_242 = arith.constant 250 : i32
        %lt3A_243 = arith.cmpi slt, %add3A_241, %lt3A_242 : i32
        %convert_element_type3A_244 = arith.extui %lt3A_243 : i1 to i32
        %cond3A_245 = arith.constant 0 : i32
        %cond3A_246 = arith.cmpi ne, %convert_element_type3A_244, %cond3A_245 : i32
        scf.if %cond3A_246 {
          %add3A_247 = arith.constant 5 : i32
          %add3A_248 = arith.addi %add3A_166, %add3A_247 : i32
          %mul3A_249 = arith.constant 16 : i32
          %mul3A_250 = arith.muli %mul3A_249, %add3A_248 : i32
          %add3A_251 = arith.addi %arg1, %mul3A_250 : i32
          %mul3A_252 = arith.constant 80 : i32
          %mul3A_253 = arith.muli %add3A_251, %mul3A_252 : i32
          %multiple_of3A_254 = tpu.assume_multiple %mul3A_253, 8 : i32
          %dma_start3A_255 = tpu.memref_slice %arg3[%multiple_of3A_254] : memref<320000xi32, #tpu.memory_space<hbm>> -> memref<80xi32, #tpu.memory_space<hbm>>
          %dma_start3A_256 = tpu.memref_slice %arg3[%multiple_of3A_254] : memref<320000xi32, #tpu.memory_space<hbm>> -> memref<80xi32, #tpu.memory_space<hbm>>
          tpu.enqueue_dma source(%dma_start3A_256 : memref<80xi32, #tpu.memory_space<hbm>>) target(%arg11 : memref<80xi32, #tpu.memory_space<vmem>>) target_semaphore(%arg24 : memref<!tpu.dma_semaphore, #tpu.memory_space<semaphore_mem>>)
          %dma_start3A_257 = tpu.memref_slice %arg4[%multiple_of3A_254] : memref<320000xi32, #tpu.memory_space<hbm>> -> memref<80xi32, #tpu.memory_space<hbm>>
          %dma_start3A_258 = tpu.memref_slice %arg4[%multiple_of3A_254] : memref<320000xi32, #tpu.memory_space<hbm>> -> memref<80xi32, #tpu.memory_space<hbm>>
          tpu.enqueue_dma source(%dma_start3A_258 : memref<80xi32, #tpu.memory_space<hbm>>) target(%arg12 : memref<80xi32, #tpu.memory_space<vmem>>) target_semaphore(%arg24 : memref<!tpu.dma_semaphore, #tpu.memory_space<semaphore_mem>>)
        } else {
        }
      } else {
      }
      %add3A_182 = arith.constant 2 : i32
      %add3A_183 = arith.addi %add3A_166, %add3A_182 : i32
      %lt3A_184 = arith.constant 250 : i32
      %lt3A_185 = arith.cmpi slt, %add3A_183, %lt3A_184 : i32
      %convert_element_type3A_186 = arith.extui %lt3A_185 : i1 to i32
      %cond3A_187 = arith.constant 0 : i32
      %cond3A_188 = arith.cmpi ne, %convert_element_type3A_186, %cond3A_187 : i32
      scf.if %cond3A_188 {
        %dma_wait3A_237 = arith.constant 0 : i32
        %dma_wait3A_238 = tpu.memref_slice %arg3[%dma_wait3A_237] : memref<320000xi32, #tpu.memory_space<hbm>> -> memref<80xi32, #tpu.memory_space<hbm>>
        %dma_wait3A_239 = arith.constant 0 : i32
        %dma_wait3A_240 = tpu.memref_slice %arg3[%dma_wait3A_239] : memref<320000xi32, #tpu.memory_space<hbm>> -> memref<80xi32, #tpu.memory_space<hbm>>
        tpu.wait_dma2 semaphore(%arg27 : memref<!tpu.dma_semaphore, #tpu.memory_space<semaphore_mem>>) src(%dma_wait3A_240 : memref<80xi32, #tpu.memory_space<hbm>>) dst(%arg17 : memref<80xi32, #tpu.memory_space<vmem>>)
        %dma_wait3A_241 = arith.constant 0 : i32
        %dma_wait3A_242 = tpu.memref_slice %arg4[%dma_wait3A_241] : memref<320000xi32, #tpu.memory_space<hbm>> -> memref<80xi32, #tpu.memory_space<hbm>>
        %dma_wait3A_243 = arith.constant 0 : i32
        %dma_wait3A_244 = tpu.memref_slice %arg4[%dma_wait3A_243] : memref<320000xi32, #tpu.memory_space<hbm>> -> memref<80xi32, #tpu.memory_space<hbm>>
        tpu.wait_dma2 semaphore(%arg27 : memref<!tpu.dma_semaphore, #tpu.memory_space<semaphore_mem>>) src(%dma_wait3A_244 : memref<80xi32, #tpu.memory_space<hbm>>) dst(%arg18 : memref<80xi32, #tpu.memory_space<vmem>>)
        %dma_start3A_245 = arith.constant 0 : i32
        %dma_start3A_246 = arith.constant 0 : i32
        %dma_start3A_247 = tpu.memref_slice %arg2[%arg0, %dma_start3A_245, %dma_start3A_246] : memref<2x10240x128xf32, #tpu.memory_space<hbm>> -> memref<1x10240x128xf32, #tpu.memory_space<hbm>>
        %dma_start3A_248 = tpu.memref_squeeze %dma_start3A_247 : memref<1x10240x128xf32, #tpu.memory_space<hbm>> -> memref<10240x128xf32, #tpu.memory_space<hbm>>
        %dma_start3A_249 = arith.constant 0 : i32
        %dma_start3A_250 = arith.constant 0 : i32
        %dma_start3A_251 = tpu.memref_slice %dma_start3A_248[%dma_start3A_249, %dma_start3A_250] : memref<10240x128xf32, #tpu.memory_space<hbm>> -> memref<10240x128xf32, #tpu.memory_space<hbm>>
        tpu.enqueue_indirect_dma source(%dma_start3A_251 : memref<10240x128xf32, #tpu.memory_space<hbm>>) target(%arg21 : memref<80x128xf32, #tpu.memory_space<vmem>>) offsets(%arg17 : memref<80xi32, #tpu.memory_space<vmem>>) semaphore(%arg30 : memref<!tpu.dma_semaphore, #tpu.memory_space<semaphore_mem>>)
      } else {
      }
      %add3A_189 = arith.constant 4 : i32
      %add3A_190 = arith.addi %mul3A_95, %add3A_189 : i32
      %lt3A_191 = arith.constant 250 : i32
      %lt3A_192 = arith.cmpi slt, %add3A_190, %lt3A_191 : i32
      %convert_element_type3A_193 = arith.extui %lt3A_192 : i1 to i32
      %cond3A_194 = arith.constant 0 : i32
      %cond3A_195 = arith.cmpi ne, %convert_element_type3A_193, %cond3A_194 : i32
      scf.if %cond3A_195 {
        %dma_wait3A_237 = arith.constant 0 : i32
        %dma_wait3A_238 = arith.constant 0 : i32
        %dma_wait3A_239 = tpu.memref_slice %arg2[%arg0, %dma_wait3A_237, %dma_wait3A_238] : memref<2x10240x128xf32, #tpu.memory_space<hbm>> -> memref<1x10240x128xf32, #tpu.memory_space<hbm>>
        %dma_wait3A_240 = tpu.memref_squeeze %dma_wait3A_239 : memref<1x10240x128xf32, #tpu.memory_space<hbm>> -> memref<10240x128xf32, #tpu.memory_space<hbm>>
        %dma_wait3A_241 = arith.constant 0 : i32
        %dma_wait3A_242 = arith.constant 0 : i32
        %dma_wait3A_243 = tpu.memref_slice %dma_wait3A_240[%dma_wait3A_241, %dma_wait3A_242] : memref<10240x128xf32, #tpu.memory_space<hbm>> -> memref<10240x128xf32, #tpu.memory_space<hbm>>
        tpu.wait_indirect_dma semaphore(%arg29 : memref<!tpu.dma_semaphore, #tpu.memory_space<semaphore_mem>>) src(%dma_wait3A_243 : memref<10240x128xf32, #tpu.memory_space<hbm>>) dst(%arg20 : memref<80x128xf32, #tpu.memory_space<vmem>>)
        %dma_start3A_244 = arith.constant 0 : i32
        %dma_start3A_245 = arith.constant 0 : i32
        %dma_start3A_246 = tpu.memref_slice %arg34[%dma_start3A_244, %dma_start3A_245] : memref<10240x128xf32, #tpu.memory_space<vmem_shared>> -> memref<10240x128xf32, #tpu.memory_space<vmem_shared>>
        tpu.enqueue_indirect_dma source(%arg20 : memref<80x128xf32, #tpu.memory_space<vmem>>) target(%dma_start3A_246 : memref<10240x128xf32, #tpu.memory_space<vmem_shared>>) offsets(%arg16 : memref<80xi32, #tpu.memory_space<vmem>>) semaphore(%arg32 : memref<!tpu.dma_semaphore, #tpu.memory_space<semaphore_mem>>) {add = true}
      } else {
      }
      %ge3A_196 = arith.constant 1 : i32
      %ge3A_197 = arith.cmpi sge, %add3A_190, %ge3A_196 : i32
      %sub3A_198 = arith.constant 1 : i32
      %sub3A_199 = arith.subi %add3A_190, %sub3A_198 : i32
      %lt3A_200 = arith.constant 250 : i32
      %lt3A_201 = arith.cmpi slt, %sub3A_199, %lt3A_200 : i32
      %and3A_202 = arith.andi %ge3A_197, %lt3A_201 : i1
      %convert_element_type3A_203 = arith.extui %and3A_202 : i1 to i32
      %cond3A_204 = arith.constant 0 : i32
      %cond3A_205 = arith.cmpi ne, %convert_element_type3A_203, %cond3A_204 : i32
      scf.if %cond3A_205 {
        %dma_wait3A_237 = arith.constant 0 : i32
        %dma_wait3A_238 = arith.constant 0 : i32
        %dma_wait3A_239 = tpu.memref_slice %arg34[%dma_wait3A_237, %dma_wait3A_238] : memref<10240x128xf32, #tpu.memory_space<vmem_shared>> -> memref<10240x128xf32, #tpu.memory_space<vmem_shared>>
        tpu.wait_indirect_dma semaphore(%arg31 : memref<!tpu.dma_semaphore, #tpu.memory_space<semaphore_mem>>) src(%arg19 : memref<80x128xf32, #tpu.memory_space<vmem>>) dst(%dma_wait3A_239 : memref<10240x128xf32, #tpu.memory_space<vmem_shared>>)
        %add3A_240 = arith.constant 5 : i32
        %add3A_241 = arith.addi %add3A_190, %add3A_240 : i32
        %lt3A_242 = arith.constant 250 : i32
        %lt3A_243 = arith.cmpi slt, %add3A_241, %lt3A_242 : i32
        %convert_element_type3A_244 = arith.extui %lt3A_243 : i1 to i32
        %cond3A_245 = arith.constant 0 : i32
        %cond3A_246 = arith.cmpi ne, %convert_element_type3A_244, %cond3A_245 : i32
        scf.if %cond3A_246 {
          %add3A_247 = arith.constant 5 : i32
          %add3A_248 = arith.addi %add3A_190, %add3A_247 : i32
          %mul3A_249 = arith.constant 16 : i32
          %mul3A_250 = arith.muli %mul3A_249, %add3A_248 : i32
          %add3A_251 = arith.addi %arg1, %mul3A_250 : i32
          %mul3A_252 = arith.constant 80 : i32
          %mul3A_253 = arith.muli %add3A_251, %mul3A_252 : i32
          %multiple_of3A_254 = tpu.assume_multiple %mul3A_253, 8 : i32
          %dma_start3A_255 = tpu.memref_slice %arg3[%multiple_of3A_254] : memref<320000xi32, #tpu.memory_space<hbm>> -> memref<80xi32, #tpu.memory_space<hbm>>
          %dma_start3A_256 = tpu.memref_slice %arg3[%multiple_of3A_254] : memref<320000xi32, #tpu.memory_space<hbm>> -> memref<80xi32, #tpu.memory_space<hbm>>
          tpu.enqueue_dma source(%dma_start3A_256 : memref<80xi32, #tpu.memory_space<hbm>>) target(%arg13 : memref<80xi32, #tpu.memory_space<vmem>>) target_semaphore(%arg25 : memref<!tpu.dma_semaphore, #tpu.memory_space<semaphore_mem>>)
          %dma_start3A_257 = tpu.memref_slice %arg4[%multiple_of3A_254] : memref<320000xi32, #tpu.memory_space<hbm>> -> memref<80xi32, #tpu.memory_space<hbm>>
          %dma_start3A_258 = tpu.memref_slice %arg4[%multiple_of3A_254] : memref<320000xi32, #tpu.memory_space<hbm>> -> memref<80xi32, #tpu.memory_space<hbm>>
          tpu.enqueue_dma source(%dma_start3A_258 : memref<80xi32, #tpu.memory_space<hbm>>) target(%arg14 : memref<80xi32, #tpu.memory_space<vmem>>) target_semaphore(%arg25 : memref<!tpu.dma_semaphore, #tpu.memory_space<semaphore_mem>>)
        } else {
        }
      } else {
      }
      %add3A_206 = arith.constant 2 : i32
      %add3A_207 = arith.addi %add3A_190, %add3A_206 : i32
      %lt3A_208 = arith.constant 250 : i32
      %lt3A_209 = arith.cmpi slt, %add3A_207, %lt3A_208 : i32
      %convert_element_type3A_210 = arith.extui %lt3A_209 : i1 to i32
      %cond3A_211 = arith.constant 0 : i32
      %cond3A_212 = arith.cmpi ne, %convert_element_type3A_210, %cond3A_211 : i32
      scf.if %cond3A_212 {
        %dma_wait3A_237 = arith.constant 0 : i32
        %dma_wait3A_238 = tpu.memref_slice %arg3[%dma_wait3A_237] : memref<320000xi32, #tpu.memory_space<hbm>> -> memref<80xi32, #tpu.memory_space<hbm>>
        %dma_wait3A_239 = arith.constant 0 : i32
        %dma_wait3A_240 = tpu.memref_slice %arg3[%dma_wait3A_239] : memref<320000xi32, #tpu.memory_space<hbm>> -> memref<80xi32, #tpu.memory_space<hbm>>
        tpu.wait_dma2 semaphore(%arg22 : memref<!tpu.dma_semaphore, #tpu.memory_space<semaphore_mem>>) src(%dma_wait3A_240 : memref<80xi32, #tpu.memory_space<hbm>>) dst(%arg7 : memref<80xi32, #tpu.memory_space<vmem>>)
        %dma_wait3A_241 = arith.constant 0 : i32
        %dma_wait3A_242 = tpu.memref_slice %arg4[%dma_wait3A_241] : memref<320000xi32, #tpu.memory_space<hbm>> -> memref<80xi32, #tpu.memory_space<hbm>>
        %dma_wait3A_243 = arith.constant 0 : i32
        %dma_wait3A_244 = tpu.memref_slice %arg4[%dma_wait3A_243] : memref<320000xi32, #tpu.memory_space<hbm>> -> memref<80xi32, #tpu.memory_space<hbm>>
        tpu.wait_dma2 semaphore(%arg22 : memref<!tpu.dma_semaphore, #tpu.memory_space<semaphore_mem>>) src(%dma_wait3A_244 : memref<80xi32, #tpu.memory_space<hbm>>) dst(%arg8 : memref<80xi32, #tpu.memory_space<vmem>>)
        %dma_start3A_245 = arith.constant 0 : i32
        %dma_start3A_246 = arith.constant 0 : i32
        %dma_start3A_247 = tpu.memref_slice %arg2[%arg0, %dma_start3A_245, %dma_start3A_246] : memref<2x10240x128xf32, #tpu.memory_space<hbm>> -> memref<1x10240x128xf32, #tpu.memory_space<hbm>>
        %dma_start3A_248 = tpu.memref_squeeze %dma_start3A_247 : memref<1x10240x128xf32, #tpu.memory_space<hbm>> -> memref<10240x128xf32, #tpu.memory_space<hbm>>
        %dma_start3A_249 = arith.constant 0 : i32
        %dma_start3A_250 = arith.constant 0 : i32
        %dma_start3A_251 = tpu.memref_slice %dma_start3A_248[%dma_start3A_249, %dma_start3A_250] : memref<10240x128xf32, #tpu.memory_space<hbm>> -> memref<10240x128xf32, #tpu.memory_space<hbm>>
        tpu.enqueue_indirect_dma source(%dma_start3A_251 : memref<10240x128xf32, #tpu.memory_space<hbm>>) target(%arg19 : memref<80x128xf32, #tpu.memory_space<vmem>>) offsets(%arg7 : memref<80xi32, #tpu.memory_space<vmem>>) semaphore(%arg28 : memref<!tpu.dma_semaphore, #tpu.memory_space<semaphore_mem>>)
      } else {
      }
      %add3A_213 = arith.constant 5 : i32
      %add3A_214 = arith.addi %mul3A_95, %add3A_213 : i32
      %lt3A_215 = arith.constant 250 : i32
      %lt3A_216 = arith.cmpi slt, %add3A_214, %lt3A_215 : i32
      %convert_element_type3A_217 = arith.extui %lt3A_216 : i1 to i32
      %cond3A_218 = arith.constant 0 : i32
      %cond3A_219 = arith.cmpi ne, %convert_element_type3A_217, %cond3A_218 : i32
      scf.if %cond3A_219 {
        %dma_wait3A_237 = arith.constant 0 : i32
        %dma_wait3A_238 = arith.constant 0 : i32
        %dma_wait3A_239 = tpu.memref_slice %arg2[%arg0, %dma_wait3A_237, %dma_wait3A_238] : memref<2x10240x128xf32, #tpu.memory_space<hbm>> -> memref<1x10240x128xf32, #tpu.memory_space<hbm>>
        %dma_wait3A_240 = tpu.memref_squeeze %dma_wait3A_239 : memref<1x10240x128xf32, #tpu.memory_space<hbm>> -> memref<10240x128xf32, #tpu.memory_space<hbm>>
        %dma_wait3A_241 = arith.constant 0 : i32
        %dma_wait3A_242 = arith.constant 0 : i32
        %dma_wait3A_243 = tpu.memref_slice %dma_wait3A_240[%dma_wait3A_241, %dma_wait3A_242] : memref<10240x128xf32, #tpu.memory_space<hbm>> -> memref<10240x128xf32, #tpu.memory_space<hbm>>
        tpu.wait_indirect_dma semaphore(%arg30 : memref<!tpu.dma_semaphore, #tpu.memory_space<semaphore_mem>>) src(%dma_wait3A_243 : memref<10240x128xf32, #tpu.memory_space<hbm>>) dst(%arg21 : memref<80x128xf32, #tpu.memory_space<vmem>>)
        %dma_start3A_244 = arith.constant 0 : i32
        %dma_start3A_245 = arith.constant 0 : i32
        %dma_start3A_246 = tpu.memref_slice %arg34[%dma_start3A_244, %dma_start3A_245] : memref<10240x128xf32, #tpu.memory_space<vmem_shared>> -> memref<10240x128xf32, #tpu.memory_space<vmem_shared>>
        tpu.enqueue_indirect_dma source(%arg21 : memref<80x128xf32, #tpu.memory_space<vmem>>) target(%dma_start3A_246 : memref<10240x128xf32, #tpu.memory_space<vmem_shared>>) offsets(%arg18 : memref<80xi32, #tpu.memory_space<vmem>>) semaphore(%arg33 : memref<!tpu.dma_semaphore, #tpu.memory_space<semaphore_mem>>) {add = true}
      } else {
      }
      %ge3A_220 = arith.constant 1 : i32
      %ge3A_221 = arith.cmpi sge, %add3A_214, %ge3A_220 : i32
      %sub3A_222 = arith.constant 1 : i32
      %sub3A_223 = arith.subi %add3A_214, %sub3A_222 : i32
      %lt3A_224 = arith.constant 250 : i32
      %lt3A_225 = arith.cmpi slt, %sub3A_223, %lt3A_224 : i32
      %and3A_226 = arith.andi %ge3A_221, %lt3A_225 : i1
      %convert_element_type3A_227 = arith.extui %and3A_226 : i1 to i32
      %cond3A_228 = arith.constant 0 : i32
      %cond3A_229 = arith.cmpi ne, %convert_element_type3A_227, %cond3A_228 : i32
      scf.if %cond3A_229 {
        %dma_wait3A_237 = arith.constant 0 : i32
        %dma_wait3A_238 = arith.constant 0 : i32
        %dma_wait3A_239 = tpu.memref_slice %arg34[%dma_wait3A_237, %dma_wait3A_238] : memref<10240x128xf32, #tpu.memory_space<vmem_shared>> -> memref<10240x128xf32, #tpu.memory_space<vmem_shared>>
        tpu.wait_indirect_dma semaphore(%arg32 : memref<!tpu.dma_semaphore, #tpu.memory_space<semaphore_mem>>) src(%arg20 : memref<80x128xf32, #tpu.memory_space<vmem>>) dst(%dma_wait3A_239 : memref<10240x128xf32, #tpu.memory_space<vmem_shared>>)
        %add3A_240 = arith.constant 5 : i32
        %add3A_241 = arith.addi %add3A_214, %add3A_240 : i32
        %lt3A_242 = arith.constant 250 : i32
        %lt3A_243 = arith.cmpi slt, %add3A_241, %lt3A_242 : i32
        %convert_element_type3A_244 = arith.extui %lt3A_243 : i1 to i32
        %cond3A_245 = arith.constant 0 : i32
        %cond3A_246 = arith.cmpi ne, %convert_element_type3A_244, %cond3A_245 : i32
        scf.if %cond3A_246 {
          %add3A_247 = arith.constant 5 : i32
          %add3A_248 = arith.addi %add3A_214, %add3A_247 : i32
          %mul3A_249 = arith.constant 16 : i32
          %mul3A_250 = arith.muli %mul3A_249, %add3A_248 : i32
          %add3A_251 = arith.addi %arg1, %mul3A_250 : i32
          %mul3A_252 = arith.constant 80 : i32
          %mul3A_253 = arith.muli %add3A_251, %mul3A_252 : i32
          %multiple_of3A_254 = tpu.assume_multiple %mul3A_253, 8 : i32
          %dma_start3A_255 = tpu.memref_slice %arg3[%multiple_of3A_254] : memref<320000xi32, #tpu.memory_space<hbm>> -> memref<80xi32, #tpu.memory_space<hbm>>
          %dma_start3A_256 = tpu.memref_slice %arg3[%multiple_of3A_254] : memref<320000xi32, #tpu.memory_space<hbm>> -> memref<80xi32, #tpu.memory_space<hbm>>
          tpu.enqueue_dma source(%dma_start3A_256 : memref<80xi32, #tpu.memory_space<hbm>>) target(%arg15 : memref<80xi32, #tpu.memory_space<vmem>>) target_semaphore(%arg26 : memref<!tpu.dma_semaphore, #tpu.memory_space<semaphore_mem>>)
          %dma_start3A_257 = tpu.memref_slice %arg4[%multiple_of3A_254] : memref<320000xi32, #tpu.memory_space<hbm>> -> memref<80xi32, #tpu.memory_space<hbm>>
          %dma_start3A_258 = tpu.memref_slice %arg4[%multiple_of3A_254] : memref<320000xi32, #tpu.memory_space<hbm>> -> memref<80xi32, #tpu.memory_space<hbm>>
          tpu.enqueue_dma source(%dma_start3A_258 : memref<80xi32, #tpu.memory_space<hbm>>) target(%arg16 : memref<80xi32, #tpu.memory_space<vmem>>) target_semaphore(%arg26 : memref<!tpu.dma_semaphore, #tpu.memory_space<semaphore_mem>>)
        } else {
        }
      } else {
      }
      %add3A_230 = arith.constant 2 : i32
      %add3A_231 = arith.addi %add3A_214, %add3A_230 : i32
      %lt3A_232 = arith.constant 250 : i32
      %lt3A_233 = arith.cmpi slt, %add3A_231, %lt3A_232 : i32
      %convert_element_type3A_234 = arith.extui %lt3A_233 : i1 to i32
      %cond3A_235 = arith.constant 0 : i32
      %cond3A_236 = arith.cmpi ne, %convert_element_type3A_234, %cond3A_235 : i32
      scf.if %cond3A_236 {
        %dma_wait3A_237 = arith.constant 0 : i32
        %dma_wait3A_238 = tpu.memref_slice %arg3[%dma_wait3A_237] : memref<320000xi32, #tpu.memory_space<hbm>> -> memref<80xi32, #tpu.memory_space<hbm>>
        %dma_wait3A_239 = arith.constant 0 : i32
        %dma_wait3A_240 = tpu.memref_slice %arg3[%dma_wait3A_239] : memref<320000xi32, #tpu.memory_space<hbm>> -> memref<80xi32, #tpu.memory_space<hbm>>
        tpu.wait_dma2 semaphore(%arg23 : memref<!tpu.dma_semaphore, #tpu.memory_space<semaphore_mem>>) src(%dma_wait3A_240 : memref<80xi32, #tpu.memory_space<hbm>>) dst(%arg9 : memref<80xi32, #tpu.memory_space<vmem>>)
        %dma_wait3A_241 = arith.constant 0 : i32
        %dma_wait3A_242 = tpu.memref_slice %arg4[%dma_wait3A_241] : memref<320000xi32, #tpu.memory_space<hbm>> -> memref<80xi32, #tpu.memory_space<hbm>>
        %dma_wait3A_243 = arith.constant 0 : i32
        %dma_wait3A_244 = tpu.memref_slice %arg4[%dma_wait3A_243] : memref<320000xi32, #tpu.memory_space<hbm>> -> memref<80xi32, #tpu.memory_space<hbm>>
        tpu.wait_dma2 semaphore(%arg23 : memref<!tpu.dma_semaphore, #tpu.memory_space<semaphore_mem>>) src(%dma_wait3A_244 : memref<80xi32, #tpu.memory_space<hbm>>) dst(%arg10 : memref<80xi32, #tpu.memory_space<vmem>>)
        %dma_start3A_245 = arith.constant 0 : i32
        %dma_start3A_246 = arith.constant 0 : i32
        %dma_start3A_247 = tpu.memref_slice %arg2[%arg0, %dma_start3A_245, %dma_start3A_246] : memref<2x10240x128xf32, #tpu.memory_space<hbm>> -> memref<1x10240x128xf32, #tpu.memory_space<hbm>>
        %dma_start3A_248 = tpu.memref_squeeze %dma_start3A_247 : memref<1x10240x128xf32, #tpu.memory_space<hbm>> -> memref<10240x128xf32, #tpu.memory_space<hbm>>
        %dma_start3A_249 = arith.constant 0 : i32
        %dma_start3A_250 = arith.constant 0 : i32
        %dma_start3A_251 = tpu.memref_slice %dma_start3A_248[%dma_start3A_249, %dma_start3A_250] : memref<10240x128xf32, #tpu.memory_space<hbm>> -> memref<10240x128xf32, #tpu.memory_space<hbm>>
        tpu.enqueue_indirect_dma source(%dma_start3A_251 : memref<10240x128xf32, #tpu.memory_space<hbm>>) target(%arg20 : memref<80x128xf32, #tpu.memory_space<vmem>>) offsets(%arg9 : memref<80xi32, #tpu.memory_space<vmem>>) semaphore(%arg29 : memref<!tpu.dma_semaphore, #tpu.memory_space<semaphore_mem>>)
      } else {
      }
    }
    %scan3A_85 = arith.constant 42 : i32
    %lt3A = arith.constant 0 : i32
    %lt3A_86 = arith.cmpi slt, %arg1, %lt3A : i32
    %convert_element_type3A = arith.extui %lt3A_86 : i1 to i32
    %cond3A = arith.constant 0 : i32
    %cond3A_87 = arith.cmpi ne, %convert_element_type3A, %cond3A : i32
    scf.if %cond3A_87 {
      %add3A_93 = arith.constant 4000 : i32
      %add3A_94 = arith.addi %add3A_93, %arg1 : i32
      %mul3A_95 = arith.constant 80 : i32
      %mul3A_96 = arith.muli %add3A_94, %mul3A_95 : i32
      %multiple_of3A_97 = tpu.assume_multiple %mul3A_96, 8 : i32
      "tpu.region"() ({
        %run_scoped3A = tpu.sem_alloc : memref<!tpu.dma_semaphore, #tpu.memory_space<semaphore_mem>>
        %dma_start3A_98 = tpu.memref_slice %arg3[%multiple_of3A_97] : memref<320000xi32, #tpu.memory_space<hbm>> -> memref<80xi32, #tpu.memory_space<hbm>>
        %dma_start3A_99 = tpu.memref_slice %arg3[%multiple_of3A_97] : memref<320000xi32, #tpu.memory_space<hbm>> -> memref<80xi32, #tpu.memory_space<hbm>>
        tpu.enqueue_dma source(%dma_start3A_99 : memref<80xi32, #tpu.memory_space<hbm>>) target(%arg7 : memref<80xi32, #tpu.memory_space<vmem>>) target_semaphore(%run_scoped3A : memref<!tpu.dma_semaphore, #tpu.memory_space<semaphore_mem>>)
        %dma_wait3A_100 = tpu.memref_slice %arg3[%multiple_of3A_97] : memref<320000xi32, #tpu.memory_space<hbm>> -> memref<80xi32, #tpu.memory_space<hbm>>
        %dma_wait3A_101 = tpu.memref_slice %arg3[%multiple_of3A_97] : memref<320000xi32, #tpu.memory_space<hbm>> -> memref<80xi32, #tpu.memory_space<hbm>>
        tpu.wait_dma2 semaphore(%run_scoped3A : memref<!tpu.dma_semaphore, #tpu.memory_space<semaphore_mem>>) src(%dma_wait3A_101 : memref<80xi32, #tpu.memory_space<hbm>>) dst(%arg7 : memref<80xi32, #tpu.memory_space<vmem>>)
        tpu.yield
      }) : () -> ()
      "tpu.region"() ({
        %run_scoped3A = tpu.sem_alloc : memref<!tpu.dma_semaphore, #tpu.memory_space<semaphore_mem>>
        %dma_start3A_98 = tpu.memref_slice %arg4[%multiple_of3A_97] : memref<320000xi32, #tpu.memory_space<hbm>> -> memref<80xi32, #tpu.memory_space<hbm>>
        %dma_start3A_99 = tpu.memref_slice %arg4[%multiple_of3A_97] : memref<320000xi32, #tpu.memory_space<hbm>> -> memref<80xi32, #tpu.memory_space<hbm>>
        tpu.enqueue_dma source(%dma_start3A_99 : memref<80xi32, #tpu.memory_space<hbm>>) target(%arg8 : memref<80xi32, #tpu.memory_space<vmem>>) target_semaphore(%run_scoped3A : memref<!tpu.dma_semaphore, #tpu.memory_space<semaphore_mem>>)
        %dma_wait3A_100 = tpu.memref_slice %arg4[%multiple_of3A_97] : memref<320000xi32, #tpu.memory_space<hbm>> -> memref<80xi32, #tpu.memory_space<hbm>>
        %dma_wait3A_101 = tpu.memref_slice %arg4[%multiple_of3A_97] : memref<320000xi32, #tpu.memory_space<hbm>> -> memref<80xi32, #tpu.memory_space<hbm>>
        tpu.wait_dma2 semaphore(%run_scoped3A : memref<!tpu.dma_semaphore, #tpu.memory_space<semaphore_mem>>) src(%dma_wait3A_101 : memref<80xi32, #tpu.memory_space<hbm>>) dst(%arg8 : memref<80xi32, #tpu.memory_space<vmem>>)
        tpu.yield
      }) : () -> ()
      "tpu.region"() ({
        %run_scoped3A = tpu.sem_alloc : memref<!tpu.dma_semaphore, #tpu.memory_space<semaphore_mem>>
        %dma_start3A_98 = arith.constant 0 : i32
        %dma_start3A_99 = arith.constant 0 : i32
        %dma_start3A_100 = tpu.memref_slice %arg2[%arg0, %dma_start3A_98, %dma_start3A_99] : memref<2x10240x128xf32, #tpu.memory_space<hbm>> -> memref<1x10240x128xf32, #tpu.memory_space<hbm>>
        %dma_start3A_101 = tpu.memref_squeeze %dma_start3A_100 : memref<1x10240x128xf32, #tpu.memory_space<hbm>> -> memref<10240x128xf32, #tpu.memory_space<hbm>>
        %dma_start3A_102 = arith.constant 0 : i32
        %dma_start3A_103 = arith.constant 0 : i32
        %dma_start3A_104 = tpu.memref_slice %dma_start3A_101[%dma_start3A_102, %dma_start3A_103] : memref<10240x128xf32, #tpu.memory_space<hbm>> -> memref<10240x128xf32, #tpu.memory_space<hbm>>
        tpu.enqueue_indirect_dma source(%dma_start3A_104 : memref<10240x128xf32, #tpu.memory_space<hbm>>) target(%arg19 : memref<80x128xf32, #tpu.memory_space<vmem>>) offsets(%arg7 : memref<80xi32, #tpu.memory_space<vmem>>) semaphore(%run_scoped3A : memref<!tpu.dma_semaphore, #tpu.memory_space<semaphore_mem>>)
        %dma_wait3A_105 = arith.constant 0 : i32
        %dma_wait3A_106 = arith.constant 0 : i32
        %dma_wait3A_107 = tpu.memref_slice %arg2[%arg0, %dma_wait3A_105, %dma_wait3A_106] : memref<2x10240x128xf32, #tpu.memory_space<hbm>> -> memref<1x10240x128xf32, #tpu.memory_space<hbm>>
        %dma_wait3A_108 = tpu.memref_squeeze %dma_wait3A_107 : memref<1x10240x128xf32, #tpu.memory_space<hbm>> -> memref<10240x128xf32, #tpu.memory_space<hbm>>
        %dma_wait3A_109 = arith.constant 0 : i32
        %dma_wait3A_110 = arith.constant 0 : i32
        %dma_wait3A_111 = tpu.memref_slice %dma_wait3A_108[%dma_wait3A_109, %dma_wait3A_110] : memref<10240x128xf32, #tpu.memory_space<hbm>> -> memref<10240x128xf32, #tpu.memory_space<hbm>>
        tpu.wait_indirect_dma semaphore(%run_scoped3A : memref<!tpu.dma_semaphore, #tpu.memory_space<semaphore_mem>>) src(%dma_wait3A_111 : memref<10240x128xf32, #tpu.memory_space<hbm>>) dst(%arg19 : memref<80x128xf32, #tpu.memory_space<vmem>>)
        tpu.yield
      }) : () -> ()
      "tpu.region"() ({
        %run_scoped3A = tpu.sem_alloc : memref<!tpu.dma_semaphore, #tpu.memory_space<semaphore_mem>>
        %dma_start3A_98 = arith.constant 0 : i32
        %dma_start3A_99 = arith.constant 0 : i32
        %dma_start3A_100 = tpu.memref_slice %arg34[%dma_start3A_98, %dma_start3A_99] : memref<10240x128xf32, #tpu.memory_space<vmem_shared>> -> memref<10240x128xf32, #tpu.memory_space<vmem_shared>>
        tpu.enqueue_indirect_dma source(%arg19 : memref<80x128xf32, #tpu.memory_space<vmem>>) target(%dma_start3A_100 : memref<10240x128xf32, #tpu.memory_space<vmem_shared>>) offsets(%arg8 : memref<80xi32, #tpu.memory_space<vmem>>) semaphore(%run_scoped3A : memref<!tpu.dma_semaphore, #tpu.memory_space<semaphore_mem>>) {add = true}
        %dma_wait3A_101 = arith.constant 0 : i32
        %dma_wait3A_102 = arith.constant 0 : i32
        %dma_wait3A_103 = tpu.memref_slice %arg34[%dma_wait3A_101, %dma_wait3A_102] : memref<10240x128xf32, #tpu.memory_space<vmem_shared>> -> memref<10240x128xf32, #tpu.memory_space<vmem_shared>>
        tpu.wait_indirect_dma semaphore(%run_scoped3A : memref<!tpu.dma_semaphore, #tpu.memory_space<semaphore_mem>>) src(%arg19 : memref<80x128xf32, #tpu.memory_space<vmem>>) dst(%dma_wait3A_103 : memref<10240x128xf32, #tpu.memory_space<vmem_shared>>)
        tpu.yield
      }) : () -> ()
    } else {
    }
    %barrier3A_88 = arith.constant 0 : index
    tpu.barrier barrier_id(%barrier3A_88)
    %mul3A_89 = arith.constant 640 : i32
    %mul3A_90 = arith.muli %arg1, %mul3A_89 : i32
    %mul3A_91 = arith.constant 640 : i32
    %mul3A_92 = arith.muli %arg1, %mul3A_91 : i32
    "tpu.region"() ({
      %run_scoped3A = tpu.sem_alloc : memref<!tpu.dma_semaphore, #tpu.memory_space<semaphore_mem>>
      %dma_start3A_93 = arith.constant 0 : i32
      %dma_start3A_94 = tpu.memref_slice %arg6[%arg0, %mul3A_92, %dma_start3A_93] : memref<2x10240x128xf32, #tpu.memory_space<hbm>> -> memref<1x640x128xf32, #tpu.memory_space<hbm>>
      %dma_start3A_95 = tpu.memref_squeeze %dma_start3A_94 : memref<1x640x128xf32, #tpu.memory_space<hbm>> -> memref<640x128xf32, #tpu.memory_space<hbm>>
      %dma_start3A_96 = arith.constant 0 : i32
      %dma_start3A_97 = tpu.memref_slice %arg34[%mul3A_90, %dma_start3A_96] : memref<10240x128xf32, #tpu.memory_space<vmem_shared>> -> memref<640x128xf32, #tpu.memory_space<vmem_shared>>
      tpu.enqueue_dma source(%dma_start3A_97 : memref<640x128xf32, #tpu.memory_space<vmem_shared>>) target(%dma_start3A_95 : memref<640x128xf32, #tpu.memory_space<hbm>>) target_semaphore(%run_scoped3A : memref<!tpu.dma_semaphore, #tpu.memory_space<semaphore_mem>>)
      %dma_wait3A_98 = arith.constant 0 : i32
      %dma_wait3A_99 = tpu.memref_slice %arg6[%arg0, %mul3A_92, %dma_wait3A_98] : memref<2x10240x128xf32, #tpu.memory_space<hbm>> -> memref<1x640x128xf32, #tpu.memory_space<hbm>>
      %dma_wait3A_100 = tpu.memref_squeeze %dma_wait3A_99 : memref<1x640x128xf32, #tpu.memory_space<hbm>> -> memref<640x128xf32, #tpu.memory_space<hbm>>
      %dma_wait3A_101 = arith.constant 0 : i32
      %dma_wait3A_102 = tpu.memref_slice %arg34[%mul3A_90, %dma_wait3A_101] : memref<10240x128xf32, #tpu.memory_space<vmem_shared>> -> memref<640x128xf32, #tpu.memory_space<vmem_shared>>
      tpu.wait_dma2 semaphore(%run_scoped3A : memref<!tpu.dma_semaphore, #tpu.memory_space<semaphore_mem>>) src(%dma_wait3A_102 : memref<640x128xf32, #tpu.memory_space<vmem_shared>>) dst(%dma_wait3A_100 : memref<640x128xf32, #tpu.memory_space<hbm>>)
      tpu.yield
    }) : () -> ()
    return
  }
}

#map = affine_map<(d0, d1) -> (0, 0, 0)>
#map1 = affine_map<(d0, d1) -> (0)>
#map2 = affine_map<(d0, d1) -> (0, 0)>
module attributes {stable_mosaic.version = 14 : i64} {
  func.func @_msg_body(%arg0: i32, %arg1: i32, %arg2: memref<2x10240x128xf32, #tpu.memory_space<hbm>>, %arg3: memref<320000xi32, #tpu.memory_space<hbm>>, %arg4: memref<320000xi32, #tpu.memory_space<hbm>>, %arg5: memref<640x128xf32, #tpu.memory_space<hbm>>, %arg6: memref<2x10240x128xf32, #tpu.memory_space<hbm>>, %arg7: memref<80xi32, #tpu.memory_space<vmem>>, %arg8: memref<80xi32, #tpu.memory_space<vmem>>, %arg9: memref<80xi32, #tpu.memory_space<vmem>>, %arg10: memref<80xi32, #tpu.memory_space<vmem>>, %arg11: memref<80xi32, #tpu.memory_space<vmem>>, %arg12: memref<80xi32, #tpu.memory_space<vmem>>, %arg13: memref<80xi32, #tpu.memory_space<vmem>>, %arg14: memref<80xi32, #tpu.memory_space<vmem>>, %arg15: memref<80xi32, #tpu.memory_space<vmem>>, %arg16: memref<80xi32, #tpu.memory_space<vmem>>, %arg17: memref<80xi32, #tpu.memory_space<vmem>>, %arg18: memref<80xi32, #tpu.memory_space<vmem>>, %arg19: memref<80x128xf32, #tpu.memory_space<vmem>>, %arg20: memref<80x128xf32, #tpu.memory_space<vmem>>, %arg21: memref<80x128xf32, #tpu.memory_space<vmem>>, %arg22: memref<!tpu.dma_semaphore, #tpu.memory_space<semaphore_mem>>, %arg23: memref<!tpu.dma_semaphore, #tpu.memory_space<semaphore_mem>>, %arg24: memref<!tpu.dma_semaphore, #tpu.memory_space<semaphore_mem>>, %arg25: memref<!tpu.dma_semaphore, #tpu.memory_space<semaphore_mem>>, %arg26: memref<!tpu.dma_semaphore, #tpu.memory_space<semaphore_mem>>, %arg27: memref<!tpu.dma_semaphore, #tpu.memory_space<semaphore_mem>>, %arg28: memref<!tpu.dma_semaphore, #tpu.memory_space<semaphore_mem>>, %arg29: memref<!tpu.dma_semaphore, #tpu.memory_space<semaphore_mem>>, %arg30: memref<!tpu.dma_semaphore, #tpu.memory_space<semaphore_mem>>, %arg31: memref<!tpu.dma_semaphore, #tpu.memory_space<semaphore_mem>>, %arg32: memref<!tpu.dma_semaphore, #tpu.memory_space<semaphore_mem>>, %arg33: memref<!tpu.dma_semaphore, #tpu.memory_space<semaphore_mem>>, %arg34: memref<10240x128xf32, #tpu.memory_space<vmem_shared>>) attributes {dimension_semantics = [#tpu.dimension_semantics<core_parallel>, #tpu.dimension_semantics<subcore_parallel>], iteration_bounds = array<i64: 2, 16>, scalar_prefetch = 0 : i64, scratch_operands = 28 : i64, tpu.core_type = #tpu.core_type<sc_vector_subcore>, window_params = [{transform_indices = #map}, {transform_indices = #map1}, {transform_indices = #map1}, {transform_indices = #map2}, {transform_indices = #map}]} {
    %mul3A = arith.constant 640 : i32
    %mul3A_0 = arith.muli %arg1, %mul3A : i32
    "tpu.region"() ({
      %run_scoped3A = tpu.sem_alloc : memref<!tpu.dma_semaphore, #tpu.memory_space<semaphore_mem>>
      %dma_start3A_93 = arith.constant 0 : i32
      %dma_start3A_94 = tpu.memref_slice %arg34[%mul3A_0, %dma_start3A_93] : memref<10240x128xf32, #tpu.memory_space<vmem_shared>> -> memref<640x128xf32, #tpu.memory_space<vmem_shared>>
      tpu.enqueue_dma source(%arg5 : memref<640x128xf32, #tpu.memory_space<hbm>>) target(%dma_start3A_94 : memref<640x128xf32, #tpu.memory_space<vmem_shared>>) target_semaphore(%run_scoped3A : memref<!tpu.dma_semaphore, #tpu.memory_space<semaphore_mem>>)
      %dma_wait3A_95 = arith.constant 0 : i32
      %dma_wait3A_96 = tpu.memref_slice %arg34[%mul3A_0, %dma_wait3A_95] : memref<10240x128xf32, #tpu.memory_space<vmem_shared>> -> memref<640x128xf32, #tpu.memory_space<vmem_shared>>
      tpu.wait_dma2 semaphore(%run_scoped3A : memref<!tpu.dma_semaphore, #tpu.memory_space<semaphore_mem>>) src(%arg5 : memref<640x128xf32, #tpu.memory_space<hbm>>) dst(%dma_wait3A_96 : memref<640x128xf32, #tpu.memory_space<vmem_shared>>)
      tpu.yield
    }) : () -> ()
    %barrier3A = arith.constant 0 : index
    tpu.barrier barrier_id(%barrier3A)
    %add3A = arith.constant 0 : i32
    %add3A_1 = arith.addi %arg1, %add3A : i32
    %mul3A_2 = arith.constant 80 : i32
    %mul3A_3 = arith.muli %add3A_1, %mul3A_2 : i32
    %multiple_of3A = tpu.assume_multiple %mul3A_3, 8 : i32
    %dma_start3A = tpu.memref_slice %arg3[%multiple_of3A] : memref<320000xi32, #tpu.memory_space<hbm>> -> memref<80xi32, #tpu.memory_space<hbm>>
    %dma_start3A_4 = tpu.memref_slice %arg3[%multiple_of3A] : memref<320000xi32, #tpu.memory_space<hbm>> -> memref<80xi32, #tpu.memory_space<hbm>>
    tpu.enqueue_dma source(%dma_start3A_4 : memref<80xi32, #tpu.memory_space<hbm>>) target(%arg7 : memref<80xi32, #tpu.memory_space<vmem>>) target_semaphore(%arg22 : memref<!tpu.dma_semaphore, #tpu.memory_space<semaphore_mem>>)
    %dma_start3A_5 = tpu.memref_slice %arg4[%multiple_of3A] : memref<320000xi32, #tpu.memory_space<hbm>> -> memref<80xi32, #tpu.memory_space<hbm>>
    %dma_start3A_6 = tpu.memref_slice %arg4[%multiple_of3A] : memref<320000xi32, #tpu.memory_space<hbm>> -> memref<80xi32, #tpu.memory_space<hbm>>
    tpu.enqueue_dma source(%dma_start3A_6 : memref<80xi32, #tpu.memory_space<hbm>>) target(%arg8 : memref<80xi32, #tpu.memory_space<vmem>>) target_semaphore(%arg22 : memref<!tpu.dma_semaphore, #tpu.memory_space<semaphore_mem>>)
    %add3A_7 = arith.constant 16 : i32
    %add3A_8 = arith.addi %arg1, %add3A_7 : i32
    %mul3A_9 = arith.constant 80 : i32
    %mul3A_10 = arith.muli %add3A_8, %mul3A_9 : i32
    %multiple_of3A_11 = tpu.assume_multiple %mul3A_10, 8 : i32
    %dma_start3A_12 = tpu.memref_slice %arg3[%multiple_of3A_11] : memref<320000xi32, #tpu.memory_space<hbm>> -> memref<80xi32, #tpu.memory_space<hbm>>
    %dma_start3A_13 = tpu.memref_slice %arg3[%multiple_of3A_11] : memref<320000xi32, #tpu.memory_space<hbm>> -> memref<80xi32, #tpu.memory_space<hbm>>
    tpu.enqueue_dma source(%dma_start3A_13 : memref<80xi32, #tpu.memory_space<hbm>>) target(%arg9 : memref<80xi32, #tpu.memory_space<vmem>>) target_semaphore(%arg23 : memref<!tpu.dma_semaphore, #tpu.memory_space<semaphore_mem>>)
    %dma_start3A_14 = tpu.memref_slice %arg4[%multiple_of3A_11] : memref<320000xi32, #tpu.memory_space<hbm>> -> memref<80xi32, #tpu.memory_space<hbm>>
    %dma_start3A_15 = tpu.memref_slice %arg4[%multiple_of3A_11] : memref<320000xi32, #tpu.memory_space<hbm>> -> memref<80xi32, #tpu.memory_space<hbm>>
    tpu.enqueue_dma source(%dma_start3A_15 : memref<80xi32, #tpu.memory_space<hbm>>) target(%arg10 : memref<80xi32, #tpu.memory_space<vmem>>) target_semaphore(%arg23 : memref<!tpu.dma_semaphore, #tpu.memory_space<semaphore_mem>>)
    %add3A_16 = arith.constant 32 : i32
    %add3A_17 = arith.addi %arg1, %add3A_16 : i32
    %mul3A_18 = arith.constant 80 : i32
    %mul3A_19 = arith.muli %add3A_17, %mul3A_18 : i32
    %multiple_of3A_20 = tpu.assume_multiple %mul3A_19, 8 : i32
    %dma_start3A_21 = tpu.memref_slice %arg3[%multiple_of3A_20] : memref<320000xi32, #tpu.memory_space<hbm>> -> memref<80xi32, #tpu.memory_space<hbm>>
    %dma_start3A_22 = tpu.memref_slice %arg3[%multiple_of3A_20] : memref<320000xi32, #tpu.memory_space<hbm>> -> memref<80xi32, #tpu.memory_space<hbm>>
    tpu.enqueue_dma source(%dma_start3A_22 : memref<80xi32, #tpu.memory_space<hbm>>) target(%arg11 : memref<80xi32, #tpu.memory_space<vmem>>) target_semaphore(%arg24 : memref<!tpu.dma_semaphore, #tpu.memory_space<semaphore_mem>>)
    %dma_start3A_23 = tpu.memref_slice %arg4[%multiple_of3A_20] : memref<320000xi32, #tpu.memory_space<hbm>> -> memref<80xi32, #tpu.memory_space<hbm>>
    %dma_start3A_24 = tpu.memref_slice %arg4[%multiple_of3A_20] : memref<320000xi32, #tpu.memory_space<hbm>> -> memref<80xi32, #tpu.memory_space<hbm>>
    tpu.enqueue_dma source(%dma_start3A_24 : memref<80xi32, #tpu.memory_space<hbm>>) target(%arg12 : memref<80xi32, #tpu.memory_space<vmem>>) target_semaphore(%arg24 : memref<!tpu.dma_semaphore, #tpu.memory_space<semaphore_mem>>)
    %add3A_25 = arith.constant 48 : i32
    %add3A_26 = arith.addi %arg1, %add3A_25 : i32
    %mul3A_27 = arith.constant 80 : i32
    %mul3A_28 = arith.muli %add3A_26, %mul3A_27 : i32
    %multiple_of3A_29 = tpu.assume_multiple %mul3A_28, 8 : i32
    %dma_start3A_30 = tpu.memref_slice %arg3[%multiple_of3A_29] : memref<320000xi32, #tpu.memory_space<hbm>> -> memref<80xi32, #tpu.memory_space<hbm>>
    %dma_start3A_31 = tpu.memref_slice %arg3[%multiple_of3A_29] : memref<320000xi32, #tpu.memory_space<hbm>> -> memref<80xi32, #tpu.memory_space<hbm>>
    tpu.enqueue_dma source(%dma_start3A_31 : memref<80xi32, #tpu.memory_space<hbm>>) target(%arg13 : memref<80xi32, #tpu.memory_space<vmem>>) target_semaphore(%arg25 : memref<!tpu.dma_semaphore, #tpu.memory_space<semaphore_mem>>)
    %dma_start3A_32 = tpu.memref_slice %arg4[%multiple_of3A_29] : memref<320000xi32, #tpu.memory_space<hbm>> -> memref<80xi32, #tpu.memory_space<hbm>>
    %dma_start3A_33 = tpu.memref_slice %arg4[%multiple_of3A_29] : memref<320000xi32, #tpu.memory_space<hbm>> -> memref<80xi32, #tpu.memory_space<hbm>>
    tpu.enqueue_dma source(%dma_start3A_33 : memref<80xi32, #tpu.memory_space<hbm>>) target(%arg14 : memref<80xi32, #tpu.memory_space<vmem>>) target_semaphore(%arg25 : memref<!tpu.dma_semaphore, #tpu.memory_space<semaphore_mem>>)
    %add3A_34 = arith.constant 64 : i32
    %add3A_35 = arith.addi %arg1, %add3A_34 : i32
    %mul3A_36 = arith.constant 80 : i32
    %mul3A_37 = arith.muli %add3A_35, %mul3A_36 : i32
    %multiple_of3A_38 = tpu.assume_multiple %mul3A_37, 8 : i32
    %dma_start3A_39 = tpu.memref_slice %arg3[%multiple_of3A_38] : memref<320000xi32, #tpu.memory_space<hbm>> -> memref<80xi32, #tpu.memory_space<hbm>>
    %dma_start3A_40 = tpu.memref_slice %arg3[%multiple_of3A_38] : memref<320000xi32, #tpu.memory_space<hbm>> -> memref<80xi32, #tpu.memory_space<hbm>>
    tpu.enqueue_dma source(%dma_start3A_40 : memref<80xi32, #tpu.memory_space<hbm>>) target(%arg15 : memref<80xi32, #tpu.memory_space<vmem>>) target_semaphore(%arg26 : memref<!tpu.dma_semaphore, #tpu.memory_space<semaphore_mem>>)
    %dma_start3A_41 = tpu.memref_slice %arg4[%multiple_of3A_38] : memref<320000xi32, #tpu.memory_space<hbm>> -> memref<80xi32, #tpu.memory_space<hbm>>
    %dma_start3A_42 = tpu.memref_slice %arg4[%multiple_of3A_38] : memref<320000xi32, #tpu.memory_space<hbm>> -> memref<80xi32, #tpu.memory_space<hbm>>
    tpu.enqueue_dma source(%dma_start3A_42 : memref<80xi32, #tpu.memory_space<hbm>>) target(%arg16 : memref<80xi32, #tpu.memory_space<vmem>>) target_semaphore(%arg26 : memref<!tpu.dma_semaphore, #tpu.memory_space<semaphore_mem>>)
    %add3A_43 = arith.constant 80 : i32
    %add3A_44 = arith.addi %arg1, %add3A_43 : i32
    %mul3A_45 = arith.constant 80 : i32
    %mul3A_46 = arith.muli %add3A_44, %mul3A_45 : i32
    %multiple_of3A_47 = tpu.assume_multiple %mul3A_46, 8 : i32
    %dma_start3A_48 = tpu.memref_slice %arg3[%multiple_of3A_47] : memref<320000xi32, #tpu.memory_space<hbm>> -> memref<80xi32, #tpu.memory_space<hbm>>
    %dma_start3A_49 = tpu.memref_slice %arg3[%multiple_of3A_47] : memref<320000xi32, #tpu.memory_space<hbm>> -> memref<80xi32, #tpu.memory_space<hbm>>
    tpu.enqueue_dma source(%dma_start3A_49 : memref<80xi32, #tpu.memory_space<hbm>>) target(%arg17 : memref<80xi32, #tpu.memory_space<vmem>>) target_semaphore(%arg27 : memref<!tpu.dma_semaphore, #tpu.memory_space<semaphore_mem>>)
    %dma_start3A_50 = tpu.memref_slice %arg4[%multiple_of3A_47] : memref<320000xi32, #tpu.memory_space<hbm>> -> memref<80xi32, #tpu.memory_space<hbm>>
    %dma_start3A_51 = tpu.memref_slice %arg4[%multiple_of3A_47] : memref<320000xi32, #tpu.memory_space<hbm>> -> memref<80xi32, #tpu.memory_space<hbm>>
    tpu.enqueue_dma source(%dma_start3A_51 : memref<80xi32, #tpu.memory_space<hbm>>) target(%arg18 : memref<80xi32, #tpu.memory_space<vmem>>) target_semaphore(%arg27 : memref<!tpu.dma_semaphore, #tpu.memory_space<semaphore_mem>>)
    %dma_wait3A = arith.constant 0 : i32
    %dma_wait3A_52 = tpu.memref_slice %arg3[%dma_wait3A] : memref<320000xi32, #tpu.memory_space<hbm>> -> memref<80xi32, #tpu.memory_space<hbm>>
    %dma_wait3A_53 = arith.constant 0 : i32
    %dma_wait3A_54 = tpu.memref_slice %arg3[%dma_wait3A_53] : memref<320000xi32, #tpu.memory_space<hbm>> -> memref<80xi32, #tpu.memory_space<hbm>>
    tpu.wait_dma2 semaphore(%arg22 : memref<!tpu.dma_semaphore, #tpu.memory_space<semaphore_mem>>) src(%dma_wait3A_54 : memref<80xi32, #tpu.memory_space<hbm>>) dst(%arg7 : memref<80xi32, #tpu.memory_space<vmem>>)
    %dma_wait3A_55 = arith.constant 0 : i32
    %dma_wait3A_56 = tpu.memref_slice %arg4[%dma_wait3A_55] : memref<320000xi32, #tpu.memory_space<hbm>> -> memref<80xi32, #tpu.memory_space<hbm>>
    %dma_wait3A_57 = arith.constant 0 : i32
    %dma_wait3A_58 = tpu.memref_slice %arg4[%dma_wait3A_57] : memref<320000xi32, #tpu.memory_space<hbm>> -> memref<80xi32, #tpu.memory_space<hbm>>
    tpu.wait_dma2 semaphore(%arg22 : memref<!tpu.dma_semaphore, #tpu.memory_space<semaphore_mem>>) src(%dma_wait3A_58 : memref<80xi32, #tpu.memory_space<hbm>>) dst(%arg8 : memref<80xi32, #tpu.memory_space<vmem>>)
    %dma_start3A_59 = arith.constant 0 : i32
    %dma_start3A_60 = arith.constant 0 : i32
    %dma_start3A_61 = tpu.memref_slice %arg2[%arg0, %dma_start3A_59, %dma_start3A_60] : memref<2x10240x128xf32, #tpu.memory_space<hbm>> -> memref<1x10240x128xf32, #tpu.memory_space<hbm>>
    %dma_start3A_62 = tpu.memref_squeeze %dma_start3A_61 : memref<1x10240x128xf32, #tpu.memory_space<hbm>> -> memref<10240x128xf32, #tpu.memory_space<hbm>>
    %dma_start3A_63 = arith.constant 0 : i32
    %dma_start3A_64 = arith.constant 0 : i32
    %dma_start3A_65 = tpu.memref_slice %dma_start3A_62[%dma_start3A_63, %dma_start3A_64] : memref<10240x128xf32, #tpu.memory_space<hbm>> -> memref<10240x128xf32, #tpu.memory_space<hbm>>
    tpu.enqueue_indirect_dma source(%dma_start3A_65 : memref<10240x128xf32, #tpu.memory_space<hbm>>) target(%arg19 : memref<80x128xf32, #tpu.memory_space<vmem>>) offsets(%arg7 : memref<80xi32, #tpu.memory_space<vmem>>) semaphore(%arg28 : memref<!tpu.dma_semaphore, #tpu.memory_space<semaphore_mem>>)
    %dma_wait3A_66 = arith.constant 0 : i32
    %dma_wait3A_67 = tpu.memref_slice %arg3[%dma_wait3A_66] : memref<320000xi32, #tpu.memory_space<hbm>> -> memref<80xi32, #tpu.memory_space<hbm>>
    %dma_wait3A_68 = arith.constant 0 : i32
    %dma_wait3A_69 = tpu.memref_slice %arg3[%dma_wait3A_68] : memref<320000xi32, #tpu.memory_space<hbm>> -> memref<80xi32, #tpu.memory_space<hbm>>
    tpu.wait_dma2 semaphore(%arg23 : memref<!tpu.dma_semaphore, #tpu.memory_space<semaphore_mem>>) src(%dma_wait3A_69 : memref<80xi32, #tpu.memory_space<hbm>>) dst(%arg9 : memref<80xi32, #tpu.memory_space<vmem>>)
    %dma_wait3A_70 = arith.constant 0 : i32
    %dma_wait3A_71 = tpu.memref_slice %arg4[%dma_wait3A_70] : memref<320000xi32, #tpu.memory_space<hbm>> -> memref<80xi32, #tpu.memory_space<hbm>>
    %dma_wait3A_72 = arith.constant 0 : i32
    %dma_wait3A_73 = tpu.memref_slice %arg4[%dma_wait3A_72] : memref<320000xi32, #tpu.memory_space<hbm>> -> memref<80xi32, #tpu.memory_space<hbm>>
    tpu.wait_dma2 semaphore(%arg23 : memref<!tpu.dma_semaphore, #tpu.memory_space<semaphore_mem>>) src(%dma_wait3A_73 : memref<80xi32, #tpu.memory_space<hbm>>) dst(%arg10 : memref<80xi32, #tpu.memory_space<vmem>>)
    %dma_start3A_74 = arith.constant 0 : i32
    %dma_start3A_75 = arith.constant 0 : i32
    %dma_start3A_76 = tpu.memref_slice %arg2[%arg0, %dma_start3A_74, %dma_start3A_75] : memref<2x10240x128xf32, #tpu.memory_space<hbm>> -> memref<1x10240x128xf32, #tpu.memory_space<hbm>>
    %dma_start3A_77 = tpu.memref_squeeze %dma_start3A_76 : memref<1x10240x128xf32, #tpu.memory_space<hbm>> -> memref<10240x128xf32, #tpu.memory_space<hbm>>
    %dma_start3A_78 = arith.constant 0 : i32
    %dma_start3A_79 = arith.constant 0 : i32
    %dma_start3A_80 = tpu.memref_slice %dma_start3A_77[%dma_start3A_78, %dma_start3A_79] : memref<10240x128xf32, #tpu.memory_space<hbm>> -> memref<10240x128xf32, #tpu.memory_space<hbm>>
    tpu.enqueue_indirect_dma source(%dma_start3A_80 : memref<10240x128xf32, #tpu.memory_space<hbm>>) target(%arg20 : memref<80x128xf32, #tpu.memory_space<vmem>>) offsets(%arg9 : memref<80xi32, #tpu.memory_space<vmem>>) semaphore(%arg29 : memref<!tpu.dma_semaphore, #tpu.memory_space<semaphore_mem>>)
    %scan3A = arith.constant 0 : i32
    %scan3A_81 = arith.constant 0 : i32
    %scan3A_82 = arith.constant 42 : i32
    %scan3A_83 = arith.addi %scan3A_81, %scan3A_82 : i32
    %scan3A_84 = arith.constant 1 : i32
    scf.for %scan3A_93 = %scan3A_81 to %scan3A_83 step %scan3A_84  : i32 {
      %mul3A_94 = arith.constant 6 : i32
      %mul3A_95 = arith.muli %mul3A_94, %scan3A_93 : i32
      %add3A_96 = arith.constant 0 : i32
      %add3A_97 = arith.addi %mul3A_95, %add3A_96 : i32
      %lt3A_98 = arith.constant 250 : i32
      %lt3A_99 = arith.cmpi slt, %add3A_97, %lt3A_98 : i32
      %convert_element_type3A_100 = arith.extui %lt3A_99 : i1 to i32
      %cond3A_101 = arith.constant 0 : i32
      %cond3A_102 = arith.cmpi ne, %convert_element_type3A_100, %cond3A_101 : i32
      scf.if %cond3A_102 {
        %dma_wait3A_237 = arith.constant 0 : i32
        %dma_wait3A_238 = arith.constant 0 : i32
        %dma_wait3A_239 = tpu.memref_slice %arg2[%arg0, %dma_wait3A_237, %dma_wait3A_238] : memref<2x10240x128xf32, #tpu.memory_space<hbm>> -> memref<1x10240x128xf32, #tpu.memory_space<hbm>>
        %dma_wait3A_240 = tpu.memref_squeeze %dma_wait3A_239 : memref<1x10240x128xf32, #tpu.memory_space<hbm>> -> memref<10240x128xf32, #tpu.memory_space<hbm>>
        %dma_wait3A_241 = arith.constant 0 : i32
        %dma_wait3A_242 = arith.constant 0 : i32
        %dma_wait3A_243 = tpu.memref_slice %dma_wait3A_240[%dma_wait3A_241, %dma_wait3A_242] : memref<10240x128xf32, #tpu.memory_space<hbm>> -> memref<10240x128xf32, #tpu.memory_space<hbm>>
        tpu.wait_indirect_dma semaphore(%arg28 : memref<!tpu.dma_semaphore, #tpu.memory_space<semaphore_mem>>) src(%dma_wait3A_243 : memref<10240x128xf32, #tpu.memory_space<hbm>>) dst(%arg19 : memref<80x128xf32, #tpu.memory_space<vmem>>)
        %dma_start3A_244 = arith.constant 0 : i32
        %dma_start3A_245 = arith.constant 0 : i32
        %dma_start3A_246 = tpu.memref_slice %arg34[%dma_start3A_244, %dma_start3A_245] : memref<10240x128xf32, #tpu.memory_space<vmem_shared>> -> memref<10240x128xf32, #tpu.memory_space<vmem_shared>>
        tpu.enqueue_indirect_dma source(%arg19 : memref<80x128xf32, #tpu.memory_space<vmem>>) target(%dma_start3A_246 : memref<10240x128xf32, #tpu.memory_space<vmem_shared>>) offsets(%arg8 : memref<80xi32, #tpu.memory_space<vmem>>) semaphore(%arg31 : memref<!tpu.dma_semaphore, #tpu.memory_space<semaphore_mem>>) {add = true}
      } else {
      }
      %ge3A = arith.constant 1 : i32
      %ge3A_103 = arith.cmpi sge, %add3A_97, %ge3A : i32
      %sub3A = arith.constant 1 : i32
      %sub3A_104 = arith.subi %add3A_97, %sub3A : i32
      %lt3A_105 = arith.constant 250 : i32
      %lt3A_106 = arith.cmpi slt, %sub3A_104, %lt3A_105 : i32
      %and3A = arith.andi %ge3A_103, %lt3A_106 : i1
      %convert_element_type3A_107 = arith.extui %and3A : i1 to i32
      %cond3A_108 = arith.constant 0 : i32
      %cond3A_109 = arith.cmpi ne, %convert_element_type3A_107, %cond3A_108 : i32
      scf.if %cond3A_109 {
        %dma_wait3A_237 = arith.constant 0 : i32
        %dma_wait3A_238 = arith.constant 0 : i32
        %dma_wait3A_239 = tpu.memref_slice %arg34[%dma_wait3A_237, %dma_wait3A_238] : memref<10240x128xf32, #tpu.memory_space<vmem_shared>> -> memref<10240x128xf32, #tpu.memory_space<vmem_shared>>
        tpu.wait_indirect_dma semaphore(%arg33 : memref<!tpu.dma_semaphore, #tpu.memory_space<semaphore_mem>>) src(%arg21 : memref<80x128xf32, #tpu.memory_space<vmem>>) dst(%dma_wait3A_239 : memref<10240x128xf32, #tpu.memory_space<vmem_shared>>)
        %add3A_240 = arith.constant 5 : i32
        %add3A_241 = arith.addi %add3A_97, %add3A_240 : i32
        %lt3A_242 = arith.constant 250 : i32
        %lt3A_243 = arith.cmpi slt, %add3A_241, %lt3A_242 : i32
        %convert_element_type3A_244 = arith.extui %lt3A_243 : i1 to i32
        %cond3A_245 = arith.constant 0 : i32
        %cond3A_246 = arith.cmpi ne, %convert_element_type3A_244, %cond3A_245 : i32
        scf.if %cond3A_246 {
          %add3A_247 = arith.constant 5 : i32
          %add3A_248 = arith.addi %add3A_97, %add3A_247 : i32
          %mul3A_249 = arith.constant 16 : i32
          %mul3A_250 = arith.muli %mul3A_249, %add3A_248 : i32
          %add3A_251 = arith.addi %arg1, %mul3A_250 : i32
          %mul3A_252 = arith.constant 80 : i32
          %mul3A_253 = arith.muli %add3A_251, %mul3A_252 : i32
          %multiple_of3A_254 = tpu.assume_multiple %mul3A_253, 8 : i32
          %dma_start3A_255 = tpu.memref_slice %arg3[%multiple_of3A_254] : memref<320000xi32, #tpu.memory_space<hbm>> -> memref<80xi32, #tpu.memory_space<hbm>>
          %dma_start3A_256 = tpu.memref_slice %arg3[%multiple_of3A_254] : memref<320000xi32, #tpu.memory_space<hbm>> -> memref<80xi32, #tpu.memory_space<hbm>>
          tpu.enqueue_dma source(%dma_start3A_256 : memref<80xi32, #tpu.memory_space<hbm>>) target(%arg17 : memref<80xi32, #tpu.memory_space<vmem>>) target_semaphore(%arg27 : memref<!tpu.dma_semaphore, #tpu.memory_space<semaphore_mem>>)
          %dma_start3A_257 = tpu.memref_slice %arg4[%multiple_of3A_254] : memref<320000xi32, #tpu.memory_space<hbm>> -> memref<80xi32, #tpu.memory_space<hbm>>
          %dma_start3A_258 = tpu.memref_slice %arg4[%multiple_of3A_254] : memref<320000xi32, #tpu.memory_space<hbm>> -> memref<80xi32, #tpu.memory_space<hbm>>
          tpu.enqueue_dma source(%dma_start3A_258 : memref<80xi32, #tpu.memory_space<hbm>>) target(%arg18 : memref<80xi32, #tpu.memory_space<vmem>>) target_semaphore(%arg27 : memref<!tpu.dma_semaphore, #tpu.memory_space<semaphore_mem>>)
        } else {
        }
      } else {
      }
      %add3A_110 = arith.constant 2 : i32
      %add3A_111 = arith.addi %add3A_97, %add3A_110 : i32
      %lt3A_112 = arith.constant 250 : i32
      %lt3A_113 = arith.cmpi slt, %add3A_111, %lt3A_112 : i32
      %convert_element_type3A_114 = arith.extui %lt3A_113 : i1 to i32
      %cond3A_115 = arith.constant 0 : i32
      %cond3A_116 = arith.cmpi ne, %convert_element_type3A_114, %cond3A_115 : i32
      scf.if %cond3A_116 {
        %dma_wait3A_237 = arith.constant 0 : i32
        %dma_wait3A_238 = tpu.memref_slice %arg3[%dma_wait3A_237] : memref<320000xi32, #tpu.memory_space<hbm>> -> memref<80xi32, #tpu.memory_space<hbm>>
        %dma_wait3A_239 = arith.constant 0 : i32
        %dma_wait3A_240 = tpu.memref_slice %arg3[%dma_wait3A_239] : memref<320000xi32, #tpu.memory_space<hbm>> -> memref<80xi32, #tpu.memory_space<hbm>>
        tpu.wait_dma2 semaphore(%arg24 : memref<!tpu.dma_semaphore, #tpu.memory_space<semaphore_mem>>) src(%dma_wait3A_240 : memref<80xi32, #tpu.memory_space<hbm>>) dst(%arg11 : memref<80xi32, #tpu.memory_space<vmem>>)
        %dma_wait3A_241 = arith.constant 0 : i32
        %dma_wait3A_242 = tpu.memref_slice %arg4[%dma_wait3A_241] : memref<320000xi32, #tpu.memory_space<hbm>> -> memref<80xi32, #tpu.memory_space<hbm>>
        %dma_wait3A_243 = arith.constant 0 : i32
        %dma_wait3A_244 = tpu.memref_slice %arg4[%dma_wait3A_243] : memref<320000xi32, #tpu.memory_space<hbm>> -> memref<80xi32, #tpu.memory_space<hbm>>
        tpu.wait_dma2 semaphore(%arg24 : memref<!tpu.dma_semaphore, #tpu.memory_space<semaphore_mem>>) src(%dma_wait3A_244 : memref<80xi32, #tpu.memory_space<hbm>>) dst(%arg12 : memref<80xi32, #tpu.memory_space<vmem>>)
        %dma_start3A_245 = arith.constant 0 : i32
        %dma_start3A_246 = arith.constant 0 : i32
        %dma_start3A_247 = tpu.memref_slice %arg2[%arg0, %dma_start3A_245, %dma_start3A_246] : memref<2x10240x128xf32, #tpu.memory_space<hbm>> -> memref<1x10240x128xf32, #tpu.memory_space<hbm>>
        %dma_start3A_248 = tpu.memref_squeeze %dma_start3A_247 : memref<1x10240x128xf32, #tpu.memory_space<hbm>> -> memref<10240x128xf32, #tpu.memory_space<hbm>>
        %dma_start3A_249 = arith.constant 0 : i32
        %dma_start3A_250 = arith.constant 0 : i32
        %dma_start3A_251 = tpu.memref_slice %dma_start3A_248[%dma_start3A_249, %dma_start3A_250] : memref<10240x128xf32, #tpu.memory_space<hbm>> -> memref<10240x128xf32, #tpu.memory_space<hbm>>
        tpu.enqueue_indirect_dma source(%dma_start3A_251 : memref<10240x128xf32, #tpu.memory_space<hbm>>) target(%arg21 : memref<80x128xf32, #tpu.memory_space<vmem>>) offsets(%arg11 : memref<80xi32, #tpu.memory_space<vmem>>) semaphore(%arg30 : memref<!tpu.dma_semaphore, #tpu.memory_space<semaphore_mem>>)
      } else {
      }
      %add3A_117 = arith.constant 1 : i32
      %add3A_118 = arith.addi %mul3A_95, %add3A_117 : i32
      %lt3A_119 = arith.constant 250 : i32
      %lt3A_120 = arith.cmpi slt, %add3A_118, %lt3A_119 : i32
      %convert_element_type3A_121 = arith.extui %lt3A_120 : i1 to i32
      %cond3A_122 = arith.constant 0 : i32
      %cond3A_123 = arith.cmpi ne, %convert_element_type3A_121, %cond3A_122 : i32
      scf.if %cond3A_123 {
        %dma_wait3A_237 = arith.constant 0 : i32
        %dma_wait3A_238 = arith.constant 0 : i32
        %dma_wait3A_239 = tpu.memref_slice %arg2[%arg0, %dma_wait3A_237, %dma_wait3A_238] : memref<2x10240x128xf32, #tpu.memory_space<hbm>> -> memref<1x10240x128xf32, #tpu.memory_space<hbm>>
        %dma_wait3A_240 = tpu.memref_squeeze %dma_wait3A_239 : memref<1x10240x128xf32, #tpu.memory_space<hbm>> -> memref<10240x128xf32, #tpu.memory_space<hbm>>
        %dma_wait3A_241 = arith.constant 0 : i32
        %dma_wait3A_242 = arith.constant 0 : i32
        %dma_wait3A_243 = tpu.memref_slice %dma_wait3A_240[%dma_wait3A_241, %dma_wait3A_242] : memref<10240x128xf32, #tpu.memory_space<hbm>> -> memref<10240x128xf32, #tpu.memory_space<hbm>>
        tpu.wait_indirect_dma semaphore(%arg29 : memref<!tpu.dma_semaphore, #tpu.memory_space<semaphore_mem>>) src(%dma_wait3A_243 : memref<10240x128xf32, #tpu.memory_space<hbm>>) dst(%arg20 : memref<80x128xf32, #tpu.memory_space<vmem>>)
        %dma_start3A_244 = arith.constant 0 : i32
        %dma_start3A_245 = arith.constant 0 : i32
        %dma_start3A_246 = tpu.memref_slice %arg34[%dma_start3A_244, %dma_start3A_245] : memref<10240x128xf32, #tpu.memory_space<vmem_shared>> -> memref<10240x128xf32, #tpu.memory_space<vmem_shared>>
        tpu.enqueue_indirect_dma source(%arg20 : memref<80x128xf32, #tpu.memory_space<vmem>>) target(%dma_start3A_246 : memref<10240x128xf32, #tpu.memory_space<vmem_shared>>) offsets(%arg10 : memref<80xi32, #tpu.memory_space<vmem>>) semaphore(%arg32 : memref<!tpu.dma_semaphore, #tpu.memory_space<semaphore_mem>>) {add = true}
      } else {
      }
      %ge3A_124 = arith.constant 1 : i32
      %ge3A_125 = arith.cmpi sge, %add3A_118, %ge3A_124 : i32
      %sub3A_126 = arith.constant 1 : i32
      %sub3A_127 = arith.subi %add3A_118, %sub3A_126 : i32
      %lt3A_128 = arith.constant 250 : i32
      %lt3A_129 = arith.cmpi slt, %sub3A_127, %lt3A_128 : i32
      %and3A_130 = arith.andi %ge3A_125, %lt3A_129 : i1
      %convert_element_type3A_131 = arith.extui %and3A_130 : i1 to i32
      %cond3A_132 = arith.constant 0 : i32
      %cond3A_133 = arith.cmpi ne, %convert_element_type3A_131, %cond3A_132 : i32
      scf.if %cond3A_133 {
        %dma_wait3A_237 = arith.constant 0 : i32
        %dma_wait3A_238 = arith.constant 0 : i32
        %dma_wait3A_239 = tpu.memref_slice %arg34[%dma_wait3A_237, %dma_wait3A_238] : memref<10240x128xf32, #tpu.memory_space<vmem_shared>> -> memref<10240x128xf32, #tpu.memory_space<vmem_shared>>
        tpu.wait_indirect_dma semaphore(%arg31 : memref<!tpu.dma_semaphore, #tpu.memory_space<semaphore_mem>>) src(%arg19 : memref<80x128xf32, #tpu.memory_space<vmem>>) dst(%dma_wait3A_239 : memref<10240x128xf32, #tpu.memory_space<vmem_shared>>)
        %add3A_240 = arith.constant 5 : i32
        %add3A_241 = arith.addi %add3A_118, %add3A_240 : i32
        %lt3A_242 = arith.constant 250 : i32
        %lt3A_243 = arith.cmpi slt, %add3A_241, %lt3A_242 : i32
        %convert_element_type3A_244 = arith.extui %lt3A_243 : i1 to i32
        %cond3A_245 = arith.constant 0 : i32
        %cond3A_246 = arith.cmpi ne, %convert_element_type3A_244, %cond3A_245 : i32
        scf.if %cond3A_246 {
          %add3A_247 = arith.constant 5 : i32
          %add3A_248 = arith.addi %add3A_118, %add3A_247 : i32
          %mul3A_249 = arith.constant 16 : i32
          %mul3A_250 = arith.muli %mul3A_249, %add3A_248 : i32
          %add3A_251 = arith.addi %arg1, %mul3A_250 : i32
          %mul3A_252 = arith.constant 80 : i32
          %mul3A_253 = arith.muli %add3A_251, %mul3A_252 : i32
          %multiple_of3A_254 = tpu.assume_multiple %mul3A_253, 8 : i32
          %dma_start3A_255 = tpu.memref_slice %arg3[%multiple_of3A_254] : memref<320000xi32, #tpu.memory_space<hbm>> -> memref<80xi32, #tpu.memory_space<hbm>>
          %dma_start3A_256 = tpu.memref_slice %arg3[%multiple_of3A_254] : memref<320000xi32, #tpu.memory_space<hbm>> -> memref<80xi32, #tpu.memory_space<hbm>>
          tpu.enqueue_dma source(%dma_start3A_256 : memref<80xi32, #tpu.memory_space<hbm>>) target(%arg7 : memref<80xi32, #tpu.memory_space<vmem>>) target_semaphore(%arg22 : memref<!tpu.dma_semaphore, #tpu.memory_space<semaphore_mem>>)
          %dma_start3A_257 = tpu.memref_slice %arg4[%multiple_of3A_254] : memref<320000xi32, #tpu.memory_space<hbm>> -> memref<80xi32, #tpu.memory_space<hbm>>
          %dma_start3A_258 = tpu.memref_slice %arg4[%multiple_of3A_254] : memref<320000xi32, #tpu.memory_space<hbm>> -> memref<80xi32, #tpu.memory_space<hbm>>
          tpu.enqueue_dma source(%dma_start3A_258 : memref<80xi32, #tpu.memory_space<hbm>>) target(%arg8 : memref<80xi32, #tpu.memory_space<vmem>>) target_semaphore(%arg22 : memref<!tpu.dma_semaphore, #tpu.memory_space<semaphore_mem>>)
        } else {
        }
      } else {
      }
      %add3A_134 = arith.constant 2 : i32
      %add3A_135 = arith.addi %add3A_118, %add3A_134 : i32
      %lt3A_136 = arith.constant 250 : i32
      %lt3A_137 = arith.cmpi slt, %add3A_135, %lt3A_136 : i32
      %convert_element_type3A_138 = arith.extui %lt3A_137 : i1 to i32
      %cond3A_139 = arith.constant 0 : i32
      %cond3A_140 = arith.cmpi ne, %convert_element_type3A_138, %cond3A_139 : i32
      scf.if %cond3A_140 {
        %dma_wait3A_237 = arith.constant 0 : i32
        %dma_wait3A_238 = tpu.memref_slice %arg3[%dma_wait3A_237] : memref<320000xi32, #tpu.memory_space<hbm>> -> memref<80xi32, #tpu.memory_space<hbm>>
        %dma_wait3A_239 = arith.constant 0 : i32
        %dma_wait3A_240 = tpu.memref_slice %arg3[%dma_wait3A_239] : memref<320000xi32, #tpu.memory_space<hbm>> -> memref<80xi32, #tpu.memory_space<hbm>>
        tpu.wait_dma2 semaphore(%arg25 : memref<!tpu.dma_semaphore, #tpu.memory_space<semaphore_mem>>) src(%dma_wait3A_240 : memref<80xi32, #tpu.memory_space<hbm>>) dst(%arg13 : memref<80xi32, #tpu.memory_space<vmem>>)
        %dma_wait3A_241 = arith.constant 0 : i32
        %dma_wait3A_242 = tpu.memref_slice %arg4[%dma_wait3A_241] : memref<320000xi32, #tpu.memory_space<hbm>> -> memref<80xi32, #tpu.memory_space<hbm>>
        %dma_wait3A_243 = arith.constant 0 : i32
        %dma_wait3A_244 = tpu.memref_slice %arg4[%dma_wait3A_243] : memref<320000xi32, #tpu.memory_space<hbm>> -> memref<80xi32, #tpu.memory_space<hbm>>
        tpu.wait_dma2 semaphore(%arg25 : memref<!tpu.dma_semaphore, #tpu.memory_space<semaphore_mem>>) src(%dma_wait3A_244 : memref<80xi32, #tpu.memory_space<hbm>>) dst(%arg14 : memref<80xi32, #tpu.memory_space<vmem>>)
        %dma_start3A_245 = arith.constant 0 : i32
        %dma_start3A_246 = arith.constant 0 : i32
        %dma_start3A_247 = tpu.memref_slice %arg2[%arg0, %dma_start3A_245, %dma_start3A_246] : memref<2x10240x128xf32, #tpu.memory_space<hbm>> -> memref<1x10240x128xf32, #tpu.memory_space<hbm>>
        %dma_start3A_248 = tpu.memref_squeeze %dma_start3A_247 : memref<1x10240x128xf32, #tpu.memory_space<hbm>> -> memref<10240x128xf32, #tpu.memory_space<hbm>>
        %dma_start3A_249 = arith.constant 0 : i32
        %dma_start3A_250 = arith.constant 0 : i32
        %dma_start3A_251 = tpu.memref_slice %dma_start3A_248[%dma_start3A_249, %dma_start3A_250] : memref<10240x128xf32, #tpu.memory_space<hbm>> -> memref<10240x128xf32, #tpu.memory_space<hbm>>
        tpu.enqueue_indirect_dma source(%dma_start3A_251 : memref<10240x128xf32, #tpu.memory_space<hbm>>) target(%arg19 : memref<80x128xf32, #tpu.memory_space<vmem>>) offsets(%arg13 : memref<80xi32, #tpu.memory_space<vmem>>) semaphore(%arg28 : memref<!tpu.dma_semaphore, #tpu.memory_space<semaphore_mem>>)
      } else {
      }
      %add3A_141 = arith.constant 2 : i32
      %add3A_142 = arith.addi %mul3A_95, %add3A_141 : i32
      %lt3A_143 = arith.constant 250 : i32
      %lt3A_144 = arith.cmpi slt, %add3A_142, %lt3A_143 : i32
      %convert_element_type3A_145 = arith.extui %lt3A_144 : i1 to i32
      %cond3A_146 = arith.constant 0 : i32
      %cond3A_147 = arith.cmpi ne, %convert_element_type3A_145, %cond3A_146 : i32
      scf.if %cond3A_147 {
        %dma_wait3A_237 = arith.constant 0 : i32
        %dma_wait3A_238 = arith.constant 0 : i32
        %dma_wait3A_239 = tpu.memref_slice %arg2[%arg0, %dma_wait3A_237, %dma_wait3A_238] : memref<2x10240x128xf32, #tpu.memory_space<hbm>> -> memref<1x10240x128xf32, #tpu.memory_space<hbm>>
        %dma_wait3A_240 = tpu.memref_squeeze %dma_wait3A_239 : memref<1x10240x128xf32, #tpu.memory_space<hbm>> -> memref<10240x128xf32, #tpu.memory_space<hbm>>
        %dma_wait3A_241 = arith.constant 0 : i32
        %dma_wait3A_242 = arith.constant 0 : i32
        %dma_wait3A_243 = tpu.memref_slice %dma_wait3A_240[%dma_wait3A_241, %dma_wait3A_242] : memref<10240x128xf32, #tpu.memory_space<hbm>> -> memref<10240x128xf32, #tpu.memory_space<hbm>>
        tpu.wait_indirect_dma semaphore(%arg30 : memref<!tpu.dma_semaphore, #tpu.memory_space<semaphore_mem>>) src(%dma_wait3A_243 : memref<10240x128xf32, #tpu.memory_space<hbm>>) dst(%arg21 : memref<80x128xf32, #tpu.memory_space<vmem>>)
        %dma_start3A_244 = arith.constant 0 : i32
        %dma_start3A_245 = arith.constant 0 : i32
        %dma_start3A_246 = tpu.memref_slice %arg34[%dma_start3A_244, %dma_start3A_245] : memref<10240x128xf32, #tpu.memory_space<vmem_shared>> -> memref<10240x128xf32, #tpu.memory_space<vmem_shared>>
        tpu.enqueue_indirect_dma source(%arg21 : memref<80x128xf32, #tpu.memory_space<vmem>>) target(%dma_start3A_246 : memref<10240x128xf32, #tpu.memory_space<vmem_shared>>) offsets(%arg12 : memref<80xi32, #tpu.memory_space<vmem>>) semaphore(%arg33 : memref<!tpu.dma_semaphore, #tpu.memory_space<semaphore_mem>>) {add = true}
      } else {
      }
      %ge3A_148 = arith.constant 1 : i32
      %ge3A_149 = arith.cmpi sge, %add3A_142, %ge3A_148 : i32
      %sub3A_150 = arith.constant 1 : i32
      %sub3A_151 = arith.subi %add3A_142, %sub3A_150 : i32
      %lt3A_152 = arith.constant 250 : i32
      %lt3A_153 = arith.cmpi slt, %sub3A_151, %lt3A_152 : i32
      %and3A_154 = arith.andi %ge3A_149, %lt3A_153 : i1
      %convert_element_type3A_155 = arith.extui %and3A_154 : i1 to i32
      %cond3A_156 = arith.constant 0 : i32
      %cond3A_157 = arith.cmpi ne, %convert_element_type3A_155, %cond3A_156 : i32
      scf.if %cond3A_157 {
        %dma_wait3A_237 = arith.constant 0 : i32
        %dma_wait3A_238 = arith.constant 0 : i32
        %dma_wait3A_239 = tpu.memref_slice %arg34[%dma_wait3A_237, %dma_wait3A_238] : memref<10240x128xf32, #tpu.memory_space<vmem_shared>> -> memref<10240x128xf32, #tpu.memory_space<vmem_shared>>
        tpu.wait_indirect_dma semaphore(%arg32 : memref<!tpu.dma_semaphore, #tpu.memory_space<semaphore_mem>>) src(%arg20 : memref<80x128xf32, #tpu.memory_space<vmem>>) dst(%dma_wait3A_239 : memref<10240x128xf32, #tpu.memory_space<vmem_shared>>)
        %add3A_240 = arith.constant 5 : i32
        %add3A_241 = arith.addi %add3A_142, %add3A_240 : i32
        %lt3A_242 = arith.constant 250 : i32
        %lt3A_243 = arith.cmpi slt, %add3A_241, %lt3A_242 : i32
        %convert_element_type3A_244 = arith.extui %lt3A_243 : i1 to i32
        %cond3A_245 = arith.constant 0 : i32
        %cond3A_246 = arith.cmpi ne, %convert_element_type3A_244, %cond3A_245 : i32
        scf.if %cond3A_246 {
          %add3A_247 = arith.constant 5 : i32
          %add3A_248 = arith.addi %add3A_142, %add3A_247 : i32
          %mul3A_249 = arith.constant 16 : i32
          %mul3A_250 = arith.muli %mul3A_249, %add3A_248 : i32
          %add3A_251 = arith.addi %arg1, %mul3A_250 : i32
          %mul3A_252 = arith.constant 80 : i32
          %mul3A_253 = arith.muli %add3A_251, %mul3A_252 : i32
          %multiple_of3A_254 = tpu.assume_multiple %mul3A_253, 8 : i32
          %dma_start3A_255 = tpu.memref_slice %arg3[%multiple_of3A_254] : memref<320000xi32, #tpu.memory_space<hbm>> -> memref<80xi32, #tpu.memory_space<hbm>>
          %dma_start3A_256 = tpu.memref_slice %arg3[%multiple_of3A_254] : memref<320000xi32, #tpu.memory_space<hbm>> -> memref<80xi32, #tpu.memory_space<hbm>>
          tpu.enqueue_dma source(%dma_start3A_256 : memref<80xi32, #tpu.memory_space<hbm>>) target(%arg9 : memref<80xi32, #tpu.memory_space<vmem>>) target_semaphore(%arg23 : memref<!tpu.dma_semaphore, #tpu.memory_space<semaphore_mem>>)
          %dma_start3A_257 = tpu.memref_slice %arg4[%multiple_of3A_254] : memref<320000xi32, #tpu.memory_space<hbm>> -> memref<80xi32, #tpu.memory_space<hbm>>
          %dma_start3A_258 = tpu.memref_slice %arg4[%multiple_of3A_254] : memref<320000xi32, #tpu.memory_space<hbm>> -> memref<80xi32, #tpu.memory_space<hbm>>
          tpu.enqueue_dma source(%dma_start3A_258 : memref<80xi32, #tpu.memory_space<hbm>>) target(%arg10 : memref<80xi32, #tpu.memory_space<vmem>>) target_semaphore(%arg23 : memref<!tpu.dma_semaphore, #tpu.memory_space<semaphore_mem>>)
        } else {
        }
      } else {
      }
      %add3A_158 = arith.constant 2 : i32
      %add3A_159 = arith.addi %add3A_142, %add3A_158 : i32
      %lt3A_160 = arith.constant 250 : i32
      %lt3A_161 = arith.cmpi slt, %add3A_159, %lt3A_160 : i32
      %convert_element_type3A_162 = arith.extui %lt3A_161 : i1 to i32
      %cond3A_163 = arith.constant 0 : i32
      %cond3A_164 = arith.cmpi ne, %convert_element_type3A_162, %cond3A_163 : i32
      scf.if %cond3A_164 {
        %dma_wait3A_237 = arith.constant 0 : i32
        %dma_wait3A_238 = tpu.memref_slice %arg3[%dma_wait3A_237] : memref<320000xi32, #tpu.memory_space<hbm>> -> memref<80xi32, #tpu.memory_space<hbm>>
        %dma_wait3A_239 = arith.constant 0 : i32
        %dma_wait3A_240 = tpu.memref_slice %arg3[%dma_wait3A_239] : memref<320000xi32, #tpu.memory_space<hbm>> -> memref<80xi32, #tpu.memory_space<hbm>>
        tpu.wait_dma2 semaphore(%arg26 : memref<!tpu.dma_semaphore, #tpu.memory_space<semaphore_mem>>) src(%dma_wait3A_240 : memref<80xi32, #tpu.memory_space<hbm>>) dst(%arg15 : memref<80xi32, #tpu.memory_space<vmem>>)
        %dma_wait3A_241 = arith.constant 0 : i32
        %dma_wait3A_242 = tpu.memref_slice %arg4[%dma_wait3A_241] : memref<320000xi32, #tpu.memory_space<hbm>> -> memref<80xi32, #tpu.memory_space<hbm>>
        %dma_wait3A_243 = arith.constant 0 : i32
        %dma_wait3A_244 = tpu.memref_slice %arg4[%dma_wait3A_243] : memref<320000xi32, #tpu.memory_space<hbm>> -> memref<80xi32, #tpu.memory_space<hbm>>
        tpu.wait_dma2 semaphore(%arg26 : memref<!tpu.dma_semaphore, #tpu.memory_space<semaphore_mem>>) src(%dma_wait3A_244 : memref<80xi32, #tpu.memory_space<hbm>>) dst(%arg16 : memref<80xi32, #tpu.memory_space<vmem>>)
        %dma_start3A_245 = arith.constant 0 : i32
        %dma_start3A_246 = arith.constant 0 : i32
        %dma_start3A_247 = tpu.memref_slice %arg2[%arg0, %dma_start3A_245, %dma_start3A_246] : memref<2x10240x128xf32, #tpu.memory_space<hbm>> -> memref<1x10240x128xf32, #tpu.memory_space<hbm>>
        %dma_start3A_248 = tpu.memref_squeeze %dma_start3A_247 : memref<1x10240x128xf32, #tpu.memory_space<hbm>> -> memref<10240x128xf32, #tpu.memory_space<hbm>>
        %dma_start3A_249 = arith.constant 0 : i32
        %dma_start3A_250 = arith.constant 0 : i32
        %dma_start3A_251 = tpu.memref_slice %dma_start3A_248[%dma_start3A_249, %dma_start3A_250] : memref<10240x128xf32, #tpu.memory_space<hbm>> -> memref<10240x128xf32, #tpu.memory_space<hbm>>
        tpu.enqueue_indirect_dma source(%dma_start3A_251 : memref<10240x128xf32, #tpu.memory_space<hbm>>) target(%arg20 : memref<80x128xf32, #tpu.memory_space<vmem>>) offsets(%arg15 : memref<80xi32, #tpu.memory_space<vmem>>) semaphore(%arg29 : memref<!tpu.dma_semaphore, #tpu.memory_space<semaphore_mem>>)
      } else {
      }
      %add3A_165 = arith.constant 3 : i32
      %add3A_166 = arith.addi %mul3A_95, %add3A_165 : i32
      %lt3A_167 = arith.constant 250 : i32
      %lt3A_168 = arith.cmpi slt, %add3A_166, %lt3A_167 : i32
      %convert_element_type3A_169 = arith.extui %lt3A_168 : i1 to i32
      %cond3A_170 = arith.constant 0 : i32
      %cond3A_171 = arith.cmpi ne, %convert_element_type3A_169, %cond3A_170 : i32
      scf.if %cond3A_171 {
        %dma_wait3A_237 = arith.constant 0 : i32
        %dma_wait3A_238 = arith.constant 0 : i32
        %dma_wait3A_239 = tpu.memref_slice %arg2[%arg0, %dma_wait3A_237, %dma_wait3A_238] : memref<2x10240x128xf32, #tpu.memory_space<hbm>> -> memref<1x10240x128xf32, #tpu.memory_space<hbm>>
        %dma_wait3A_240 = tpu.memref_squeeze %dma_wait3A_239 : memref<1x10240x128xf32, #tpu.memory_space<hbm>> -> memref<10240x128xf32, #tpu.memory_space<hbm>>
        %dma_wait3A_241 = arith.constant 0 : i32
        %dma_wait3A_242 = arith.constant 0 : i32
        %dma_wait3A_243 = tpu.memref_slice %dma_wait3A_240[%dma_wait3A_241, %dma_wait3A_242] : memref<10240x128xf32, #tpu.memory_space<hbm>> -> memref<10240x128xf32, #tpu.memory_space<hbm>>
        tpu.wait_indirect_dma semaphore(%arg28 : memref<!tpu.dma_semaphore, #tpu.memory_space<semaphore_mem>>) src(%dma_wait3A_243 : memref<10240x128xf32, #tpu.memory_space<hbm>>) dst(%arg19 : memref<80x128xf32, #tpu.memory_space<vmem>>)
        %dma_start3A_244 = arith.constant 0 : i32
        %dma_start3A_245 = arith.constant 0 : i32
        %dma_start3A_246 = tpu.memref_slice %arg34[%dma_start3A_244, %dma_start3A_245] : memref<10240x128xf32, #tpu.memory_space<vmem_shared>> -> memref<10240x128xf32, #tpu.memory_space<vmem_shared>>
        tpu.enqueue_indirect_dma source(%arg19 : memref<80x128xf32, #tpu.memory_space<vmem>>) target(%dma_start3A_246 : memref<10240x128xf32, #tpu.memory_space<vmem_shared>>) offsets(%arg14 : memref<80xi32, #tpu.memory_space<vmem>>) semaphore(%arg31 : memref<!tpu.dma_semaphore, #tpu.memory_space<semaphore_mem>>) {add = true}
      } else {
      }
      %ge3A_172 = arith.constant 1 : i32
      %ge3A_173 = arith.cmpi sge, %add3A_166, %ge3A_172 : i32
      %sub3A_174 = arith.constant 1 : i32
      %sub3A_175 = arith.subi %add3A_166, %sub3A_174 : i32
      %lt3A_176 = arith.constant 250 : i32
      %lt3A_177 = arith.cmpi slt, %sub3A_175, %lt3A_176 : i32
      %and3A_178 = arith.andi %ge3A_173, %lt3A_177 : i1
      %convert_element_type3A_179 = arith.extui %and3A_178 : i1 to i32
      %cond3A_180 = arith.constant 0 : i32
      %cond3A_181 = arith.cmpi ne, %convert_element_type3A_179, %cond3A_180 : i32
      scf.if %cond3A_181 {
        %dma_wait3A_237 = arith.constant 0 : i32
        %dma_wait3A_238 = arith.constant 0 : i32
        %dma_wait3A_239 = tpu.memref_slice %arg34[%dma_wait3A_237, %dma_wait3A_238] : memref<10240x128xf32, #tpu.memory_space<vmem_shared>> -> memref<10240x128xf32, #tpu.memory_space<vmem_shared>>
        tpu.wait_indirect_dma semaphore(%arg33 : memref<!tpu.dma_semaphore, #tpu.memory_space<semaphore_mem>>) src(%arg21 : memref<80x128xf32, #tpu.memory_space<vmem>>) dst(%dma_wait3A_239 : memref<10240x128xf32, #tpu.memory_space<vmem_shared>>)
        %add3A_240 = arith.constant 5 : i32
        %add3A_241 = arith.addi %add3A_166, %add3A_240 : i32
        %lt3A_242 = arith.constant 250 : i32
        %lt3A_243 = arith.cmpi slt, %add3A_241, %lt3A_242 : i32
        %convert_element_type3A_244 = arith.extui %lt3A_243 : i1 to i32
        %cond3A_245 = arith.constant 0 : i32
        %cond3A_246 = arith.cmpi ne, %convert_element_type3A_244, %cond3A_245 : i32
        scf.if %cond3A_246 {
          %add3A_247 = arith.constant 5 : i32
          %add3A_248 = arith.addi %add3A_166, %add3A_247 : i32
          %mul3A_249 = arith.constant 16 : i32
          %mul3A_250 = arith.muli %mul3A_249, %add3A_248 : i32
          %add3A_251 = arith.addi %arg1, %mul3A_250 : i32
          %mul3A_252 = arith.constant 80 : i32
          %mul3A_253 = arith.muli %add3A_251, %mul3A_252 : i32
          %multiple_of3A_254 = tpu.assume_multiple %mul3A_253, 8 : i32
          %dma_start3A_255 = tpu.memref_slice %arg3[%multiple_of3A_254] : memref<320000xi32, #tpu.memory_space<hbm>> -> memref<80xi32, #tpu.memory_space<hbm>>
          %dma_start3A_256 = tpu.memref_slice %arg3[%multiple_of3A_254] : memref<320000xi32, #tpu.memory_space<hbm>> -> memref<80xi32, #tpu.memory_space<hbm>>
          tpu.enqueue_dma source(%dma_start3A_256 : memref<80xi32, #tpu.memory_space<hbm>>) target(%arg11 : memref<80xi32, #tpu.memory_space<vmem>>) target_semaphore(%arg24 : memref<!tpu.dma_semaphore, #tpu.memory_space<semaphore_mem>>)
          %dma_start3A_257 = tpu.memref_slice %arg4[%multiple_of3A_254] : memref<320000xi32, #tpu.memory_space<hbm>> -> memref<80xi32, #tpu.memory_space<hbm>>
          %dma_start3A_258 = tpu.memref_slice %arg4[%multiple_of3A_254] : memref<320000xi32, #tpu.memory_space<hbm>> -> memref<80xi32, #tpu.memory_space<hbm>>
          tpu.enqueue_dma source(%dma_start3A_258 : memref<80xi32, #tpu.memory_space<hbm>>) target(%arg12 : memref<80xi32, #tpu.memory_space<vmem>>) target_semaphore(%arg24 : memref<!tpu.dma_semaphore, #tpu.memory_space<semaphore_mem>>)
        } else {
        }
      } else {
      }
      %add3A_182 = arith.constant 2 : i32
      %add3A_183 = arith.addi %add3A_166, %add3A_182 : i32
      %lt3A_184 = arith.constant 250 : i32
      %lt3A_185 = arith.cmpi slt, %add3A_183, %lt3A_184 : i32
      %convert_element_type3A_186 = arith.extui %lt3A_185 : i1 to i32
      %cond3A_187 = arith.constant 0 : i32
      %cond3A_188 = arith.cmpi ne, %convert_element_type3A_186, %cond3A_187 : i32
      scf.if %cond3A_188 {
        %dma_wait3A_237 = arith.constant 0 : i32
        %dma_wait3A_238 = tpu.memref_slice %arg3[%dma_wait3A_237] : memref<320000xi32, #tpu.memory_space<hbm>> -> memref<80xi32, #tpu.memory_space<hbm>>
        %dma_wait3A_239 = arith.constant 0 : i32
        %dma_wait3A_240 = tpu.memref_slice %arg3[%dma_wait3A_239] : memref<320000xi32, #tpu.memory_space<hbm>> -> memref<80xi32, #tpu.memory_space<hbm>>
        tpu.wait_dma2 semaphore(%arg27 : memref<!tpu.dma_semaphore, #tpu.memory_space<semaphore_mem>>) src(%dma_wait3A_240 : memref<80xi32, #tpu.memory_space<hbm>>) dst(%arg17 : memref<80xi32, #tpu.memory_space<vmem>>)
        %dma_wait3A_241 = arith.constant 0 : i32
        %dma_wait3A_242 = tpu.memref_slice %arg4[%dma_wait3A_241] : memref<320000xi32, #tpu.memory_space<hbm>> -> memref<80xi32, #tpu.memory_space<hbm>>
        %dma_wait3A_243 = arith.constant 0 : i32
        %dma_wait3A_244 = tpu.memref_slice %arg4[%dma_wait3A_243] : memref<320000xi32, #tpu.memory_space<hbm>> -> memref<80xi32, #tpu.memory_space<hbm>>
        tpu.wait_dma2 semaphore(%arg27 : memref<!tpu.dma_semaphore, #tpu.memory_space<semaphore_mem>>) src(%dma_wait3A_244 : memref<80xi32, #tpu.memory_space<hbm>>) dst(%arg18 : memref<80xi32, #tpu.memory_space<vmem>>)
        %dma_start3A_245 = arith.constant 0 : i32
        %dma_start3A_246 = arith.constant 0 : i32
        %dma_start3A_247 = tpu.memref_slice %arg2[%arg0, %dma_start3A_245, %dma_start3A_246] : memref<2x10240x128xf32, #tpu.memory_space<hbm>> -> memref<1x10240x128xf32, #tpu.memory_space<hbm>>
        %dma_start3A_248 = tpu.memref_squeeze %dma_start3A_247 : memref<1x10240x128xf32, #tpu.memory_space<hbm>> -> memref<10240x128xf32, #tpu.memory_space<hbm>>
        %dma_start3A_249 = arith.constant 0 : i32
        %dma_start3A_250 = arith.constant 0 : i32
        %dma_start3A_251 = tpu.memref_slice %dma_start3A_248[%dma_start3A_249, %dma_start3A_250] : memref<10240x128xf32, #tpu.memory_space<hbm>> -> memref<10240x128xf32, #tpu.memory_space<hbm>>
        tpu.enqueue_indirect_dma source(%dma_start3A_251 : memref<10240x128xf32, #tpu.memory_space<hbm>>) target(%arg21 : memref<80x128xf32, #tpu.memory_space<vmem>>) offsets(%arg17 : memref<80xi32, #tpu.memory_space<vmem>>) semaphore(%arg30 : memref<!tpu.dma_semaphore, #tpu.memory_space<semaphore_mem>>)
      } else {
      }
      %add3A_189 = arith.constant 4 : i32
      %add3A_190 = arith.addi %mul3A_95, %add3A_189 : i32
      %lt3A_191 = arith.constant 250 : i32
      %lt3A_192 = arith.cmpi slt, %add3A_190, %lt3A_191 : i32
      %convert_element_type3A_193 = arith.extui %lt3A_192 : i1 to i32
      %cond3A_194 = arith.constant 0 : i32
      %cond3A_195 = arith.cmpi ne, %convert_element_type3A_193, %cond3A_194 : i32
      scf.if %cond3A_195 {
        %dma_wait3A_237 = arith.constant 0 : i32
        %dma_wait3A_238 = arith.constant 0 : i32
        %dma_wait3A_239 = tpu.memref_slice %arg2[%arg0, %dma_wait3A_237, %dma_wait3A_238] : memref<2x10240x128xf32, #tpu.memory_space<hbm>> -> memref<1x10240x128xf32, #tpu.memory_space<hbm>>
        %dma_wait3A_240 = tpu.memref_squeeze %dma_wait3A_239 : memref<1x10240x128xf32, #tpu.memory_space<hbm>> -> memref<10240x128xf32, #tpu.memory_space<hbm>>
        %dma_wait3A_241 = arith.constant 0 : i32
        %dma_wait3A_242 = arith.constant 0 : i32
        %dma_wait3A_243 = tpu.memref_slice %dma_wait3A_240[%dma_wait3A_241, %dma_wait3A_242] : memref<10240x128xf32, #tpu.memory_space<hbm>> -> memref<10240x128xf32, #tpu.memory_space<hbm>>
        tpu.wait_indirect_dma semaphore(%arg29 : memref<!tpu.dma_semaphore, #tpu.memory_space<semaphore_mem>>) src(%dma_wait3A_243 : memref<10240x128xf32, #tpu.memory_space<hbm>>) dst(%arg20 : memref<80x128xf32, #tpu.memory_space<vmem>>)
        %dma_start3A_244 = arith.constant 0 : i32
        %dma_start3A_245 = arith.constant 0 : i32
        %dma_start3A_246 = tpu.memref_slice %arg34[%dma_start3A_244, %dma_start3A_245] : memref<10240x128xf32, #tpu.memory_space<vmem_shared>> -> memref<10240x128xf32, #tpu.memory_space<vmem_shared>>
        tpu.enqueue_indirect_dma source(%arg20 : memref<80x128xf32, #tpu.memory_space<vmem>>) target(%dma_start3A_246 : memref<10240x128xf32, #tpu.memory_space<vmem_shared>>) offsets(%arg16 : memref<80xi32, #tpu.memory_space<vmem>>) semaphore(%arg32 : memref<!tpu.dma_semaphore, #tpu.memory_space<semaphore_mem>>) {add = true}
      } else {
      }
      %ge3A_196 = arith.constant 1 : i32
      %ge3A_197 = arith.cmpi sge, %add3A_190, %ge3A_196 : i32
      %sub3A_198 = arith.constant 1 : i32
      %sub3A_199 = arith.subi %add3A_190, %sub3A_198 : i32
      %lt3A_200 = arith.constant 250 : i32
      %lt3A_201 = arith.cmpi slt, %sub3A_199, %lt3A_200 : i32
      %and3A_202 = arith.andi %ge3A_197, %lt3A_201 : i1
      %convert_element_type3A_203 = arith.extui %and3A_202 : i1 to i32
      %cond3A_204 = arith.constant 0 : i32
      %cond3A_205 = arith.cmpi ne, %convert_element_type3A_203, %cond3A_204 : i32
      scf.if %cond3A_205 {
        %dma_wait3A_237 = arith.constant 0 : i32
        %dma_wait3A_238 = arith.constant 0 : i32
        %dma_wait3A_239 = tpu.memref_slice %arg34[%dma_wait3A_237, %dma_wait3A_238] : memref<10240x128xf32, #tpu.memory_space<vmem_shared>> -> memref<10240x128xf32, #tpu.memory_space<vmem_shared>>
        tpu.wait_indirect_dma semaphore(%arg31 : memref<!tpu.dma_semaphore, #tpu.memory_space<semaphore_mem>>) src(%arg19 : memref<80x128xf32, #tpu.memory_space<vmem>>) dst(%dma_wait3A_239 : memref<10240x128xf32, #tpu.memory_space<vmem_shared>>)
        %add3A_240 = arith.constant 5 : i32
        %add3A_241 = arith.addi %add3A_190, %add3A_240 : i32
        %lt3A_242 = arith.constant 250 : i32
        %lt3A_243 = arith.cmpi slt, %add3A_241, %lt3A_242 : i32
        %convert_element_type3A_244 = arith.extui %lt3A_243 : i1 to i32
        %cond3A_245 = arith.constant 0 : i32
        %cond3A_246 = arith.cmpi ne, %convert_element_type3A_244, %cond3A_245 : i32
        scf.if %cond3A_246 {
          %add3A_247 = arith.constant 5 : i32
          %add3A_248 = arith.addi %add3A_190, %add3A_247 : i32
          %mul3A_249 = arith.constant 16 : i32
          %mul3A_250 = arith.muli %mul3A_249, %add3A_248 : i32
          %add3A_251 = arith.addi %arg1, %mul3A_250 : i32
          %mul3A_252 = arith.constant 80 : i32
          %mul3A_253 = arith.muli %add3A_251, %mul3A_252 : i32
          %multiple_of3A_254 = tpu.assume_multiple %mul3A_253, 8 : i32
          %dma_start3A_255 = tpu.memref_slice %arg3[%multiple_of3A_254] : memref<320000xi32, #tpu.memory_space<hbm>> -> memref<80xi32, #tpu.memory_space<hbm>>
          %dma_start3A_256 = tpu.memref_slice %arg3[%multiple_of3A_254] : memref<320000xi32, #tpu.memory_space<hbm>> -> memref<80xi32, #tpu.memory_space<hbm>>
          tpu.enqueue_dma source(%dma_start3A_256 : memref<80xi32, #tpu.memory_space<hbm>>) target(%arg13 : memref<80xi32, #tpu.memory_space<vmem>>) target_semaphore(%arg25 : memref<!tpu.dma_semaphore, #tpu.memory_space<semaphore_mem>>)
          %dma_start3A_257 = tpu.memref_slice %arg4[%multiple_of3A_254] : memref<320000xi32, #tpu.memory_space<hbm>> -> memref<80xi32, #tpu.memory_space<hbm>>
          %dma_start3A_258 = tpu.memref_slice %arg4[%multiple_of3A_254] : memref<320000xi32, #tpu.memory_space<hbm>> -> memref<80xi32, #tpu.memory_space<hbm>>
          tpu.enqueue_dma source(%dma_start3A_258 : memref<80xi32, #tpu.memory_space<hbm>>) target(%arg14 : memref<80xi32, #tpu.memory_space<vmem>>) target_semaphore(%arg25 : memref<!tpu.dma_semaphore, #tpu.memory_space<semaphore_mem>>)
        } else {
        }
      } else {
      }
      %add3A_206 = arith.constant 2 : i32
      %add3A_207 = arith.addi %add3A_190, %add3A_206 : i32
      %lt3A_208 = arith.constant 250 : i32
      %lt3A_209 = arith.cmpi slt, %add3A_207, %lt3A_208 : i32
      %convert_element_type3A_210 = arith.extui %lt3A_209 : i1 to i32
      %cond3A_211 = arith.constant 0 : i32
      %cond3A_212 = arith.cmpi ne, %convert_element_type3A_210, %cond3A_211 : i32
      scf.if %cond3A_212 {
        %dma_wait3A_237 = arith.constant 0 : i32
        %dma_wait3A_238 = tpu.memref_slice %arg3[%dma_wait3A_237] : memref<320000xi32, #tpu.memory_space<hbm>> -> memref<80xi32, #tpu.memory_space<hbm>>
        %dma_wait3A_239 = arith.constant 0 : i32
        %dma_wait3A_240 = tpu.memref_slice %arg3[%dma_wait3A_239] : memref<320000xi32, #tpu.memory_space<hbm>> -> memref<80xi32, #tpu.memory_space<hbm>>
        tpu.wait_dma2 semaphore(%arg22 : memref<!tpu.dma_semaphore, #tpu.memory_space<semaphore_mem>>) src(%dma_wait3A_240 : memref<80xi32, #tpu.memory_space<hbm>>) dst(%arg7 : memref<80xi32, #tpu.memory_space<vmem>>)
        %dma_wait3A_241 = arith.constant 0 : i32
        %dma_wait3A_242 = tpu.memref_slice %arg4[%dma_wait3A_241] : memref<320000xi32, #tpu.memory_space<hbm>> -> memref<80xi32, #tpu.memory_space<hbm>>
        %dma_wait3A_243 = arith.constant 0 : i32
        %dma_wait3A_244 = tpu.memref_slice %arg4[%dma_wait3A_243] : memref<320000xi32, #tpu.memory_space<hbm>> -> memref<80xi32, #tpu.memory_space<hbm>>
        tpu.wait_dma2 semaphore(%arg22 : memref<!tpu.dma_semaphore, #tpu.memory_space<semaphore_mem>>) src(%dma_wait3A_244 : memref<80xi32, #tpu.memory_space<hbm>>) dst(%arg8 : memref<80xi32, #tpu.memory_space<vmem>>)
        %dma_start3A_245 = arith.constant 0 : i32
        %dma_start3A_246 = arith.constant 0 : i32
        %dma_start3A_247 = tpu.memref_slice %arg2[%arg0, %dma_start3A_245, %dma_start3A_246] : memref<2x10240x128xf32, #tpu.memory_space<hbm>> -> memref<1x10240x128xf32, #tpu.memory_space<hbm>>
        %dma_start3A_248 = tpu.memref_squeeze %dma_start3A_247 : memref<1x10240x128xf32, #tpu.memory_space<hbm>> -> memref<10240x128xf32, #tpu.memory_space<hbm>>
        %dma_start3A_249 = arith.constant 0 : i32
        %dma_start3A_250 = arith.constant 0 : i32
        %dma_start3A_251 = tpu.memref_slice %dma_start3A_248[%dma_start3A_249, %dma_start3A_250] : memref<10240x128xf32, #tpu.memory_space<hbm>> -> memref<10240x128xf32, #tpu.memory_space<hbm>>
        tpu.enqueue_indirect_dma source(%dma_start3A_251 : memref<10240x128xf32, #tpu.memory_space<hbm>>) target(%arg19 : memref<80x128xf32, #tpu.memory_space<vmem>>) offsets(%arg7 : memref<80xi32, #tpu.memory_space<vmem>>) semaphore(%arg28 : memref<!tpu.dma_semaphore, #tpu.memory_space<semaphore_mem>>)
      } else {
      }
      %add3A_213 = arith.constant 5 : i32
      %add3A_214 = arith.addi %mul3A_95, %add3A_213 : i32
      %lt3A_215 = arith.constant 250 : i32
      %lt3A_216 = arith.cmpi slt, %add3A_214, %lt3A_215 : i32
      %convert_element_type3A_217 = arith.extui %lt3A_216 : i1 to i32
      %cond3A_218 = arith.constant 0 : i32
      %cond3A_219 = arith.cmpi ne, %convert_element_type3A_217, %cond3A_218 : i32
      scf.if %cond3A_219 {
        %dma_wait3A_237 = arith.constant 0 : i32
        %dma_wait3A_238 = arith.constant 0 : i32
        %dma_wait3A_239 = tpu.memref_slice %arg2[%arg0, %dma_wait3A_237, %dma_wait3A_238] : memref<2x10240x128xf32, #tpu.memory_space<hbm>> -> memref<1x10240x128xf32, #tpu.memory_space<hbm>>
        %dma_wait3A_240 = tpu.memref_squeeze %dma_wait3A_239 : memref<1x10240x128xf32, #tpu.memory_space<hbm>> -> memref<10240x128xf32, #tpu.memory_space<hbm>>
        %dma_wait3A_241 = arith.constant 0 : i32
        %dma_wait3A_242 = arith.constant 0 : i32
        %dma_wait3A_243 = tpu.memref_slice %dma_wait3A_240[%dma_wait3A_241, %dma_wait3A_242] : memref<10240x128xf32, #tpu.memory_space<hbm>> -> memref<10240x128xf32, #tpu.memory_space<hbm>>
        tpu.wait_indirect_dma semaphore(%arg30 : memref<!tpu.dma_semaphore, #tpu.memory_space<semaphore_mem>>) src(%dma_wait3A_243 : memref<10240x128xf32, #tpu.memory_space<hbm>>) dst(%arg21 : memref<80x128xf32, #tpu.memory_space<vmem>>)
        %dma_start3A_244 = arith.constant 0 : i32
        %dma_start3A_245 = arith.constant 0 : i32
        %dma_start3A_246 = tpu.memref_slice %arg34[%dma_start3A_244, %dma_start3A_245] : memref<10240x128xf32, #tpu.memory_space<vmem_shared>> -> memref<10240x128xf32, #tpu.memory_space<vmem_shared>>
        tpu.enqueue_indirect_dma source(%arg21 : memref<80x128xf32, #tpu.memory_space<vmem>>) target(%dma_start3A_246 : memref<10240x128xf32, #tpu.memory_space<vmem_shared>>) offsets(%arg18 : memref<80xi32, #tpu.memory_space<vmem>>) semaphore(%arg33 : memref<!tpu.dma_semaphore, #tpu.memory_space<semaphore_mem>>) {add = true}
      } else {
      }
      %ge3A_220 = arith.constant 1 : i32
      %ge3A_221 = arith.cmpi sge, %add3A_214, %ge3A_220 : i32
      %sub3A_222 = arith.constant 1 : i32
      %sub3A_223 = arith.subi %add3A_214, %sub3A_222 : i32
      %lt3A_224 = arith.constant 250 : i32
      %lt3A_225 = arith.cmpi slt, %sub3A_223, %lt3A_224 : i32
      %and3A_226 = arith.andi %ge3A_221, %lt3A_225 : i1
      %convert_element_type3A_227 = arith.extui %and3A_226 : i1 to i32
      %cond3A_228 = arith.constant 0 : i32
      %cond3A_229 = arith.cmpi ne, %convert_element_type3A_227, %cond3A_228 : i32
      scf.if %cond3A_229 {
        %dma_wait3A_237 = arith.constant 0 : i32
        %dma_wait3A_238 = arith.constant 0 : i32
        %dma_wait3A_239 = tpu.memref_slice %arg34[%dma_wait3A_237, %dma_wait3A_238] : memref<10240x128xf32, #tpu.memory_space<vmem_shared>> -> memref<10240x128xf32, #tpu.memory_space<vmem_shared>>
        tpu.wait_indirect_dma semaphore(%arg32 : memref<!tpu.dma_semaphore, #tpu.memory_space<semaphore_mem>>) src(%arg20 : memref<80x128xf32, #tpu.memory_space<vmem>>) dst(%dma_wait3A_239 : memref<10240x128xf32, #tpu.memory_space<vmem_shared>>)
        %add3A_240 = arith.constant 5 : i32
        %add3A_241 = arith.addi %add3A_214, %add3A_240 : i32
        %lt3A_242 = arith.constant 250 : i32
        %lt3A_243 = arith.cmpi slt, %add3A_241, %lt3A_242 : i32
        %convert_element_type3A_244 = arith.extui %lt3A_243 : i1 to i32
        %cond3A_245 = arith.constant 0 : i32
        %cond3A_246 = arith.cmpi ne, %convert_element_type3A_244, %cond3A_245 : i32
        scf.if %cond3A_246 {
          %add3A_247 = arith.constant 5 : i32
          %add3A_248 = arith.addi %add3A_214, %add3A_247 : i32
          %mul3A_249 = arith.constant 16 : i32
          %mul3A_250 = arith.muli %mul3A_249, %add3A_248 : i32
          %add3A_251 = arith.addi %arg1, %mul3A_250 : i32
          %mul3A_252 = arith.constant 80 : i32
          %mul3A_253 = arith.muli %add3A_251, %mul3A_252 : i32
          %multiple_of3A_254 = tpu.assume_multiple %mul3A_253, 8 : i32
          %dma_start3A_255 = tpu.memref_slice %arg3[%multiple_of3A_254] : memref<320000xi32, #tpu.memory_space<hbm>> -> memref<80xi32, #tpu.memory_space<hbm>>
          %dma_start3A_256 = tpu.memref_slice %arg3[%multiple_of3A_254] : memref<320000xi32, #tpu.memory_space<hbm>> -> memref<80xi32, #tpu.memory_space<hbm>>
          tpu.enqueue_dma source(%dma_start3A_256 : memref<80xi32, #tpu.memory_space<hbm>>) target(%arg15 : memref<80xi32, #tpu.memory_space<vmem>>) target_semaphore(%arg26 : memref<!tpu.dma_semaphore, #tpu.memory_space<semaphore_mem>>)
          %dma_start3A_257 = tpu.memref_slice %arg4[%multiple_of3A_254] : memref<320000xi32, #tpu.memory_space<hbm>> -> memref<80xi32, #tpu.memory_space<hbm>>
          %dma_start3A_258 = tpu.memref_slice %arg4[%multiple_of3A_254] : memref<320000xi32, #tpu.memory_space<hbm>> -> memref<80xi32, #tpu.memory_space<hbm>>
          tpu.enqueue_dma source(%dma_start3A_258 : memref<80xi32, #tpu.memory_space<hbm>>) target(%arg16 : memref<80xi32, #tpu.memory_space<vmem>>) target_semaphore(%arg26 : memref<!tpu.dma_semaphore, #tpu.memory_space<semaphore_mem>>)
        } else {
        }
      } else {
      }
      %add3A_230 = arith.constant 2 : i32
      %add3A_231 = arith.addi %add3A_214, %add3A_230 : i32
      %lt3A_232 = arith.constant 250 : i32
      %lt3A_233 = arith.cmpi slt, %add3A_231, %lt3A_232 : i32
      %convert_element_type3A_234 = arith.extui %lt3A_233 : i1 to i32
      %cond3A_235 = arith.constant 0 : i32
      %cond3A_236 = arith.cmpi ne, %convert_element_type3A_234, %cond3A_235 : i32
      scf.if %cond3A_236 {
        %dma_wait3A_237 = arith.constant 0 : i32
        %dma_wait3A_238 = tpu.memref_slice %arg3[%dma_wait3A_237] : memref<320000xi32, #tpu.memory_space<hbm>> -> memref<80xi32, #tpu.memory_space<hbm>>
        %dma_wait3A_239 = arith.constant 0 : i32
        %dma_wait3A_240 = tpu.memref_slice %arg3[%dma_wait3A_239] : memref<320000xi32, #tpu.memory_space<hbm>> -> memref<80xi32, #tpu.memory_space<hbm>>
        tpu.wait_dma2 semaphore(%arg23 : memref<!tpu.dma_semaphore, #tpu.memory_space<semaphore_mem>>) src(%dma_wait3A_240 : memref<80xi32, #tpu.memory_space<hbm>>) dst(%arg9 : memref<80xi32, #tpu.memory_space<vmem>>)
        %dma_wait3A_241 = arith.constant 0 : i32
        %dma_wait3A_242 = tpu.memref_slice %arg4[%dma_wait3A_241] : memref<320000xi32, #tpu.memory_space<hbm>> -> memref<80xi32, #tpu.memory_space<hbm>>
        %dma_wait3A_243 = arith.constant 0 : i32
        %dma_wait3A_244 = tpu.memref_slice %arg4[%dma_wait3A_243] : memref<320000xi32, #tpu.memory_space<hbm>> -> memref<80xi32, #tpu.memory_space<hbm>>
        tpu.wait_dma2 semaphore(%arg23 : memref<!tpu.dma_semaphore, #tpu.memory_space<semaphore_mem>>) src(%dma_wait3A_244 : memref<80xi32, #tpu.memory_space<hbm>>) dst(%arg10 : memref<80xi32, #tpu.memory_space<vmem>>)
        %dma_start3A_245 = arith.constant 0 : i32
        %dma_start3A_246 = arith.constant 0 : i32
        %dma_start3A_247 = tpu.memref_slice %arg2[%arg0, %dma_start3A_245, %dma_start3A_246] : memref<2x10240x128xf32, #tpu.memory_space<hbm>> -> memref<1x10240x128xf32, #tpu.memory_space<hbm>>
        %dma_start3A_248 = tpu.memref_squeeze %dma_start3A_247 : memref<1x10240x128xf32, #tpu.memory_space<hbm>> -> memref<10240x128xf32, #tpu.memory_space<hbm>>
        %dma_start3A_249 = arith.constant 0 : i32
        %dma_start3A_250 = arith.constant 0 : i32
        %dma_start3A_251 = tpu.memref_slice %dma_start3A_248[%dma_start3A_249, %dma_start3A_250] : memref<10240x128xf32, #tpu.memory_space<hbm>> -> memref<10240x128xf32, #tpu.memory_space<hbm>>
        tpu.enqueue_indirect_dma source(%dma_start3A_251 : memref<10240x128xf32, #tpu.memory_space<hbm>>) target(%arg20 : memref<80x128xf32, #tpu.memory_space<vmem>>) offsets(%arg9 : memref<80xi32, #tpu.memory_space<vmem>>) semaphore(%arg29 : memref<!tpu.dma_semaphore, #tpu.memory_space<semaphore_mem>>)
      } else {
      }
    }
    %scan3A_85 = arith.constant 42 : i32
    %lt3A = arith.constant 0 : i32
    %lt3A_86 = arith.cmpi slt, %arg1, %lt3A : i32
    %convert_element_type3A = arith.extui %lt3A_86 : i1 to i32
    %cond3A = arith.constant 0 : i32
    %cond3A_87 = arith.cmpi ne, %convert_element_type3A, %cond3A : i32
    scf.if %cond3A_87 {
      %add3A_93 = arith.constant 4000 : i32
      %add3A_94 = arith.addi %add3A_93, %arg1 : i32
      %mul3A_95 = arith.constant 80 : i32
      %mul3A_96 = arith.muli %add3A_94, %mul3A_95 : i32
      %multiple_of3A_97 = tpu.assume_multiple %mul3A_96, 8 : i32
      "tpu.region"() ({
        %run_scoped3A = tpu.sem_alloc : memref<!tpu.dma_semaphore, #tpu.memory_space<semaphore_mem>>
        %dma_start3A_98 = tpu.memref_slice %arg3[%multiple_of3A_97] : memref<320000xi32, #tpu.memory_space<hbm>> -> memref<80xi32, #tpu.memory_space<hbm>>
        %dma_start3A_99 = tpu.memref_slice %arg3[%multiple_of3A_97] : memref<320000xi32, #tpu.memory_space<hbm>> -> memref<80xi32, #tpu.memory_space<hbm>>
        tpu.enqueue_dma source(%dma_start3A_99 : memref<80xi32, #tpu.memory_space<hbm>>) target(%arg7 : memref<80xi32, #tpu.memory_space<vmem>>) target_semaphore(%run_scoped3A : memref<!tpu.dma_semaphore, #tpu.memory_space<semaphore_mem>>)
        %dma_wait3A_100 = tpu.memref_slice %arg3[%multiple_of3A_97] : memref<320000xi32, #tpu.memory_space<hbm>> -> memref<80xi32, #tpu.memory_space<hbm>>
        %dma_wait3A_101 = tpu.memref_slice %arg3[%multiple_of3A_97] : memref<320000xi32, #tpu.memory_space<hbm>> -> memref<80xi32, #tpu.memory_space<hbm>>
        tpu.wait_dma2 semaphore(%run_scoped3A : memref<!tpu.dma_semaphore, #tpu.memory_space<semaphore_mem>>) src(%dma_wait3A_101 : memref<80xi32, #tpu.memory_space<hbm>>) dst(%arg7 : memref<80xi32, #tpu.memory_space<vmem>>)
        tpu.yield
      }) : () -> ()
      "tpu.region"() ({
        %run_scoped3A = tpu.sem_alloc : memref<!tpu.dma_semaphore, #tpu.memory_space<semaphore_mem>>
        %dma_start3A_98 = tpu.memref_slice %arg4[%multiple_of3A_97] : memref<320000xi32, #tpu.memory_space<hbm>> -> memref<80xi32, #tpu.memory_space<hbm>>
        %dma_start3A_99 = tpu.memref_slice %arg4[%multiple_of3A_97] : memref<320000xi32, #tpu.memory_space<hbm>> -> memref<80xi32, #tpu.memory_space<hbm>>
        tpu.enqueue_dma source(%dma_start3A_99 : memref<80xi32, #tpu.memory_space<hbm>>) target(%arg8 : memref<80xi32, #tpu.memory_space<vmem>>) target_semaphore(%run_scoped3A : memref<!tpu.dma_semaphore, #tpu.memory_space<semaphore_mem>>)
        %dma_wait3A_100 = tpu.memref_slice %arg4[%multiple_of3A_97] : memref<320000xi32, #tpu.memory_space<hbm>> -> memref<80xi32, #tpu.memory_space<hbm>>
        %dma_wait3A_101 = tpu.memref_slice %arg4[%multiple_of3A_97] : memref<320000xi32, #tpu.memory_space<hbm>> -> memref<80xi32, #tpu.memory_space<hbm>>
        tpu.wait_dma2 semaphore(%run_scoped3A : memref<!tpu.dma_semaphore, #tpu.memory_space<semaphore_mem>>) src(%dma_wait3A_101 : memref<80xi32, #tpu.memory_space<hbm>>) dst(%arg8 : memref<80xi32, #tpu.memory_space<vmem>>)
        tpu.yield
      }) : () -> ()
      "tpu.region"() ({
        %run_scoped3A = tpu.sem_alloc : memref<!tpu.dma_semaphore, #tpu.memory_space<semaphore_mem>>
        %dma_start3A_98 = arith.constant 0 : i32
        %dma_start3A_99 = arith.constant 0 : i32
        %dma_start3A_100 = tpu.memref_slice %arg2[%arg0, %dma_start3A_98, %dma_start3A_99] : memref<2x10240x128xf32, #tpu.memory_space<hbm>> -> memref<1x10240x128xf32, #tpu.memory_space<hbm>>
        %dma_start3A_101 = tpu.memref_squeeze %dma_start3A_100 : memref<1x10240x128xf32, #tpu.memory_space<hbm>> -> memref<10240x128xf32, #tpu.memory_space<hbm>>
        %dma_start3A_102 = arith.constant 0 : i32
        %dma_start3A_103 = arith.constant 0 : i32
        %dma_start3A_104 = tpu.memref_slice %dma_start3A_101[%dma_start3A_102, %dma_start3A_103] : memref<10240x128xf32, #tpu.memory_space<hbm>> -> memref<10240x128xf32, #tpu.memory_space<hbm>>
        tpu.enqueue_indirect_dma source(%dma_start3A_104 : memref<10240x128xf32, #tpu.memory_space<hbm>>) target(%arg19 : memref<80x128xf32, #tpu.memory_space<vmem>>) offsets(%arg7 : memref<80xi32, #tpu.memory_space<vmem>>) semaphore(%run_scoped3A : memref<!tpu.dma_semaphore, #tpu.memory_space<semaphore_mem>>)
        %dma_wait3A_105 = arith.constant 0 : i32
        %dma_wait3A_106 = arith.constant 0 : i32
        %dma_wait3A_107 = tpu.memref_slice %arg2[%arg0, %dma_wait3A_105, %dma_wait3A_106] : memref<2x10240x128xf32, #tpu.memory_space<hbm>> -> memref<1x10240x128xf32, #tpu.memory_space<hbm>>
        %dma_wait3A_108 = tpu.memref_squeeze %dma_wait3A_107 : memref<1x10240x128xf32, #tpu.memory_space<hbm>> -> memref<10240x128xf32, #tpu.memory_space<hbm>>
        %dma_wait3A_109 = arith.constant 0 : i32
        %dma_wait3A_110 = arith.constant 0 : i32
        %dma_wait3A_111 = tpu.memref_slice %dma_wait3A_108[%dma_wait3A_109, %dma_wait3A_110] : memref<10240x128xf32, #tpu.memory_space<hbm>> -> memref<10240x128xf32, #tpu.memory_space<hbm>>
        tpu.wait_indirect_dma semaphore(%run_scoped3A : memref<!tpu.dma_semaphore, #tpu.memory_space<semaphore_mem>>) src(%dma_wait3A_111 : memref<10240x128xf32, #tpu.memory_space<hbm>>) dst(%arg19 : memref<80x128xf32, #tpu.memory_space<vmem>>)
        tpu.yield
      }) : () -> ()
      "tpu.region"() ({
        %run_scoped3A = tpu.sem_alloc : memref<!tpu.dma_semaphore, #tpu.memory_space<semaphore_mem>>
        %dma_start3A_98 = arith.constant 0 : i32
        %dma_start3A_99 = arith.constant 0 : i32
        %dma_start3A_100 = tpu.memref_slice %arg34[%dma_start3A_98, %dma_start3A_99] : memref<10240x128xf32, #tpu.memory_space<vmem_shared>> -> memref<10240x128xf32, #tpu.memory_space<vmem_shared>>
        tpu.enqueue_indirect_dma source(%arg19 : memref<80x128xf32, #tpu.memory_space<vmem>>) target(%dma_start3A_100 : memref<10240x128xf32, #tpu.memory_space<vmem_shared>>) offsets(%arg8 : memref<80xi32, #tpu.memory_space<vmem>>) semaphore(%run_scoped3A : memref<!tpu.dma_semaphore, #tpu.memory_space<semaphore_mem>>) {add = true}
        %dma_wait3A_101 = arith.constant 0 : i32
        %dma_wait3A_102 = arith.constant 0 : i32
        %dma_wait3A_103 = tpu.memref_slice %arg34[%dma_wait3A_101, %dma_wait3A_102] : memref<10240x128xf32, #tpu.memory_space<vmem_shared>> -> memref<10240x128xf32, #tpu.memory_space<vmem_shared>>
        tpu.wait_indirect_dma semaphore(%run_scoped3A : memref<!tpu.dma_semaphore, #tpu.memory_space<semaphore_mem>>) src(%arg19 : memref<80x128xf32, #tpu.memory_space<vmem>>) dst(%dma_wait3A_103 : memref<10240x128xf32, #tpu.memory_space<vmem_shared>>)
        tpu.yield
      }) : () -> ()
    } else {
    }
    %barrier3A_88 = arith.constant 0 : index
    tpu.barrier barrier_id(%barrier3A_88)
    %mul3A_89 = arith.constant 640 : i32
    %mul3A_90 = arith.muli %arg1, %mul3A_89 : i32
    %mul3A_91 = arith.constant 640 : i32
    %mul3A_92 = arith.muli %arg1, %mul3A_91 : i32
    "tpu.region"() ({
      %run_scoped3A = tpu.sem_alloc : memref<!tpu.dma_semaphore, #tpu.memory_space<semaphore_mem>>
      %dma_start3A_93 = arith.constant 0 : i32
      %dma_start3A_94 = tpu.memref_slice %arg6[%arg0, %mul3A_92, %dma_start3A_93] : memref<2x10240x128xf32, #tpu.memory_space<hbm>> -> memref<1x640x128xf32, #tpu.memory_space<hbm>>
      %dma_start3A_95 = tpu.memref_squeeze %dma_start3A_94 : memref<1x640x128xf32, #tpu.memory_space<hbm>> -> memref<640x128xf32, #tpu.memory_space<hbm>>
      %dma_start3A_96 = arith.constant 0 : i32
      %dma_start3A_97 = tpu.memref_slice %arg34[%mul3A_90, %dma_start3A_96] : memref<10240x128xf32, #tpu.memory_space<vmem_shared>> -> memref<640x128xf32, #tpu.memory_space<vmem_shared>>
      tpu.enqueue_dma source(%dma_start3A_97 : memref<640x128xf32, #tpu.memory_space<vmem_shared>>) target(%dma_start3A_95 : memref<640x128xf32, #tpu.memory_space<hbm>>) target_semaphore(%run_scoped3A : memref<!tpu.dma_semaphore, #tpu.memory_space<semaphore_mem>>)
      %dma_wait3A_98 = arith.constant 0 : i32
      %dma_wait3A_99 = tpu.memref_slice %arg6[%arg0, %mul3A_92, %dma_wait3A_98] : memref<2x10240x128xf32, #tpu.memory_space<hbm>> -> memref<1x640x128xf32, #tpu.memory_space<hbm>>
      %dma_wait3A_100 = tpu.memref_squeeze %dma_wait3A_99 : memref<1x640x128xf32, #tpu.memory_space<hbm>> -> memref<640x128xf32, #tpu.memory_space<hbm>>
      %dma_wait3A_101 = arith.constant 0 : i32
      %dma_wait3A_102 = tpu.memref_slice %arg34[%mul3A_90, %dma_wait3A_101] : memref<10240x128xf32, #tpu.memory_space<vmem_shared>> -> memref<640x128xf32, #tpu.memory_space<vmem_shared>>
      tpu.wait_dma2 semaphore(%run_scoped3A : memref<!tpu.dma_semaphore, #tpu.memory_space<semaphore_mem>>) src(%dma_wait3A_102 : memref<640x128xf32, #tpu.memory_space<vmem_shared>>) dst(%dma_wait3A_100 : memref<640x128xf32, #tpu.memory_space<hbm>>)
      tpu.yield
    }) : () -> ()
    return
  }
}

module attributes {stable_mosaic.version = 14 : i64} {
  func.func @_mid_body(%arg0: i32, %arg1: memref<2x400x128xf32, #tpu.memory_space<vmem>>, %arg2: memref<2x400x128xf32, #tpu.memory_space<vmem>>, %arg3: memref<2x400x1xf32, #tpu.memory_space<vmem>>, %arg4: memref<256x256xf32, #tpu.memory_space<vmem>>, %arg5: memref<256xf32, #tpu.memory_space<vmem>>, %arg6: memref<2x400x128xf32, #tpu.memory_space<vmem>>) attributes {dimension_semantics = [#tpu.dimension_semantics<arbitrary>], iteration_bounds = array<i64: 25>, scalar_prefetch = 0 : i64, scratch_operands = 0 : i64, tpu.core_type = #tpu.core_type<tc>, window_params = [{transform_indices = @transform_0, window_bounds = array<i64: 2, 400, 128>}, {transform_indices = @transform_1, window_bounds = array<i64: 2, 400, 128>}, {transform_indices = @transform_2, window_bounds = array<i64: 2, 400, 1>}, {pipeline_mode = #tpu.pipeline_mode<synchronous>, transform_indices = @transform_3, window_bounds = array<i64: 256, 256>}, {pipeline_mode = #tpu.pipeline_mode<synchronous>, transform_indices = @transform_4, window_bounds = array<i64: 256>}, {transform_indices = @transform_5, window_bounds = array<i64: 2, 400, 128>}]} {
    %get3A = arith.constant 0 : index
    %get3A_0 = arith.constant 0 : index
    %get3A_1 = arith.constant 0 : index
    %get3A_2 = vector.load %arg3[%get3A, %get3A_0, %get3A_1] : memref<2x400x1xf32, #tpu.memory_space<vmem>>, vector<1x400x1xf32>
    %get3A_3 = vector.shape_cast %get3A_2 : vector<1x400x1xf32> to vector<400xf32>
    %get3A_4 = arith.constant 1 : index
    %get3A_5 = arith.constant 0 : index
    %get3A_6 = arith.constant 0 : index
    %get3A_7 = vector.load %arg3[%get3A_4, %get3A_5, %get3A_6] : memref<2x400x1xf32, #tpu.memory_space<vmem>>, vector<1x400x1xf32>
    %get3A_8 = vector.shape_cast %get3A_7 : vector<1x400x1xf32> to vector<400xf32>
    %add3A = arith.addf %get3A_3, %get3A_8 : vector<400xf32>
    %add3A_9 = arith.constant 1.000000e+00 : f32
    %add3A_10 = vector.broadcast %add3A_9 : f32 to vector<400xf32>
    %add3A_11 = arith.addf %add3A, %add3A_10 : vector<400xf32>
    %rsqrt3A = math.rsqrt %add3A_11 : vector<400xf32>
    %get3A_12 = arith.constant 0 : index
    %get3A_13 = arith.constant 0 : index
    %get3A_14 = arith.constant 0 : index
    %get3A_15 = vector.load %arg1[%get3A_12, %get3A_13, %get3A_14] : memref<2x400x128xf32, #tpu.memory_space<vmem>>, vector<1x400x128xf32>
    %get3A_16 = vector.shape_cast %get3A_15 : vector<1x400x128xf32> to vector<400x128xf32>
    %get3A_17 = arith.constant 0 : index
    %get3A_18 = arith.constant 0 : index
    %get3A_19 = arith.constant 0 : index
    %get3A_20 = vector.load %arg2[%get3A_17, %get3A_18, %get3A_19] : memref<2x400x128xf32, #tpu.memory_space<vmem>>, vector<1x400x128xf32>
    %get3A_21 = vector.shape_cast %get3A_20 : vector<1x400x128xf32> to vector<400x128xf32>
    %add3A_22 = arith.addf %get3A_16, %get3A_21 : vector<400x128xf32>
    %get3A_23 = arith.constant 1 : index
    %get3A_24 = arith.constant 0 : index
    %get3A_25 = arith.constant 0 : index
    %get3A_26 = vector.load %arg1[%get3A_23, %get3A_24, %get3A_25] : memref<2x400x128xf32, #tpu.memory_space<vmem>>, vector<1x400x128xf32>
    %get3A_27 = vector.shape_cast %get3A_26 : vector<1x400x128xf32> to vector<400x128xf32>
    %get3A_28 = arith.constant 1 : index
    %get3A_29 = arith.constant 0 : index
    %get3A_30 = arith.constant 0 : index
    %get3A_31 = vector.load %arg2[%get3A_28, %get3A_29, %get3A_30] : memref<2x400x128xf32, #tpu.memory_space<vmem>>, vector<1x400x128xf32>
    %get3A_32 = vector.shape_cast %get3A_31 : vector<1x400x128xf32> to vector<400x128xf32>
    %add3A_33 = arith.addf %get3A_27, %get3A_32 : vector<400x128xf32>
    %concatenate3A = tpu.concatenate %add3A_22, %add3A_33 in 1 : vector<400x128xf32>, vector<400x128xf32> -> vector<400x256xf32>
    %broadcast_in_dim3A = vector.shape_cast %rsqrt3A : vector<400xf32> to vector<400x1xf32>
    %mul3A = vector.broadcast %broadcast_in_dim3A : vector<400x1xf32> to vector<400x256xf32>
    %mul3A_34 = arith.mulf %concatenate3A, %mul3A : vector<400x256xf32>
    %get3A_35 = arith.constant 0 : index
    %get3A_36 = vector.load %arg5[%get3A_35] : memref<256xf32, #tpu.memory_space<vmem>>, vector<256xf32>
    %broadcast_in_dim3A_37 = vector.shape_cast %get3A_36 : vector<256xf32> to vector<1x256xf32>
    %add3A_38 = vector.broadcast %broadcast_in_dim3A_37 : vector<1x256xf32> to vector<400x256xf32>
    %add3A_39 = arith.addf %mul3A_34, %add3A_38 : vector<400x256xf32>
    %max3A = arith.constant 0.000000e+00 : f32
    %max3A_40 = vector.broadcast %max3A : f32 to vector<400x256xf32>
    %max3A_41 = arith.maximumf %add3A_39, %max3A_40 : vector<400x256xf32>
    %get3A_42 = arith.constant 0 : index
    %get3A_43 = arith.constant 0 : index
    %get3A_44 = vector.load %arg4[%get3A_42, %get3A_43] : memref<256x256xf32, #tpu.memory_space<vmem>>, vector<256x256xf32>
    %dot_general3A = arith.constant dense<0.000000e+00> : vector<400x256xf32>
    %dot_general3A_45 = tpu.matmul %max3A_41, %get3A_44, %dot_general3A {dimension_numbers = #tpu.dot_dimension_numbers<[1], [0], [0], [1], [0, 0, 1, 1], [], []>, transpose_lhs_hint = false} : vector<400x256xf32>, vector<256x256xf32>, vector<400x256xf32> -> vector<400x256xf32>
    %broadcast_in_dim3A_46 = vector.shape_cast %rsqrt3A : vector<400xf32> to vector<400x1xf32>
    %mul3A_47 = vector.broadcast %broadcast_in_dim3A_46 : vector<400x1xf32> to vector<400x256xf32>
    %mul3A_48 = arith.mulf %dot_general3A_45, %mul3A_47 : vector<400x256xf32>
    %slice3A = vector.extract_strided_slice %mul3A_48 {offsets = [0, 0], sizes = [400, 128], strides = [1, 1]} : vector<400x256xf32> to vector<400x128xf32>
    %swap3A = arith.constant 0 : index
    %swap3A_49 = arith.constant 0 : index
    %swap3A_50 = arith.constant 0 : index
    %swap3A_51 = vector.load %arg6[%swap3A, %swap3A_49, %swap3A_50] : memref<2x400x128xf32, #tpu.memory_space<vmem>>, vector<1x400x128xf32>
    %swap3A_52 = vector.shape_cast %swap3A_51 : vector<1x400x128xf32> to vector<400x128xf32>
    %swap3A_53 = vector.shape_cast %slice3A : vector<400x128xf32> to vector<1x400x128xf32>
    tpu.vector_store %arg6[%swap3A, %swap3A_49, %swap3A_50], %swap3A_53 {strides = array<i32>} : memref<2x400x128xf32, #tpu.memory_space<vmem>>, vector<1x400x128xf32>,
    %slice3A_54 = vector.extract_strided_slice %mul3A_48 {offsets = [0, 128], sizes = [400, 128], strides = [1, 1]} : vector<400x256xf32> to vector<400x128xf32>
    %swap3A_55 = arith.constant 1 : index
    %swap3A_56 = arith.constant 0 : index
    %swap3A_57 = arith.constant 0 : index
    %swap3A_58 = vector.load %arg6[%swap3A_55, %swap3A_56, %swap3A_57] : memref<2x400x128xf32, #tpu.memory_space<vmem>>, vector<1x400x128xf32>
    %swap3A_59 = vector.shape_cast %swap3A_58 : vector<1x400x128xf32> to vector<400x128xf32>
    %swap3A_60 = vector.shape_cast %slice3A_54 : vector<400x128xf32> to vector<1x400x128xf32>
    tpu.vector_store %arg6[%swap3A_55, %swap3A_56, %swap3A_57], %swap3A_60 {strides = array<i32>} : memref<2x400x128xf32, #tpu.memory_space<vmem>>, vector<1x400x128xf32>,
    return
  }
  func.func @transform_0(%arg0: i32) -> (i32, i32, i32) {
    %c0_i32 = arith.constant 0 : i32
    %c0_i32_0 = arith.constant 0 : i32
    %c0_i32_1 = arith.constant 0 : i32
    return %c0_i32, %arg0, %c0_i32_0 : i32, i32, i32
  }
  func.func @transform_1(%arg0: i32) -> (i32, i32, i32) {
    %c0_i32 = arith.constant 0 : i32
    %c0_i32_0 = arith.constant 0 : i32
    %c0_i32_1 = arith.constant 0 : i32
    return %c0_i32, %arg0, %c0_i32_0 : i32, i32, i32
  }
  func.func @transform_2(%arg0: i32) -> (i32, i32, i32) {
    %c0_i32 = arith.constant 0 : i32
    %c0_i32_0 = arith.constant 0 : i32
    %c0_i32_1 = arith.constant 0 : i32
    return %c0_i32, %arg0, %c0_i32_0 : i32, i32, i32
  }
  func.func @transform_3(%arg0: i32) -> (i32, i32) {
    %c0_i32 = arith.constant 0 : i32
    %c0_i32_0 = arith.constant 0 : i32
    %c0_i32_1 = arith.constant 0 : i32
    return %c0_i32, %c0_i32_0 : i32, i32
  }
  func.func @transform_4(%arg0: i32) -> i32 {
    %c0_i32 = arith.constant 0 : i32
    %c0_i32_0 = arith.constant 0 : i32
    return %c0_i32 : i32
  }
  func.func @transform_5(%arg0: i32) -> (i32, i32, i32) {
    %c0_i32 = arith.constant 0 : i32
    %c0_i32_0 = arith.constant 0 : i32
    %c0_i32_1 = arith.constant 0 : i32
    return %c0_i32, %arg0, %c0_i32_0 : i32, i32, i32
  }
}

module attributes {stable_mosaic.version = 14 : i64} {
  func.func @_l1_body(%arg0: i32, %arg1: memref<400x128xf32, #tpu.memory_space<vmem>>, %arg2: memref<128x256xf32, #tpu.memory_space<vmem>>, %arg3: memref<2x400x1xf32, #tpu.memory_space<vmem>>, %arg4: memref<2x400x128xf32, #tpu.memory_space<vmem>>) attributes {dimension_semantics = [#tpu.dimension_semantics<arbitrary>], iteration_bounds = array<i64: 25>, scalar_prefetch = 0 : i64, scratch_operands = 0 : i64, tpu.core_type = #tpu.core_type<tc>, window_params = [{transform_indices = @transform_0, window_bounds = array<i64: 400, 128>}, {pipeline_mode = #tpu.pipeline_mode<synchronous>, transform_indices = @transform_1, window_bounds = array<i64: 128, 256>}, {transform_indices = @transform_2, window_bounds = array<i64: 2, 400, 1>}, {transform_indices = @transform_3, window_bounds = array<i64: 2, 400, 128>}]} {
    %get3A = arith.constant 0 : index
    %get3A_0 = arith.constant 0 : index
    %get3A_1 = arith.constant 0 : index
    %get3A_2 = vector.load %arg3[%get3A, %get3A_0, %get3A_1] : memref<2x400x1xf32, #tpu.memory_space<vmem>>, vector<1x400x1xf32>
    %get3A_3 = vector.shape_cast %get3A_2 : vector<1x400x1xf32> to vector<400xf32>
    %get3A_4 = arith.constant 1 : index
    %get3A_5 = arith.constant 0 : index
    %get3A_6 = arith.constant 0 : index
    %get3A_7 = vector.load %arg3[%get3A_4, %get3A_5, %get3A_6] : memref<2x400x1xf32, #tpu.memory_space<vmem>>, vector<1x400x1xf32>
    %get3A_8 = vector.shape_cast %get3A_7 : vector<1x400x1xf32> to vector<400xf32>
    %add3A = arith.addf %get3A_3, %get3A_8 : vector<400xf32>
    %add3A_9 = arith.constant 1.000000e+00 : f32
    %add3A_10 = vector.broadcast %add3A_9 : f32 to vector<400xf32>
    %add3A_11 = arith.addf %add3A, %add3A_10 : vector<400xf32>
    %rsqrt3A = math.rsqrt %add3A_11 : vector<400xf32>
    %get3A_12 = arith.constant 0 : index
    %get3A_13 = arith.constant 0 : index
    %get3A_14 = vector.load %arg1[%get3A_12, %get3A_13] : memref<400x128xf32, #tpu.memory_space<vmem>>, vector<400x128xf32>
    %get3A_15 = arith.constant 0 : index
    %get3A_16 = arith.constant 0 : index
    %get3A_17 = vector.load %arg2[%get3A_15, %get3A_16] : memref<128x256xf32, #tpu.memory_space<vmem>>, vector<128x256xf32>
    %dot_general3A = arith.constant dense<0.000000e+00> : vector<400x256xf32>
    %dot_general3A_18 = tpu.matmul %get3A_14, %get3A_17, %dot_general3A {dimension_numbers = #tpu.dot_dimension_numbers<[1], [0], [0], [1], [0, 0, 1, 1], [], []>, transpose_lhs_hint = false} : vector<400x128xf32>, vector<128x256xf32>, vector<400x256xf32> -> vector<400x256xf32>
    %broadcast_in_dim3A = vector.shape_cast %rsqrt3A : vector<400xf32> to vector<400x1xf32>
    %mul3A = vector.broadcast %broadcast_in_dim3A : vector<400x1xf32> to vector<400x256xf32>
    %mul3A_19 = arith.mulf %dot_general3A_18, %mul3A : vector<400x256xf32>
    %slice3A = vector.extract_strided_slice %mul3A_19 {offsets = [0, 0], sizes = [400, 128], strides = [1, 1]} : vector<400x256xf32> to vector<400x128xf32>
    %swap3A = arith.constant 0 : index
    %swap3A_20 = arith.constant 0 : index
    %swap3A_21 = arith.constant 0 : index
    %swap3A_22 = vector.load %arg4[%swap3A, %swap3A_20, %swap3A_21] : memref<2x400x128xf32, #tpu.memory_space<vmem>>, vector<1x400x128xf32>
    %swap3A_23 = vector.shape_cast %swap3A_22 : vector<1x400x128xf32> to vector<400x128xf32>
    %swap3A_24 = vector.shape_cast %slice3A : vector<400x128xf32> to vector<1x400x128xf32>
    tpu.vector_store %arg4[%swap3A, %swap3A_20, %swap3A_21], %swap3A_24 {strides = array<i32>} : memref<2x400x128xf32, #tpu.memory_space<vmem>>, vector<1x400x128xf32>,
    %slice3A_25 = vector.extract_strided_slice %mul3A_19 {offsets = [0, 128], sizes = [400, 128], strides = [1, 1]} : vector<400x256xf32> to vector<400x128xf32>
    %swap3A_26 = arith.constant 1 : index
    %swap3A_27 = arith.constant 0 : index
    %swap3A_28 = arith.constant 0 : index
    %swap3A_29 = vector.load %arg4[%swap3A_26, %swap3A_27, %swap3A_28] : memref<2x400x128xf32, #tpu.memory_space<vmem>>, vector<1x400x128xf32>
    %swap3A_30 = vector.shape_cast %swap3A_29 : vector<1x400x128xf32> to vector<400x128xf32>
    %swap3A_31 = vector.shape_cast %slice3A_25 : vector<400x128xf32> to vector<1x400x128xf32>
    tpu.vector_store %arg4[%swap3A_26, %swap3A_27, %swap3A_28], %swap3A_31 {strides = array<i32>} : memref<2x400x128xf32, #tpu.memory_space<vmem>>, vector<1x400x128xf32>,
    return
  }
  func.func @transform_0(%arg0: i32) -> (i32, i32) {
    %c0_i32 = arith.constant 0 : i32
    %c0_i32_0 = arith.constant 0 : i32
    return %arg0, %c0_i32 : i32, i32
  }
  func.func @transform_1(%arg0: i32) -> (i32, i32) {
    %c0_i32 = arith.constant 0 : i32
    %c0_i32_0 = arith.constant 0 : i32
    %c0_i32_1 = arith.constant 0 : i32
    return %c0_i32, %c0_i32_0 : i32, i32
  }
  func.func @transform_2(%arg0: i32) -> (i32, i32, i32) {
    %c0_i32 = arith.constant 0 : i32
    %c0_i32_0 = arith.constant 0 : i32
    %c0_i32_1 = arith.constant 0 : i32
    return %c0_i32, %arg0, %c0_i32_0 : i32, i32, i32
  }
  func.func @transform_3(%arg0: i32) -> (i32, i32, i32) {
    %c0_i32 = arith.constant 0 : i32
    %c0_i32_0 = arith.constant 0 : i32
    %c0_i32_1 = arith.constant 0 : i32
    return %c0_i32, %arg0, %c0_i32_0 : i32, i32, i32
  }
}

module attributes {stable_mosaic.version = 14 : i64} {
  func.func @_out_body(%arg0: i32, %arg1: memref<2x400x128xf32, #tpu.memory_space<vmem>>, %arg2: memref<2x400x128xf32, #tpu.memory_space<vmem>>, %arg3: memref<2x400x1xf32, #tpu.memory_space<vmem>>, %arg4: memref<256x2xf32, #tpu.memory_space<vmem>>, %arg5: memref<256xf32, #tpu.memory_space<vmem>>, %arg6: memref<2xf32, #tpu.memory_space<vmem>>, %arg7: memref<400x2xf32, #tpu.memory_space<vmem>>) attributes {dimension_semantics = [#tpu.dimension_semantics<arbitrary>], iteration_bounds = array<i64: 25>, scalar_prefetch = 0 : i64, scratch_operands = 0 : i64, tpu.core_type = #tpu.core_type<tc>, window_params = [{transform_indices = @transform_0, window_bounds = array<i64: 2, 400, 128>}, {transform_indices = @transform_1, window_bounds = array<i64: 2, 400, 128>}, {transform_indices = @transform_2, window_bounds = array<i64: 2, 400, 1>}, {pipeline_mode = #tpu.pipeline_mode<synchronous>, transform_indices = @transform_3, window_bounds = array<i64: 256, 2>}, {pipeline_mode = #tpu.pipeline_mode<synchronous>, transform_indices = @transform_4, window_bounds = array<i64: 256>}, {pipeline_mode = #tpu.pipeline_mode<synchronous>, transform_indices = @transform_5, window_bounds = array<i64: 2>}, {transform_indices = @transform_6, window_bounds = array<i64: 400, 2>}]} {
    %get3A = arith.constant 0 : index
    %get3A_0 = arith.constant 0 : index
    %get3A_1 = arith.constant 0 : index
    %get3A_2 = vector.load %arg3[%get3A, %get3A_0, %get3A_1] : memref<2x400x1xf32, #tpu.memory_space<vmem>>, vector<1x400x1xf32>
    %get3A_3 = vector.shape_cast %get3A_2 : vector<1x400x1xf32> to vector<400xf32>
    %get3A_4 = arith.constant 1 : index
    %get3A_5 = arith.constant 0 : index
    %get3A_6 = arith.constant 0 : index
    %get3A_7 = vector.load %arg3[%get3A_4, %get3A_5, %get3A_6] : memref<2x400x1xf32, #tpu.memory_space<vmem>>, vector<1x400x1xf32>
    %get3A_8 = vector.shape_cast %get3A_7 : vector<1x400x1xf32> to vector<400xf32>
    %add3A = arith.addf %get3A_3, %get3A_8 : vector<400xf32>
    %add3A_9 = arith.constant 1.000000e+00 : f32
    %add3A_10 = vector.broadcast %add3A_9 : f32 to vector<400xf32>
    %add3A_11 = arith.addf %add3A, %add3A_10 : vector<400xf32>
    %rsqrt3A = math.rsqrt %add3A_11 : vector<400xf32>
    %get3A_12 = arith.constant 0 : index
    %get3A_13 = arith.constant 0 : index
    %get3A_14 = arith.constant 0 : index
    %get3A_15 = vector.load %arg1[%get3A_12, %get3A_13, %get3A_14] : memref<2x400x128xf32, #tpu.memory_space<vmem>>, vector<1x400x128xf32>
    %get3A_16 = vector.shape_cast %get3A_15 : vector<1x400x128xf32> to vector<400x128xf32>
    %get3A_17 = arith.constant 0 : index
    %get3A_18 = arith.constant 0 : index
    %get3A_19 = arith.constant 0 : index
    %get3A_20 = vector.load %arg2[%get3A_17, %get3A_18, %get3A_19] : memref<2x400x128xf32, #tpu.memory_space<vmem>>, vector<1x400x128xf32>
    %get3A_21 = vector.shape_cast %get3A_20 : vector<1x400x128xf32> to vector<400x128xf32>
    %add3A_22 = arith.addf %get3A_16, %get3A_21 : vector<400x128xf32>
    %get3A_23 = arith.constant 1 : index
    %get3A_24 = arith.constant 0 : index
    %get3A_25 = arith.constant 0 : index
    %get3A_26 = vector.load %arg1[%get3A_23, %get3A_24, %get3A_25] : memref<2x400x128xf32, #tpu.memory_space<vmem>>, vector<1x400x128xf32>
    %get3A_27 = vector.shape_cast %get3A_26 : vector<1x400x128xf32> to vector<400x128xf32>
    %get3A_28 = arith.constant 1 : index
    %get3A_29 = arith.constant 0 : index
    %get3A_30 = arith.constant 0 : index
    %get3A_31 = vector.load %arg2[%get3A_28, %get3A_29, %get3A_30] : memref<2x400x128xf32, #tpu.memory_space<vmem>>, vector<1x400x128xf32>
    %get3A_32 = vector.shape_cast %get3A_31 : vector<1x400x128xf32> to vector<400x128xf32>
    %add3A_33 = arith.addf %get3A_27, %get3A_32 : vector<400x128xf32>
    %concatenate3A = tpu.concatenate %add3A_22, %add3A_33 in 1 : vector<400x128xf32>, vector<400x128xf32> -> vector<400x256xf32>
    %broadcast_in_dim3A = vector.shape_cast %rsqrt3A : vector<400xf32> to vector<400x1xf32>
    %mul3A = vector.broadcast %broadcast_in_dim3A : vector<400x1xf32> to vector<400x256xf32>
    %mul3A_34 = arith.mulf %concatenate3A, %mul3A : vector<400x256xf32>
    %get3A_35 = arith.constant 0 : index
    %get3A_36 = vector.load %arg5[%get3A_35] : memref<256xf32, #tpu.memory_space<vmem>>, vector<256xf32>
    %broadcast_in_dim3A_37 = vector.shape_cast %get3A_36 : vector<256xf32> to vector<1x256xf32>
    %add3A_38 = vector.broadcast %broadcast_in_dim3A_37 : vector<1x256xf32> to vector<400x256xf32>
    %add3A_39 = arith.addf %mul3A_34, %add3A_38 : vector<400x256xf32>
    %max3A = arith.constant 0.000000e+00 : f32
    %max3A_40 = vector.broadcast %max3A : f32 to vector<400x256xf32>
    %max3A_41 = arith.maximumf %add3A_39, %max3A_40 : vector<400x256xf32>
    %get3A_42 = arith.constant 0 : index
    %get3A_43 = arith.constant 0 : index
    %get3A_44 = vector.load %arg4[%get3A_42, %get3A_43] : memref<256x2xf32, #tpu.memory_space<vmem>>, vector<256x2xf32>
    %dot_general3A = arith.constant dense<0.000000e+00> : vector<400x2xf32>
    %dot_general3A_45 = tpu.matmul %max3A_41, %get3A_44, %dot_general3A {dimension_numbers = #tpu.dot_dimension_numbers<[1], [0], [0], [1], [0, 0, 1, 1], [], []>, transpose_lhs_hint = false} : vector<400x256xf32>, vector<256x2xf32>, vector<400x2xf32> -> vector<400x2xf32>
    %get3A_46 = arith.constant 0 : index
    %get3A_47 = vector.load %arg6[%get3A_46] : memref<2xf32, #tpu.memory_space<vmem>>, vector<2xf32>
    %broadcast_in_dim3A_48 = vector.shape_cast %get3A_47 : vector<2xf32> to vector<1x2xf32>
    %add3A_49 = vector.broadcast %broadcast_in_dim3A_48 : vector<1x2xf32> to vector<400x2xf32>
    %add3A_50 = arith.addf %dot_general3A_45, %add3A_49 : vector<400x2xf32>
    %swap3A = arith.constant 0 : index
    %swap3A_51 = arith.constant 0 : index
    %swap3A_52 = vector.load %arg7[%swap3A, %swap3A_51] : memref<400x2xf32, #tpu.memory_space<vmem>>, vector<400x2xf32>
    tpu.vector_store %arg7[%swap3A, %swap3A_51], %add3A_50 {strides = array<i32>} : memref<400x2xf32, #tpu.memory_space<vmem>>, vector<400x2xf32>,
    return
  }
  func.func @transform_0(%arg0: i32) -> (i32, i32, i32) {
    %c0_i32 = arith.constant 0 : i32
    %c0_i32_0 = arith.constant 0 : i32
    %c0_i32_1 = arith.constant 0 : i32
    return %c0_i32, %arg0, %c0_i32_0 : i32, i32, i32
  }
  func.func @transform_1(%arg0: i32) -> (i32, i32, i32) {
    %c0_i32 = arith.constant 0 : i32
    %c0_i32_0 = arith.constant 0 : i32
    %c0_i32_1 = arith.constant 0 : i32
    return %c0_i32, %arg0, %c0_i32_0 : i32, i32, i32
  }
  func.func @transform_2(%arg0: i32) -> (i32, i32, i32) {
    %c0_i32 = arith.constant 0 : i32
    %c0_i32_0 = arith.constant 0 : i32
    %c0_i32_1 = arith.constant 0 : i32
    return %c0_i32, %arg0, %c0_i32_0 : i32, i32, i32
  }
  func.func @transform_3(%arg0: i32) -> (i32, i32) {
    %c0_i32 = arith.constant 0 : i32
    %c0_i32_0 = arith.constant 0 : i32
    %c0_i32_1 = arith.constant 0 : i32
    return %c0_i32, %c0_i32_0 : i32, i32
  }
  func.func @transform_4(%arg0: i32) -> i32 {
    %c0_i32 = arith.constant 0 : i32
    %c0_i32_0 = arith.constant 0 : i32
    return %c0_i32 : i32
  }
  func.func @transform_5(%arg0: i32) -> i32 {
    %c0_i32 = arith.constant 0 : i32
    %c0_i32_0 = arith.constant 0 : i32
    return %c0_i32 : i32
  }
  func.func @transform_6(%arg0: i32) -> (i32, i32) {
    %c0_i32 = arith.constant 0 : i32
    %c0_i32_0 = arith.constant 0 : i32
    return %arg0, %c0_i32 : i32, i32
  }
}

</mosaic_0001>

<sc_bundles>
// kernel: kernel.11.cloned.1.call-start
scs
__scs_entry_jumppad:
0x0: {  	(pc) =	sbr.rel $0x88, $3  }
0x1: {  	(tag) =	ssettag $0x0;
	lr =	simm.s32 $0x1  }
0x2: {  	[smem:$0x3F99] =	sst lr;
	_ =	strace $0xD0000000  }
0x3: {  	_ = 	snop  }
0x4: {  	_ = 	snop  }
0x5: {  	_ = 	snop  }
0x6: {  	_ = 	snop  }
0x7: {  	_ = 	snop  }
__scs_overlays_trampoline_lowered:
0x8: {  	[smem:$0x3FA8] =	sst s0  }
0x9: {  	[smem:$0x3FA9] =	sst s1  }
0xa: {  	[smem:$0x3FAA] =	sst s2  }
0xb: {  	[smem:$0x3FAB] =	sst s3  }
0xc: {  	[smem:$0x3FAC] =	sst s4  }
0xd: {  	[smem:$0x3FAD] =	sst s5  }
0xe: {  	[smem:$0x3FAE] =	sst s6  }
0xf: {  	[smem:$0x3FAF] =	sst s7  }
0x10: {  	[smem:$0x3FB0] =	sst s8  }
0x11: {  	[smem:$0x3FB1] =	sst s9;
	s0 =	simm.s32 @!p0 $0x0  }
0x12: {  	s1 =	sld [smem:$0x3F97];
	s0 =	simm.s32 @p0 $0x1  }
0x13: {  	[smem:$0x3FB2] =	sst s0;
	s0 =	simm.s32 @!p1 $0x0  }
0x14: {  	s2 =	sld [smem:$0x3F96];
	s0 =	simm.s32 @p1 $0x1  }
0x15: {  	[smem:$0x3FB3] =	sst s0;
	s0 =	simm.s32 @!p2 $0x0  }
0x16: {  	s3 =	sld [smem:$0x3FDB];
	s0 =	simm.s32 @p2 $0x1  }
0x17: {  	s4 =	simm.s32 $0x1BF5;
	[smem:$0x3FB5] =	sst s0  }
0x18: {  	s0 =	sld [smem:$0x3F98];
	_ =	swait.ge [sflag:s4], $0x0  }
0x19: {  	s7 =	sld [smem:$0x3F99]  }
0x1a: {  	s8 =	sadd.s32 $0xFFFFE003, lr  }
0x1b: {  	s9 =	sadd.s32 $0xFFFFFEF7, lr;
	s5 =	simm.s32 $0xFFFFFFFF;
	p2 =	slt.u32 s8, $0xFFFFF086  }
0x1c: {  	p1 =	slt.u32 s9, $0xF7A;
	s5 =	simm.s32 @!p2 $0x0  }
0x1d: {  	s5 =	simm.s32 @p1 $0x1;
	p0 =	seq.s32 s7, s2  }
0x1e: {  	s7 =	smul.u32 @!p0 $0xF7A, s2;
	p2 =	seq.s32 @!p0 s5, $0x0  }
0x1f: {  	s9 =	smul.u32 $0xF7A, s1;
	s8 =	simm.s32 @!p0 $0x1BF5;
	p2 =	por !p2, p0  }
0x20: {  	[sflag:s8] =	ssyncset.s32 @!p0 $0xFFFFF086;
	s6 =	sadd.s32 @!p0 s3, s7;
	s7 =	simm.s32 @!p0 $0x108  }
0x21: {  	s3 =	sadd.s32 s3, s9;
	s6 =	sadd.s32 @!p0 $0x88, s6;
	s7 =	simm.s32 @p2 $0x1082  }
0x22: {  	[simem:s7], [sflag:s8] =	dma.local @!p0 [hbm:s6], $0xF7A  }
0x23: {  	s9 =	sor.u32 $0xD0000000, s2;
	s6 =	simm.s32 $0x108;
	_ =	swait.ge @!p0 [sflag:s8], $0x0  }
0x24: {  	s3 =	sadd.s32 $0x88, s3;
	s6 =	simm.s32 @!p1 $0x1082;
	[sflag:s4] =	ssyncset.s32 $0xFFFFF086  }
0x25: {  	[simem:s6], [sflag:s4] =	dma.local [hbm:s3], $0xF7A  }
0x26: {  	[smem:$0x3F99] =	sst s1;
	(tag) =	ssettag s2;
	_ =	strace s9  }
0x27: {  	s1 =	sld [smem:$0x3FA9]  }
0x28: {  	s2 =	sld [smem:$0x3FAA]  }
0x29: {  	s4 =	sld [smem:$0x3FAC]  }
0x2a: {  	p0 =	seq.s32 s5, $0x0;
	s5 =	sld [smem:$0x3FAD]  }
0x2b: {  	s6 =	sld [smem:$0x3FAE]  }
0x2c: {  	s7 =	sld [smem:$0x3FAF]  }
0x2d: {  	s3 =	simm.s32 $0x108;
	s8 =	sld [smem:$0x3FB0]  }
0x2e: {  	s3 =	simm.s32 @!p0 $0x1082;
	s9 =	sld [smem:$0x3FB1]  }
0x2f: {  	lr =	sadd.s32 s0, s3;
	s0 =	sld [smem:$0x3FA8]  }
0x30: {  	s3 =	sld [smem:$0x3FAB]  }
0x31: {  	[smem:$0x3FB4] =	sst s10  }
0x32: {  	s10 =	sld [smem:$0x3FB2];
	_ =	sdelay $0x3  }
0x33: {  	p0 =	seq.s32 s10, $0x1;
	s10 =	sld [smem:$0x3FB4];
	_ =	sdelay $0x3  }
0x34: {  	[smem:$0x3FB4] =	sst s10  }
0x35: {  	s10 =	sld [smem:$0x3FB3];
	_ =	sdelay $0x3  }
0x36: {  	p1 =	seq.s32 s10, $0x1;
	s10 =	sld [smem:$0x3FB4];
	_ =	sdelay $0x3  }
0x37: {  	[smem:$0x3FB4] =	sst s10  }
0x38: {  	s10 =	sld [smem:$0x3FB5]  }
0x39: {  	_ = 	snop;
	(pc) =	sbr.ind lr, $3  }
0x3a: {  	_ = 	snop  }
0x3b: {  	_ = 	snop  }
0x3c: {  	p2 =	seq.s32 s10, $0x1;
	s10 =	sld [smem:$0x3FB4]  }
0x3d: {  	_ =	shalt  }
0x3e: {  	_ =	shalt  }
0x3f: {  	_ =	shalt  }
0x40: {  	_ =	shalt  }
0x41: {  	_ =	shalt  }
0x42: {  	_ =	shalt  }
0x43: {  	_ =	shalt  }
0x44: {  	_ =	shalt  }
0x45: {  	_ =	shalt  }
0x46: {  	_ =	shalt  }
0x47: {  	_ =	shalt  }
0x48: {  	_ =	shalt  }
0x49: {  	_ =	shalt  }
0x4a: {  	_ =	shalt  }
0x4b: {  	_ =	shalt  }
0x4c: {  	_ =	shalt  }
0x4d: {  	_ =	shalt  }
0x4e: {  	_ =	shalt  }
0x4f: {  	_ =	shalt  }
0x50: {  	_ =	shalt  }
0x51: {  	_ =	shalt  }
0x52: {  	_ =	shalt  }
0x53: {  	_ =	shalt  }
0x54: {  	_ =	shalt  }
0x55: {  	_ =	shalt  }
0x56: {  	_ =	shalt  }
0x57: {  	_ =	shalt  }
0x58: {  	_ =	shalt  }
0x59: {  	_ =	shalt  }
0x5a: {  	_ =	shalt  }
0x5b: {  	_ =	shalt  }
0x5c: {  	_ =	shalt  }
0x5d: {  	_ =	shalt  }
0x5e: {  	_ =	shalt  }
0x5f: {  	_ =	shalt  }
0x60: {  	_ =	shalt  }
0x61: {  	_ =	shalt  }
0x62: {  	_ =	shalt  }
0x63: {  	_ =	shalt  }
0x64: {  	_ =	shalt  }
0x65: {  	_ =	shalt  }
0x66: {  	_ =	shalt  }
0x67: {  	_ =	shalt  }
0x68: {  	_ =	shalt  }
0x69: {  	_ =	shalt  }
0x6a: {  	_ =	shalt  }
0x6b: {  	_ =	shalt  }
0x6c: {  	_ =	shalt  }
0x6d: {  	_ =	shalt  }
0x6e: {  	_ =	shalt  }
0x6f: {  	_ =	shalt  }
0x70: {  	_ =	shalt  }
0x71: {  	_ =	shalt  }
0x72: {  	_ =	shalt  }
0x73: {  	_ =	shalt  }
0x74: {  	_ =	shalt  }
0x75: {  	_ =	shalt  }
0x76: {  	_ =	shalt  }
0x77: {  	_ =	shalt  }
0x78: {  	_ =	shalt  }
0x79: {  	_ =	shalt  }
0x7a: {  	_ =	shalt  }
0x7b: {  	_ =	shalt  }
0x7c: {  	_ =	shalt  }
0x7d: {  	_ =	shalt  }
0x7e: {  	_ =	shalt  }
0x7f: {  	_ =	shalt  }
0x80: {  	_ =	shalt  }
0x81: {  	_ =	shalt  }
0x82: {  	_ =	shalt  }
0x83: {  	_ =	shalt  }
0x84: {  	_ =	shalt  }
0x85: {  	_ =	shalt  }
0x86: {  	_ =	shalt  }
0x87: {  	_ =	shalt  }
.Lfunc_end0:
.L_simem_size_0:
called_computation.1_lowered:
.L_overlay_start_0:
0x88: {  	s2 =	sld [smem:$0x3FD9]  }
0x89: {  	s3 =	sld [smem:$0x3FFE];
	_ =	sdelay $0x1  }
0x8a: {  	s1 =	srdreg.scid  }
0x8b: {  	s0 =	sand.u32 $0x1, s1  }
0x8c: {  	s16 =	sshll.u32 s0, $0xA;
	s2 =	sadd.s32 s3, s2  }
0x8d: {  	s2 =	sadd.s32 s2, s16  }
0x8e: {  	[smem:$0x3FC0] =	sst s2  }
0x8f: {  	_ = 	snop  }
0x90: {  	(tm) =	ssettm $0x1  }
0x91: {  	s17 =	sld [smem:$0x3FFB];
	_ =	sdelay $0x3  }
0x92: {  	_ =	strace s17  }
0x93: {  	s2 =	sld [smem:$0x3FFC];
	_ =	sdelay $0x3  }
0x94: {  	_ =	strace s2  }
0x95: {  	s2 =	sld [smem:$0x3FFD];
	_ =	sdelay $0x3  }
0x96: {  	_ =	strace s2  }
0x97: {  	_ =	strace $0x8FFFFFFF  }
0x98: {  	s18 =	sld [smem:$0x3FDB];
	_ =	sdelay $0x1  }
0x99: {  	s19 =	simm.s32 $_scs_section_size  }
0x9a: {  	s4 =	simm.s32 $_size__tile_overlayer_lowered;
	s5 =	simm.s32 $_tile_overlayer_lowered  }
0x9b: {  	s22 =	simm.s32 $0x1BFF;
	s21 =	sshll.u32 s5, $0x1;
	s2 =	sadd.s32 s19, s18  }
0x9c: {  	s6 =	simm.s32 $0x0;
	s20 =	sshll.u32 s4, $0x1;
	s4 =	sadd.s32 s21, s2  }
0x9d: {  	[timem:s6], [sflag:s22] =	dma.local [hbm:s4], s20  }
0x9e: {  	_ =	swait.ge [sflag:s22], s20  }
0x9f: {  	s3 =	ssub.s32 $0x0, s20;
	[sflag:s22] =	ssyncset.done $0x0  }
0xa0: {  	[sflag:s22] =	ssyncadd.s32 s3;
	_ =	sdelay $0x1  }
0xa1: {  	s23 =	simm.s32 $0x1B8B  }
0xa2: {  	_ =	swait.ge [sflag:s23], $0x1  }
0xa3: {  	[sflag:s23] =	ssyncset.done $0x0  }
0xa4: {  	s25 =	simm.s32 $0x1B8E;
	s24 =	sld [smem:$0x3FFE];
	[sflag:s23] =	ssyncadd.s32 $0xFFFFFFFF  }
0xa5: {  	s26 =	simm.s32 $execute0_lowered;
	[smem:$0x3FD2] =	sst s25  }
0xa6: {  	s4 =	sshll.u32 s26, $0x1;
	_ =	strace $0x80000049;
	[dreg:$0x1] =	wrdreg $0xFFFFFFFF  }
0xa7: {  	s28 =	simm.s32 $_size_execute0_lowered;
	s2 =	sadd.s32 s2, s4;
	[dreg:$0x0] =	wrdreg $0x0  }
0xa8: {  	s4 =	sshll.u32 s28, $0x1;
	[dreg:$0x2] =	wrdreg s2  }
0xa9: {  	[dreg:$0x3] =	wrdreg s4  }
0xaa: {  	[dreg:$0x4] =	wrdreg $0xC0  }
0xab: {  	_ =	task [dreg:s6], $0x5FFFF  }
0xac: {  	[dreg:$0x1] =	wrdreg $0xFFFFFFFF  }
0xad: {  	[dreg:$0x0] =	wrdreg $0x60  }
0xae: {  	[dreg:$0x2] =	wrdreg s24  }
0xaf: {  	[dreg:$0x3] =	wrdreg $0x7E000  }
0xb0: {  	[dreg:$0x4] =	wrdreg $0x9  }
0xb1: {  	_ =	task.clear_ibuf [dreg:s6], $0x5FFFF;
	_ =	strace $0x90000049  }
0xb2: {  	s29 =	simm.s32 $0x9;
	_ =	strace $0x8000004B  }
0xb3: {  	_ =	swait.ge [sflag:s29], $0x1  }
0xb4: {  	[sflag:s29] =	ssyncadd.s32 $0xFFFFFFFF  }
0xb5: {  	_ =	strace $0x9000004B  }
0xb6: {  	_ =	sfence  }
0xb7: {  	s30 =	sld [smem:$0x0];
	_ =	sdelay $0x2  }
0xb8: {  	s31 =	sshll.u32 s1, $0xD;
	s1 =	sshrl.u32 s1, $0x2  }
0xb9: {  	s3 =	sand.u32 $0x4000, s31;
	s1 =	sadd.s32 s1, s30  }
0xba: {  	s0 =	sor.u32 s3, s0;
	s1 =	sshll.u32 s1, $0x11  }
0xbb: {  	s0 =	sor.u32 s1, s0  }
0xbc: {  	s0 =	sadd.s32 $0x8F2B, s0  }
0xbd: {  	[sflag:s0] =	ssyncadd.remote.s32 $0x1  }
0xbe: {  	_ =	sfence.sel $0xFFFF  }
0xbf: {  	[dreg:$0x0] =	wrdreg $0xFFFFFFFF;
	(pc) =	sbr.abs _section_cstart, $3  }
0xc0: {  	[dreg:$0x1] =	wrdreg $0xFFFFFFFF  }
0xc1: {  	_ =	task.clear_ibuf [dreg:s6], $0x2FFFF;
	_ =	strace $0x9FFFFFFF  }
0xc2: {  	(tm) =	ssettm $0x7FFFFFFF  }
0xc3: {  	_ =	shalt  }
tec
execute0_lowered:
.L_overlay_start_1:
0x0: {  	(tag) =	ssettag $0x1  }
0x1: {  	s2 =	rddreg [dreg:$0x0]  }
0x2: {  	s0 =	srdreg.scid;
	s1 =	rddreg [dreg:$0x1];
	s3 =	simm.s32 $0x0  }
0x3: {  	s11 =	stileid.u32;
	s28 =	simm.s32 $0x200;
	s29 =	simm.s32 $0x280  }
0x4: {  	s30 =	simm.s32 $0x300;
	s31 =	simm.s32 $0x6;
	s6 =	smul.u32 $0x14000, s11  }
0x5: {  	s0 =	sand.u32 $0x1, s0;
	[smem:$0x7FF] =	sst s3;
	s25 =	smul.u32 $0x50000, s11  }
0x6: {  	s9 =	sadd.s32 $0x2000, s2;
	s10 =	sadd.s32 $0xBE00, s2;
	s8 =	smul.u32 $0x50, s11  }
0x7: {  	s7 =	sadd.s32 $0x15C00, s2;
	s13 =	sshll.u32 s11, $0x6;
	s11 =	smul.u32 $0xA, s11  }
0x8: {  	s4 =	smul.u32 $0x140000, s0;
	_ =	strace $0x8000004A;
	[dreg:$0x3] =	wrdreg s7  }
0x9: {  	s0 =	ssub.s32 $0x2, s0;
	s23 =	sor.u32 $0x1C0D, s13;
	s13 =	simm.s32 $0x7  }
0xa: {  	s26 =	sshrl.u32 s0, $0x1;
	s7 =	sshrl.u32 s25, $0x2;
	s12 =	sshrl.u32 s8, $0x3  }
0xb: {  	s8 =	sadd.s32 s10, s11;
	[dreg:$0x5] =	wrdreg s23;
	s5 =	sshrl.u32 s4, $0x3  }
0xc: {  	s4 =	sadd.s32 s6, s4;
	s0 =	ssub.s32 s0, s26;
	s14 =	sadd.s32 $0xA0, s12  }
0xd: {  	s16 =	sadd.s32 $0x140, s12;
	s17 =	sadd.s32 $0x1E0, s12;
	s21 =	sadd.s32 $0x280, s12  }
0xe: {  	s22 =	sadd.s32 $0x320, s12;
	s12 =	simm.s32 $0x2E00;
	s15 =	sadd.s32 s9, s14  }
0xf: {  	s6 =	simm.s32 $0xC;
	s18 =	sadd.s32 s9, s16;
	[dreg:$0x6] =	wrdreg s15  }
0x10: {  	s5 =	sadd.s32 s5, s2;
	s19 =	sadd.s32 s9, s17;
	[dreg:$0x8] =	wrdreg s18  }
0x11: {  	s4 =	sshrl.u32 s4, $0x3;
	s20 =	sadd.s32 s10, s17;
	[dreg:$0xa] =	wrdreg s19  }
0x12: {  	s24 =	sadd.s32 s9, s21;
	s25 =	sadd.s32 s9, s22;
	[dreg:$0xb] =	wrdreg s20  }
0x13: {  	s26 =	sadd.s32 s10, s22;
	s0 =	smax.u32 s0, $0x1;
	[dreg:$0xc] =	wrdreg s24  }
0x14: {  	s17 =	simm.s32 $0xA;
	s22 =	simm.s32 $0x5;
	[dreg:$0xe] =	wrdreg s25  }
0x15: {  	s2 =	sadd.s32 s4, s2;
	s4 =	sadd.s32 s7, s1;
	[dreg:$0xf] =	wrdreg s26  }
0x16: {  	s7 =	sadd.s32 s9, s11;
	s19 =	sadd.s32 $0x68400, s5;
	[dreg:$0x11] =	wrdreg s0  }
0x17: {  	s24 =	simm.s32 $0x100;
	s5 =	simm.s32 $0x1;
	s9 =	simm.s32 $0x50  }
0x18: {  	s11 =	simm.s32 $0x2;
	s15 =	simm.s32 $0x5600;
	s18 =	simm.s32 $0x4  }
0x19: {  	s20 =	simm.s32 $0x9;
	s25 =	simm.s32 $0x0;
	[dreg:$0x4] =	wrdreg s4  }
.Ltmp0:
0x1a: {  	s4 =	sadd.s32 s10, s14;
	s2 =	sadd.s32 $0xB8400, s2;
	(pc) =	sbr.rel .LBB2_1-.Ltmp0, $4  }
0x1b: {  	s14 =	simm.s32 $0x3;
	[dreg:$0x7] =	wrdreg s4;
	s4 =	sadd.s32 s10, s16  }
0x1c: {  	[dreg:$0x10] =	wrdreg s2;
	s2 =	simm.s32 $0xD;
	s16 =	simm.s32 $0x8  }
0x1d: {  	[dreg:$0x9] =	wrdreg s4;
	s4 =	sadd.s32 s10, s21;
	s10 =	simm.s32 $0x600  }
0x1e: {  	s21 =	simm.s32 $0xB;
	[dreg:$0xd] =	wrdreg s4;
	s4 =	simm.s32 $0x180  }
.LBB2_6:
0x1f: {  	_ =	swait.ge [sflag:s13], $0x2800  }
0x20: {  	[sflag:s13] =	ssyncset.done $0x0  }
0x21: {  	s0 =	simm.s32 $0x380;
	[sflag:s13] =	ssyncadd.s32 $0xFFFFD800  }
0x22: {  	[spmem:s1] =	stream.indirect.scatter.add.f32 [tilespmem:s10], [sflag:$0xA], $0x80, s0, s9, $0xb8;
	[tilespmem:$0x1BE00] =	vst v63  }
0x23: {  	_ =	swait.ge [sflag:s6], $0x2800  }
0x24: {  	[sflag:s6] =	ssyncset.done $0x0  }
0x25: {  	[sflag:s6] =	ssyncadd.s32 $0xFFFFD800  }
0x26: {  	_ =	swait.ge [sflag:s17], $0x2800  }
0x27: {  	[sflag:s17] =	ssyncset.done $0x0  }
0x28: {  	s28 =	simm.s32 $0x200;
	s24 =	simm.s32 $0x100;
	[sflag:s17] =	ssyncadd.s32 $0xFFFFD800  }
.LBB2_4:
0x29: {  	[bflag:$0x0] =	sbarrier.arrive $0xFFFF  }
0x2a: {  	s23 =	rddreg [dreg:$0x5]  }
0x2b: {  	s0 =	rddreg [dreg:$0x10]  }
0x2c: {  	s2 =	rddreg [dreg:$0x13]  }
0x2d: {  	[hbm:s0], [sflag:s23] =	dma.local [spmem:s2], $0x2800  }
0x2e: {  	s2 =	simm.s32 $0xD  }
0x2f: {  	_ =	swait.ge [sflag:s2], $0x2800  }
0x30: {  	s25 =	rddreg [dreg:$0x12]  }
0x31: {  	s26 =	rddreg [dreg:$0x11];
	s25 =	sadd.s32 $0x1, s25  }
0x32: {  	p0 =	sne.s32 s25, s26  }
.Ltmp1:
0x33: {  	_ = 	snop;
	(pc) =	sbr.rel @!p0 .LBB2_5-.Ltmp1, $3  }
0x34: {  	_ =	sdelay $0x1  }
0x35: {  	[sflag:s2] =	ssyncset.done $0x0  }
0x36: {  	s4 =	simm.s32 $0x180;
	[sflag:s2] =	ssyncadd.s32 $0xFFFFD800  }
.LBB2_1:
0x37: {  	[dreg:$0x12] =	wrdreg s25  }
0x38: {  	s0 =	rddreg [dreg:$0x4]  }
0x39: {  	s26 =	rddreg [dreg:$0x3];
	s0 =	sshrl.u32 s0, $0x3  }
0x3a: {  	[dreg:$0x13] =	wrdreg s0  }
0x3b: {  	[spmem:s0], [sflag:s23] =	dma.local [hbm:s26], $0x2800  }
0x3c: {  	_ =	swait.ge [sflag:s2], $0x2800  }
0x3d: {  	[sflag:s2] =	ssyncset.done $0x0  }
0x3e: {  	[sflag:s2] =	ssyncadd.s32 $0xFFFFD800  }
0x3f: {  	[bflag:$0x0] =	sbarrier.arrive $0xFFFF  }
0x40: {  	[tilespmem:s3], [sflag:$0x1] =	stream.linear.gather [hbm4b:s7+s3], $0x50, $0x38;
	[tilespmem:$0x1BE00] =	vst v63  }
0x41: {  	s23 =	simm.s32 $0x80  }
0x42: {  	[tilespmem:s23], [sflag:$0x1] =	stream.linear.gather [hbm4b:s8+s3], $0x50, $0x38;
	[tilespmem:$0x1BE00] =	vst v63  }
0x43: {  	s25 =	rddreg [dreg:$0x6]  }
0x44: {  	[tilespmem:s24], [sflag:$0x2] =	stream.linear.gather [hbm4b:s25+s3], $0x50, $0x38;
	[tilespmem:$0x1BE00] =	vst v63  }
0x45: {  	s26 =	rddreg [dreg:$0x7]  }
0x46: {  	[tilespmem:s4], [sflag:$0x2] =	stream.linear.gather [hbm4b:s26+s3], $0x50, $0x38;
	[tilespmem:$0x1BE00] =	vst v63  }
0x47: {  	s2 =	rddreg [dreg:$0x8]  }
0x48: {  	[tilespmem:s28], [sflag:$0x3] =	stream.linear.gather [hbm4b:s2+s3], $0x50, $0x38;
	[tilespmem:$0x1BE00] =	vst v63  }
0x49: {  	s4 =	rddreg [dreg:$0x9]  }
0x4a: {  	[tilespmem:s29], [sflag:$0x3] =	stream.linear.gather [hbm4b:s4+s3], $0x50, $0x38;
	[tilespmem:$0x1BE00] =	vst v63  }
0x4b: {  	s23 =	rddreg [dreg:$0xa]  }
0x4c: {  	[tilespmem:s30], [sflag:$0x4] =	stream.linear.gather [hbm4b:s23+s3], $0x50, $0x38;
	[tilespmem:$0x1BE00] =	vst v63  }
0x4d: {  	s25 =	rddreg [dreg:$0xb];
	s26 =	simm.s32 $0x380  }
0x4e: {  	[tilespmem:s26], [sflag:$0x4] =	stream.linear.gather [hbm4b:s25+s3], $0x50, $0x38;
	[tilespmem:$0x1BE00] =	vst v63  }
0x4f: {  	s4 =	rddreg [dreg:$0xc];
	s23 =	simm.s32 $0x400  }
0x50: {  	[tilespmem:s23], [sflag:$0x5] =	stream.linear.gather [hbm4b:s4+s3], $0x50, $0x38;
	[tilespmem:$0x1BE00] =	vst v63  }
0x51: {  	s25 =	rddreg [dreg:$0xd];
	s26 =	simm.s32 $0x480  }
0x52: {  	[tilespmem:s26], [sflag:$0x5] =	stream.linear.gather [hbm4b:s25+s3], $0x50, $0x38;
	[tilespmem:$0x1BE00] =	vst v63  }
0x53: {  	s4 =	rddreg [dreg:$0xe];
	s23 =	simm.s32 $0x500  }
0x54: {  	[tilespmem:s23], [sflag:$0x6] =	stream.linear.gather [hbm4b:s4+s3], $0x50, $0x38;
	[tilespmem:$0x1BE00] =	vst v63  }
0x55: {  	s25 =	rddreg [dreg:$0xf];
	s26 =	simm.s32 $0x580  }
0x56: {  	[tilespmem:s26], [sflag:$0x6] =	stream.linear.gather [hbm4b:s25+s3], $0x50, $0x38;
	[tilespmem:$0x1BE00] =	vst v63  }
0x57: {  	_ =	swait.ge [sflag:s5], $0x50  }
0x58: {  	[sflag:s5] =	ssyncset.done $0x0  }
0x59: {  	[sflag:s5] =	ssyncadd.s32 $0xFFFFFFB0  }
0x5a: {  	_ =	swait.ge [sflag:s5], $0x50  }
0x5b: {  	[sflag:s5] =	ssyncset.done $0x0  }
0x5c: {  	[sflag:s5] =	ssyncadd.s32 $0xFFFFFFB0  }
0x5d: {  	[tilespmem:s10], [sflag:$0x7] =	stream.indirect.gather [hbm4b:s19+s9], $0x80, s3, s9, $0xb8;
	[tilespmem:$0x1BE00] =	vst v63  }
0x5e: {  	_ =	swait.ge [sflag:s11], $0x50  }
0x5f: {  	[sflag:s11] =	ssyncset.done $0x0  }
0x60: {  	[sflag:s11] =	ssyncadd.s32 $0xFFFFFFB0  }
0x61: {  	_ =	swait.ge [sflag:s11], $0x50  }
0x62: {  	s0 =	simm.s32 $0x0;
	[sflag:s11] =	ssyncset.done $0x0  }
0x63: {  	s2 =	simm.s32 $0x0;
	s23 =	simm.s32 $0xFFFFFFFE;
	[sflag:s11] =	ssyncadd.s32 $0xFFFFFFB0  }
0x64: {  	[tilespmem:s12], [sflag:$0x8] =	stream.indirect.gather [hbm4b:s19+s9], $0x80, s24, s9, $0xb8;
	[tilespmem:$0x1BE00] =	vst v63  }
.LBB2_2:
0x65: {  	_ =	swait.ge [sflag:s13], $0x2800  }
0x66: {  	[sflag:s13] =	ssyncset.done $0x0  }
0x67: {  	s4 =	simm.s32 $0x80;
	p0 =	sgt.u32 s23, $0xF9;
	[sflag:s13] =	ssyncadd.s32 $0xFFFFD800  }
0x68: {  	[spmem:s1] =	stream.indirect.scatter.add.f32 [tilespmem:s10], [sflag:$0xA], $0x80, s4, s9, $0xb8;
	[tilespmem:$0x1BE00] =	vst v63  }
0x69: {  	s4 =	simm.s32 @!p0 $0xC  }
0x6a: {  	p1 =	seq.s32 @!p0 s0, $0x99C0;
	_ =	swait.ge @!p0 [sflag:s4], $0x2800  }
0x6b: {  	p1 =	por p1, p0;
	[sflag:s4] =	ssyncset.done @!p0 $0x0  }
0x6c: {  	[sflag:s4] =	ssyncadd.s32 @!p0 $0xFFFFD800;
	s4 =	sadd.s32 @!p1 s0, s7  }
0x6d: {  	s25 =	simm.s32 @!p1 $0x0;
	s26 =	simm.s32 @!p1 $0x500;
	s4 =	sadd.s32 @!p1 $0x320, s4  }
0x6e: {  	[tilespmem:s26], [sflag:$0x6] =	stream.linear.gather @!p1 [hbm4b:s4+s25], $0x50, $0x38;
	[tilespmem:$0x1BE00] =	vst v63  }
0x6f: {  	s4 =	sadd.s32 @!p1 s0, s8  }
0x70: {  	s26 =	simm.s32 @!p1 $0x580;
	s4 =	sadd.s32 @!p1 $0x320, s4  }
0x71: {  	[tilespmem:s26], [sflag:$0x6] =	stream.linear.gather @!p1 [hbm4b:s4+s25], $0x50, $0x38;
	[tilespmem:$0x1BE00] =	vst v63  }
0x72: {  	_ =	swait.ge [sflag:s14], $0x50  }
0x73: {  	[sflag:s14] =	ssyncset.done $0x0  }
0x74: {  	[sflag:s14] =	ssyncadd.s32 $0xFFFFFFB0  }
0x75: {  	_ =	swait.ge [sflag:s14], $0x50  }
0x76: {  	[sflag:s14] =	ssyncset.done $0x0  }
0x77: {  	[sflag:s14] =	ssyncadd.s32 $0xFFFFFFB0  }
0x78: {  	[tilespmem:s15], [sflag:$0x9] =	stream.indirect.gather [hbm4b:s19+s9], $0x80, s28, s9, $0xb8;
	[tilespmem:$0x1BE00] =	vst v63  }
0x79: {  	_ =	swait.ge [sflag:s16], $0x2800  }
0x7a: {  	[sflag:s16] =	ssyncset.done $0x0  }
0x7b: {  	s28 =	simm.s32 $0x180;
	[sflag:s16] =	ssyncadd.s32 $0xFFFFD800  }
0x7c: {  	[spmem:s1] =	stream.indirect.scatter.add.f32 [tilespmem:s12], [sflag:$0xB], $0x80, s28, s9, $0xb8;
	[tilespmem:$0x1BE00] =	vst v63  }
0x7d: {  	p0 =	seq.s32 s0, $0x99C0;
	_ =	swait.ge [sflag:s17], $0x2800  }
0x7e: {  	s4 =	sadd.s32 @!p0 s0, s7;
	[sflag:s17] =	ssyncset.done $0x0  }
0x7f: {  	s25 =	simm.s32 @!p0 $0x0;
	s4 =	sadd.s32 @!p0 $0x3C0, s4;
	[sflag:s17] =	ssyncadd.s32 $0xFFFFD800  }
0x80: {  	[tilespmem:s25], [sflag:$0x1] =	stream.linear.gather @!p0 [hbm4b:s4+s25], $0x50, $0x38;
	[tilespmem:$0x1BE00] =	vst v63  }
0x81: {  	s4 =	sadd.s32 @!p0 s0, s8  }
0x82: {  	s26 =	simm.s32 @!p0 $0x80;
	s4 =	sadd.s32 @!p0 $0x3C0, s4  }
0x83: {  	[tilespmem:s26], [sflag:$0x1] =	stream.linear.gather @!p0 [hbm4b:s4+s25], $0x50, $0x38;
	[tilespmem:$0x1BE00] =	vst v63  }
0x84: {  	_ =	swait.ge [sflag:s18], $0x50  }
0x85: {  	[sflag:s18] =	ssyncset.done $0x0  }
0x86: {  	[sflag:s18] =	ssyncadd.s32 $0xFFFFFFB0  }
0x87: {  	_ =	swait.ge [sflag:s18], $0x50  }
0x88: {  	[sflag:s18] =	ssyncset.done $0x0  }
0x89: {  	[sflag:s18] =	ssyncadd.s32 $0xFFFFFFB0  }
0x8a: {  	[tilespmem:s10], [sflag:$0x7] =	stream.indirect.gather [hbm4b:s19+s9], $0x80, s30, s9, $0xb8;
	[tilespmem:$0x1BE00] =	vst v63  }
0x8b: {  	_ =	swait.ge [sflag:s20], $0x2800  }
0x8c: {  	[sflag:s20] =	ssyncset.done $0x0  }
.Ltmp2:
0x8d: {  	[sflag:s20] =	ssyncadd.s32 $0xFFFFD800;
	(pc) =	sbr.rel @p0 .LBB2_6-.Ltmp2, $4  }
0x8e: {  	[spmem:s1] =	stream.indirect.scatter.add.f32 [tilespmem:s15], [sflag:$0xC], $0x80, s29, s9, $0xb8;
	[tilespmem:$0x1BE00] =	vst v63  }
0x8f: {  	_ =	swait.ge [sflag:s21], $0x2800  }
0x90: {  	[sflag:s21] =	ssyncset.done $0x0  }
0x91: {  	s24 =	simm.s32 $0x200;
	[sflag:s21] =	ssyncadd.s32 $0xFFFFD800  }
0x92: {  	s4 =	sadd.s32 s0, s7  }
0x93: {  	s29 =	simm.s32 $0x100;
	s25 =	sadd.s32 $0x460, s4  }
0x94: {  	[tilespmem:s29], [sflag:$0x2] =	stream.linear.gather [hbm4b:s25+s3], $0x50, $0x38;
	[tilespmem:$0x1BE00] =	vst v63  }
0x95: {  	s25 =	sadd.s32 s0, s8  }
0x96: {  	s26 =	sadd.s32 $0x460, s25  }
0x97: {  	[tilespmem:s28], [sflag:$0x2] =	stream.linear.gather [hbm4b:s26+s3], $0x50, $0x38;
	[tilespmem:$0x1BE00] =	vst v63  }
0x98: {  	_ =	swait.ge [sflag:s22], $0x50  }
0x99: {  	[sflag:s22] =	ssyncset.done $0x0  }
0x9a: {  	[sflag:s22] =	ssyncadd.s32 $0xFFFFFFB0  }
0x9b: {  	_ =	swait.ge [sflag:s22], $0x50  }
0x9c: {  	[sflag:s22] =	ssyncset.done $0x0  }
0x9d: {  	s26 =	simm.s32 $0x400;
	[sflag:s22] =	ssyncadd.s32 $0xFFFFFFB0  }
0x9e: {  	[tilespmem:s12], [sflag:$0x8] =	stream.indirect.gather [hbm4b:s19+s9], $0x80, s26, s9, $0xb8;
	[tilespmem:$0x1BE00] =	vst v63  }
0x9f: {  	_ =	swait.ge [sflag:s13], $0x2800  }
0xa0: {  	[sflag:s13] =	ssyncset.done $0x0  }
0xa1: {  	s28 =	simm.s32 $0x380;
	[sflag:s13] =	ssyncadd.s32 $0xFFFFD800  }
0xa2: {  	[spmem:s1] =	stream.indirect.scatter.add.f32 [tilespmem:s10], [sflag:$0xA], $0x80, s28, s9, $0xb8;
	[tilespmem:$0x1BE00] =	vst v63  }
0xa3: {  	_ =	swait.ge [sflag:s6], $0x2800  }
0xa4: {  	[sflag:s6] =	ssyncset.done $0x0  }
0xa5: {  	s26 =	sadd.s32 $0x500, s4;
	[sflag:s6] =	ssyncadd.s32 $0xFFFFD800  }
0xa6: {  	[tilespmem:s24], [sflag:$0x3] =	stream.linear.gather [hbm4b:s26+s3], $0x50, $0x38;
	[tilespmem:$0x1BE00] =	vst v63  }
0xa7: {  	s30 =	simm.s32 $0x280;
	s24 =	sadd.s32 $0x500, s25  }
0xa8: {  	[tilespmem:s30], [sflag:$0x3] =	stream.linear.gather [hbm4b:s24+s3], $0x50, $0x38;
	[tilespmem:$0x1BE00] =	vst v63  }
0xa9: {  	_ =	swait.ge [sflag:s31], $0x50  }
0xaa: {  	[sflag:s31] =	ssyncset.done $0x0  }
0xab: {  	[sflag:s31] =	ssyncadd.s32 $0xFFFFFFB0  }
0xac: {  	_ =	swait.ge [sflag:s31], $0x50  }
0xad: {  	[sflag:s31] =	ssyncset.done $0x0  }
0xae: {  	s26 =	simm.s32 $0x500;
	[sflag:s31] =	ssyncadd.s32 $0xFFFFFFB0  }
0xaf: {  	[tilespmem:s15], [sflag:$0x9] =	stream.indirect.gather [hbm4b:s19+s9], $0x80, s26, s9, $0xb8;
	[tilespmem:$0x1BE00] =	vst v63  }
0xb0: {  	_ =	swait.ge [sflag:s16], $0x2800  }
0xb1: {  	[sflag:s16] =	ssyncset.done $0x0  }
0xb2: {  	s26 =	simm.s32 $0x480;
	[sflag:s16] =	ssyncadd.s32 $0xFFFFD800  }
0xb3: {  	[spmem:s1] =	stream.indirect.scatter.add.f32 [tilespmem:s12], [sflag:$0xB], $0x80, s26, s9, $0xb8;
	[tilespmem:$0x1BE00] =	vst v63  }
0xb4: {  	_ =	swait.ge [sflag:s17], $0x2800  }
0xb5: {  	[sflag:s17] =	ssyncset.done $0x0  }
0xb6: {  	s4 =	sadd.s32 $0x5A0, s4;
	s30 =	simm.s32 $0x300;
	[sflag:s17] =	ssyncadd.s32 $0xFFFFD800  }
0xb7: {  	[tilespmem:s30], [sflag:$0x4] =	stream.linear.gather [hbm4b:s4+s3], $0x50, $0x38;
	[tilespmem:$0x1BE00] =	vst v63  }
0xb8: {  	s25 =	sadd.s32 $0x5A0, s25  }
0xb9: {  	[tilespmem:s28], [sflag:$0x4] =	stream.linear.gather [hbm4b:s25+s3], $0x50, $0x38;
	[tilespmem:$0x1BE00] =	vst v63  }
0xba: {  	_ =	swait.ge [sflag:s5], $0x50  }
0xbb: {  	[sflag:s5] =	ssyncset.done $0x0  }
0xbc: {  	[sflag:s5] =	ssyncadd.s32 $0xFFFFFFB0  }
0xbd: {  	_ =	swait.ge [sflag:s5], $0x50  }
0xbe: {  	[sflag:s5] =	ssyncset.done $0x0  }
0xbf: {  	[sflag:s5] =	ssyncadd.s32 $0xFFFFFFB0  }
0xc0: {  	[tilespmem:s10], [sflag:$0x7] =	stream.indirect.gather [hbm4b:s19+s9], $0x80, s3, s9, $0xb8;
	[tilespmem:$0x1BE00] =	vst v63  }
0xc1: {  	_ =	swait.ge [sflag:s20], $0x2800  }
0xc2: {  	[sflag:s20] =	ssyncset.done $0x0  }
0xc3: {  	p0 =	slt.u32 s2, $0x28;
	s26 =	simm.s32 $0x580;
	[sflag:s20] =	ssyncadd.s32 $0xFFFFD800  }
0xc4: {  	[spmem:s1] =	stream.indirect.scatter.add.f32 [tilespmem:s15], [sflag:$0xC], $0x80, s26, s9, $0xb8;
	[tilespmem:$0x1BE00] =	vst v63  }
0xc5: {  	s4 =	sadd.s32 @p0 s0, s7;
	_ =	swait.ge [sflag:s21], $0x2800  }
0xc6: {  	s4 =	sadd.s32 @p0 $0x640, s4;
	[sflag:s21] =	ssyncset.done $0x0  }
0xc7: {  	s25 =	simm.s32 @p0 $0x0;
	s26 =	simm.s32 @p0 $0x400;
	[sflag:s21] =	ssyncadd.s32 $0xFFFFD800  }
0xc8: {  	[tilespmem:s26], [sflag:$0x5] =	stream.linear.gather @p0 [hbm4b:s4+s25], $0x50, $0x38;
	[tilespmem:$0x1BE00] =	vst v63  }
0xc9: {  	s4 =	sadd.s32 @p0 s0, s8  }
0xca: {  	s26 =	simm.s32 @p0 $0x480;
	s4 =	sadd.s32 @p0 $0x640, s4  }
0xcb: {  	[tilespmem:s26], [sflag:$0x5] =	stream.linear.gather @p0 [hbm4b:s4+s25], $0x50, $0x38;
	[tilespmem:$0x1BE00] =	vst v63  }
0xcc: {  	_ =	swait.ge [sflag:s11], $0x50  }
0xcd: {  	s0 =	sadd.s32 $0x3C0, s0;
	[sflag:s11] =	ssyncset.done $0x0  }
0xce: {  	p0 =	sne.s32 s0, $0x9D80;
	[sflag:s11] =	ssyncadd.s32 $0xFFFFFFB0  }
.Ltmp3:
0xcf: {  	_ =	swait.ge [sflag:s11], $0x50;
	(pc) =	sbr.rel @p0 .LBB2_2-.Ltmp3, $4  }
.Ltmp4:
0xd0: {  	[sflag:s11] =	ssyncset.done $0x0;
	(pc) =	sbr.rel @!p0 .LBB2_4-.Ltmp4, $4  }
0xd1: {  	s2 =	sadd.s32 $0x1, s2;
	s23 =	sadd.s32 $0x6, s23;
	[sflag:s11] =	ssyncadd.s32 $0xFFFFFFB0  }
0xd2: {  	[tilespmem:s12], [sflag:$0x8] =	stream.indirect.gather [hbm4b:s19+s9], $0x80, s29, s9, $0xb8;
	[tilespmem:$0x1BE00] =	vst v63  }
0xd3: {  	s24 =	simm.s32 $0x100;
	s28 =	simm.s32 $0x200;
	s29 =	simm.s32 $0x280  }
0xd4: {  	_ = 	snop  }
.LBB2_5:
0xd5: {  	_ =	sfence.sel $0x180000  }
0xd6: {  	[bflag:$0x0] =	sbarrier.arrive $0xFFFF  }
0xd7: {  	_ =	strace $0x9000004A  }
0xd8: {  	s0 =	stileid.u32;
	[bflag:$0x2] =	sbarrier.arrive $0xFFFF  }
0xd9: {  	p0 =	sne.s32 s0, $0x0;
	s0 =	rddreg [dreg:$0x2]  }
0xda: {  	s0 =	sadd.s32 @!p0 $0x100000, s0  }
0xdb: {  	[sflag:s0] =	ssyncadd.tile.s32 @!p0 $0x1;
	_ =	shalt  }
.Lfunc_end2:
_tile_overlayer_lowered:
.L_overlay_start_2:
0xdc: {  	(tag) =	ssettag $0x2  }
0xdd: {  	s0 =	rddreg [dreg:$0x0];
	s2 =	stileid.u32  }
0xde: {  	s1 =	rddreg [dreg:$0x1];
	p0 =	sne.s32 s2, $0x0  }
0xdf: {  	s3 =	rddreg [dreg:$0x2];
	[bflag:$0x3] =	sbarrier.arrive $0xFFFF;
	s2 =	simm.s32 @!p0 $0x1C0D  }
0xe0: {  	[timem:s3], [sflag:s2] =	dma.local @!p0 [hbm:s0], s1  }
0xe1: {  	s0 =	simm.s32 @!p0 $0xD  }
0xe2: {  	_ =	swait.ge @!p0 [sflag:s0], s1  }
0xe3: {  	s1 =	ssub.s32 @!p0 $0x0, s1;
	[sflag:s0] =	ssyncset.done @!p0 $0x0  }
0xe4: {  	[sflag:s0] =	ssyncadd.s32 @!p0 s1  }
0xe5: {  	[bflag:$0x3] =	sbarrier.arrive $0xFFFF  }
0xe6: {  	_ =	shalt  }

// kernel: kernel.14.cloned.1.call-start
scs
__scs_entry_jumppad:
0x0: {  	(pc) =	sbr.rel $0x88, $3  }
0x1: {  	(tag) =	ssettag $0x0;
	lr =	simm.s32 $0x1  }
0x2: {  	[smem:$0x3F99] =	sst lr;
	_ =	strace $0xD0000000  }
0x3: {  	_ = 	snop  }
0x4: {  	_ = 	snop  }
0x5: {  	_ = 	snop  }
0x6: {  	_ = 	snop  }
0x7: {  	_ = 	snop  }
__scs_overlays_trampoline_lowered:
0x8: {  	[smem:$0x3FA8] =	sst s0  }
0x9: {  	[smem:$0x3FA9] =	sst s1  }
0xa: {  	[smem:$0x3FAA] =	sst s2  }
0xb: {  	[smem:$0x3FAB] =	sst s3  }
0xc: {  	[smem:$0x3FAC] =	sst s4  }
0xd: {  	[smem:$0x3FAD] =	sst s5  }
0xe: {  	[smem:$0x3FAE] =	sst s6  }
0xf: {  	[smem:$0x3FAF] =	sst s7  }
0x10: {  	[smem:$0x3FB0] =	sst s8  }
0x11: {  	[smem:$0x3FB1] =	sst s9;
	s0 =	simm.s32 @!p0 $0x0  }
0x12: {  	s1 =	sld [smem:$0x3F97];
	s0 =	simm.s32 @p0 $0x1  }
0x13: {  	[smem:$0x3FB2] =	sst s0;
	s0 =	simm.s32 @!p1 $0x0  }
0x14: {  	s2 =	sld [smem:$0x3F96];
	s0 =	simm.s32 @p1 $0x1  }
0x15: {  	[smem:$0x3FB3] =	sst s0;
	s0 =	simm.s32 @!p2 $0x0  }
0x16: {  	s3 =	sld [smem:$0x3FDB];
	s0 =	simm.s32 @p2 $0x1  }
0x17: {  	s4 =	simm.s32 $0x1BF5;
	[smem:$0x3FB5] =	sst s0  }
0x18: {  	s0 =	sld [smem:$0x3F98];
	_ =	swait.ge [sflag:s4], $0x0  }
0x19: {  	s7 =	sld [smem:$0x3F99]  }
0x1a: {  	s8 =	sadd.s32 $0xFFFFE003, lr  }
0x1b: {  	s9 =	sadd.s32 $0xFFFFFEF7, lr;
	s5 =	simm.s32 $0xFFFFFFFF;
	p2 =	slt.u32 s8, $0xFFFFF086  }
0x1c: {  	p1 =	slt.u32 s9, $0xF7A;
	s5 =	simm.s32 @!p2 $0x0  }
0x1d: {  	s5 =	simm.s32 @p1 $0x1;
	p0 =	seq.s32 s7, s2  }
0x1e: {  	s7 =	smul.u32 @!p0 $0xF7A, s2;
	p2 =	seq.s32 @!p0 s5, $0x0  }
0x1f: {  	s9 =	smul.u32 $0xF7A, s1;
	s8 =	simm.s32 @!p0 $0x1BF5;
	p2 =	por !p2, p0  }
0x20: {  	[sflag:s8] =	ssyncset.s32 @!p0 $0xFFFFF086;
	s6 =	sadd.s32 @!p0 s3, s7;
	s7 =	simm.s32 @!p0 $0x108  }
0x21: {  	s3 =	sadd.s32 s3, s9;
	s6 =	sadd.s32 @!p0 $0x88, s6;
	s7 =	simm.s32 @p2 $0x1082  }
0x22: {  	[simem:s7], [sflag:s8] =	dma.local @!p0 [hbm:s6], $0xF7A  }
0x23: {  	s9 =	sor.u32 $0xD0000000, s2;
	s6 =	simm.s32 $0x108;
	_ =	swait.ge @!p0 [sflag:s8], $0x0  }
0x24: {  	s3 =	sadd.s32 $0x88, s3;
	s6 =	simm.s32 @!p1 $0x1082;
	[sflag:s4] =	ssyncset.s32 $0xFFFFF086  }
0x25: {  	[simem:s6], [sflag:s4] =	dma.local [hbm:s3], $0xF7A  }
0x26: {  	[smem:$0x3F99] =	sst s1;
	(tag) =	ssettag s2;
	_ =	strace s9  }
0x27: {  	s1 =	sld [smem:$0x3FA9]  }
0x28: {  	s2 =	sld [smem:$0x3FAA]  }
0x29: {  	s4 =	sld [smem:$0x3FAC]  }
0x2a: {  	p0 =	seq.s32 s5, $0x0;
	s5 =	sld [smem:$0x3FAD]  }
0x2b: {  	s6 =	sld [smem:$0x3FAE]  }
0x2c: {  	s7 =	sld [smem:$0x3FAF]  }
0x2d: {  	s3 =	simm.s32 $0x108;
	s8 =	sld [smem:$0x3FB0]  }
0x2e: {  	s3 =	simm.s32 @!p0 $0x1082;
	s9 =	sld [smem:$0x3FB1]  }
0x2f: {  	lr =	sadd.s32 s0, s3;
	s0 =	sld [smem:$0x3FA8]  }
0x30: {  	s3 =	sld [smem:$0x3FAB]  }
0x31: {  	[smem:$0x3FB4] =	sst s10  }
0x32: {  	s10 =	sld [smem:$0x3FB2];
	_ =	sdelay $0x3  }
0x33: {  	p0 =	seq.s32 s10, $0x1;
	s10 =	sld [smem:$0x3FB4];
	_ =	sdelay $0x3  }
0x34: {  	[smem:$0x3FB4] =	sst s10  }
0x35: {  	s10 =	sld [smem:$0x3FB3];
	_ =	sdelay $0x3  }
0x36: {  	p1 =	seq.s32 s10, $0x1;
	s10 =	sld [smem:$0x3FB4];
	_ =	sdelay $0x3  }
0x37: {  	[smem:$0x3FB4] =	sst s10  }
0x38: {  	s10 =	sld [smem:$0x3FB5]  }
0x39: {  	_ = 	snop;
	(pc) =	sbr.ind lr, $3  }
0x3a: {  	_ = 	snop  }
0x3b: {  	_ = 	snop  }
0x3c: {  	p2 =	seq.s32 s10, $0x1;
	s10 =	sld [smem:$0x3FB4]  }
0x3d: {  	_ =	shalt  }
0x3e: {  	_ =	shalt  }
0x3f: {  	_ =	shalt  }
0x40: {  	_ =	shalt  }
0x41: {  	_ =	shalt  }
0x42: {  	_ =	shalt  }
0x43: {  	_ =	shalt  }
0x44: {  	_ =	shalt  }
0x45: {  	_ =	shalt  }
0x46: {  	_ =	shalt  }
0x47: {  	_ =	shalt  }
0x48: {  	_ =	shalt  }
0x49: {  	_ =	shalt  }
0x4a: {  	_ =	shalt  }
0x4b: {  	_ =	shalt  }
0x4c: {  	_ =	shalt  }
0x4d: {  	_ =	shalt  }
0x4e: {  	_ =	shalt  }
0x4f: {  	_ =	shalt  }
0x50: {  	_ =	shalt  }
0x51: {  	_ =	shalt  }
0x52: {  	_ =	shalt  }
0x53: {  	_ =	shalt  }
0x54: {  	_ =	shalt  }
0x55: {  	_ =	shalt  }
0x56: {  	_ =	shalt  }
0x57: {  	_ =	shalt  }
0x58: {  	_ =	shalt  }
0x59: {  	_ =	shalt  }
0x5a: {  	_ =	shalt  }
0x5b: {  	_ =	shalt  }
0x5c: {  	_ =	shalt  }
0x5d: {  	_ =	shalt  }
0x5e: {  	_ =	shalt  }
0x5f: {  	_ =	shalt  }
0x60: {  	_ =	shalt  }
0x61: {  	_ =	shalt  }
0x62: {  	_ =	shalt  }
0x63: {  	_ =	shalt  }
0x64: {  	_ =	shalt  }
0x65: {  	_ =	shalt  }
0x66: {  	_ =	shalt  }
0x67: {  	_ =	shalt  }
0x68: {  	_ =	shalt  }
0x69: {  	_ =	shalt  }
0x6a: {  	_ =	shalt  }
0x6b: {  	_ =	shalt  }
0x6c: {  	_ =	shalt  }
0x6d: {  	_ =	shalt  }
0x6e: {  	_ =	shalt  }
0x6f: {  	_ =	shalt  }
0x70: {  	_ =	shalt  }
0x71: {  	_ =	shalt  }
0x72: {  	_ =	shalt  }
0x73: {  	_ =	shalt  }
0x74: {  	_ =	shalt  }
0x75: {  	_ =	shalt  }
0x76: {  	_ =	shalt  }
0x77: {  	_ =	shalt  }
0x78: {  	_ =	shalt  }
0x79: {  	_ =	shalt  }
0x7a: {  	_ =	shalt  }
0x7b: {  	_ =	shalt  }
0x7c: {  	_ =	shalt  }
0x7d: {  	_ =	shalt  }
0x7e: {  	_ =	shalt  }
0x7f: {  	_ =	shalt  }
0x80: {  	_ =	shalt  }
0x81: {  	_ =	shalt  }
0x82: {  	_ =	shalt  }
0x83: {  	_ =	shalt  }
0x84: {  	_ =	shalt  }
0x85: {  	_ =	shalt  }
0x86: {  	_ =	shalt  }
0x87: {  	_ =	shalt  }
.Lfunc_end0:
.L_simem_size_0:
called_computation.2_lowered:
.L_overlay_start_0:
0x88: {  	s2 =	sld [smem:$0x3FD9]  }
0x89: {  	s3 =	sld [smem:$0x3FFE];
	_ =	sdelay $0x1  }
0x8a: {  	s1 =	srdreg.scid  }
0x8b: {  	s0 =	sand.u32 $0x1, s1  }
0x8c: {  	s16 =	sshll.u32 s0, $0xA;
	s2 =	sadd.s32 s3, s2  }
0x8d: {  	s2 =	sadd.s32 s2, s16  }
0x8e: {  	[smem:$0x3FC0] =	sst s2  }
0x8f: {  	_ = 	snop  }
0x90: {  	(tm) =	ssettm $0x1  }
0x91: {  	s17 =	sld [smem:$0x3FFB];
	_ =	sdelay $0x3  }
0x92: {  	_ =	strace s17  }
0x93: {  	s2 =	sld [smem:$0x3FFC];
	_ =	sdelay $0x3  }
0x94: {  	_ =	strace s2  }
0x95: {  	s2 =	sld [smem:$0x3FFD];
	_ =	sdelay $0x3  }
0x96: {  	_ =	strace s2  }
0x97: {  	_ =	strace $0x8FFFFFFF  }
0x98: {  	s18 =	sld [smem:$0x3FDB];
	_ =	sdelay $0x1  }
0x99: {  	s19 =	simm.s32 $_scs_section_size  }
0x9a: {  	s4 =	simm.s32 $_size__tile_overlayer_lowered;
	s5 =	simm.s32 $_tile_overlayer_lowered  }
0x9b: {  	s22 =	simm.s32 $0x1BFF;
	s21 =	sshll.u32 s5, $0x1;
	s2 =	sadd.s32 s19, s18  }
0x9c: {  	s6 =	simm.s32 $0x0;
	s20 =	sshll.u32 s4, $0x1;
	s4 =	sadd.s32 s21, s2  }
0x9d: {  	[timem:s6], [sflag:s22] =	dma.local [hbm:s4], s20  }
0x9e: {  	_ =	swait.ge [sflag:s22], s20  }
0x9f: {  	s3 =	ssub.s32 $0x0, s20;
	[sflag:s22] =	ssyncset.done $0x0  }
0xa0: {  	[sflag:s22] =	ssyncadd.s32 s3;
	_ =	sdelay $0x1  }
0xa1: {  	s23 =	simm.s32 $0x1B8B  }
0xa2: {  	_ =	swait.ge [sflag:s23], $0x1  }
0xa3: {  	[sflag:s23] =	ssyncset.done $0x0  }
0xa4: {  	s25 =	simm.s32 $0x1B8E;
	s24 =	sld [smem:$0x3FFE];
	[sflag:s23] =	ssyncadd.s32 $0xFFFFFFFF  }
0xa5: {  	s26 =	simm.s32 $execute0_lowered;
	[smem:$0x3FD2] =	sst s25  }
0xa6: {  	s4 =	sshll.u32 s26, $0x1;
	_ =	strace $0x8000004C;
	[dreg:$0x1] =	wrdreg $0xFFFFFFFF  }
0xa7: {  	s28 =	simm.s32 $_size_execute0_lowered;
	s2 =	sadd.s32 s2, s4;
	[dreg:$0x0] =	wrdreg $0x0  }
0xa8: {  	s4 =	sshll.u32 s28, $0x1;
	[dreg:$0x2] =	wrdreg s2  }
0xa9: {  	[dreg:$0x3] =	wrdreg s4  }
0xaa: {  	[dreg:$0x4] =	wrdreg $0xC0  }
0xab: {  	_ =	task [dreg:s6], $0x5FFFF  }
0xac: {  	[dreg:$0x1] =	wrdreg $0xFFFFFFFF  }
0xad: {  	[dreg:$0x0] =	wrdreg $0x60  }
0xae: {  	[dreg:$0x2] =	wrdreg s24  }
0xaf: {  	[dreg:$0x3] =	wrdreg $0x7E000  }
0xb0: {  	[dreg:$0x4] =	wrdreg $0x9  }
0xb1: {  	_ =	task.clear_ibuf [dreg:s6], $0x5FFFF;
	_ =	strace $0x9000004C  }
0xb2: {  	s29 =	simm.s32 $0x9;
	_ =	strace $0x8000004E  }
0xb3: {  	_ =	swait.ge [sflag:s29], $0x1  }
0xb4: {  	[sflag:s29] =	ssyncadd.s32 $0xFFFFFFFF  }
0xb5: {  	_ =	strace $0x9000004E  }
0xb6: {  	_ =	sfence  }
0xb7: {  	s30 =	sld [smem:$0x0];
	_ =	sdelay $0x2  }
0xb8: {  	s31 =	sshll.u32 s1, $0xD;
	s1 =	sshrl.u32 s1, $0x2  }
0xb9: {  	s3 =	sand.u32 $0x4000, s31;
	s1 =	sadd.s32 s1, s30  }
0xba: {  	s0 =	sor.u32 s3, s0;
	s1 =	sshll.u32 s1, $0x11  }
0xbb: {  	s0 =	sor.u32 s1, s0  }
0xbc: {  	s0 =	sadd.s32 $0x8F2B, s0  }
0xbd: {  	[sflag:s0] =	ssyncadd.remote.s32 $0x1  }
0xbe: {  	_ =	sfence.sel $0xFFFF  }
0xbf: {  	[dreg:$0x0] =	wrdreg $0xFFFFFFFF;
	(pc) =	sbr.abs _section_cstart, $3  }
0xc0: {  	[dreg:$0x1] =	wrdreg $0xFFFFFFFF  }
0xc1: {  	_ =	task.clear_ibuf [dreg:s6], $0x2FFFF;
	_ =	strace $0x9FFFFFFF  }
0xc2: {  	(tm) =	ssettm $0x7FFFFFFF  }
0xc3: {  	_ =	shalt  }
tec
execute0_lowered:
.L_overlay_start_1:
0x0: {  	(tag) =	ssettag $0x1  }
0x1: {  	s2 =	rddreg [dreg:$0x0]  }
0x2: {  	s0 =	srdreg.scid;
	s1 =	rddreg [dreg:$0x1];
	s3 =	simm.s32 $0x0  }
0x3: {  	s11 =	stileid.u32;
	s28 =	simm.s32 $0x200;
	s29 =	simm.s32 $0x280  }
0x4: {  	s30 =	simm.s32 $0x300;
	s31 =	simm.s32 $0x6;
	s6 =	smul.u32 $0x14000, s11  }
0x5: {  	s0 =	sand.u32 $0x1, s0;
	[smem:$0x7FF] =	sst s3;
	s25 =	smul.u32 $0x50000, s11  }
0x6: {  	s9 =	sadd.s32 $0x2000, s2;
	s10 =	sadd.s32 $0xBE00, s2;
	s8 =	smul.u32 $0x50, s11  }
0x7: {  	s7 =	sadd.s32 $0x15C00, s2;
	s13 =	sshll.u32 s11, $0x6;
	s11 =	smul.u32 $0xA, s11  }
0x8: {  	s4 =	smul.u32 $0x140000, s0;
	_ =	strace $0x8000004D;
	[dreg:$0x3] =	wrdreg s7  }
0x9: {  	s0 =	ssub.s32 $0x2, s0;
	s23 =	sor.u32 $0x1C0D, s13;
	s13 =	simm.s32 $0x7  }
0xa: {  	s26 =	sshrl.u32 s0, $0x1;
	s7 =	sshrl.u32 s25, $0x2;
	s12 =	sshrl.u32 s8, $0x3  }
0xb: {  	s8 =	sadd.s32 s10, s11;
	[dreg:$0x5] =	wrdreg s23;
	s5 =	sshrl.u32 s4, $0x3  }
0xc: {  	s4 =	sadd.s32 s6, s4;
	s0 =	ssub.s32 s0, s26;
	s14 =	sadd.s32 $0xA0, s12  }
0xd: {  	s16 =	sadd.s32 $0x140, s12;
	s17 =	sadd.s32 $0x1E0, s12;
	s21 =	sadd.s32 $0x280, s12  }
0xe: {  	s22 =	sadd.s32 $0x320, s12;
	s12 =	simm.s32 $0x2E00;
	s15 =	sadd.s32 s9, s14  }
0xf: {  	s6 =	simm.s32 $0xC;
	s18 =	sadd.s32 s9, s16;
	[dreg:$0x6] =	wrdreg s15  }
0x10: {  	s5 =	sadd.s32 s5, s2;
	s19 =	sadd.s32 s9, s17;
	[dreg:$0x8] =	wrdreg s18  }
0x11: {  	s4 =	sshrl.u32 s4, $0x3;
	s20 =	sadd.s32 s10, s17;
	[dreg:$0xa] =	wrdreg s19  }
0x12: {  	s24 =	sadd.s32 s9, s21;
	s25 =	sadd.s32 s9, s22;
	[dreg:$0xb] =	wrdreg s20  }
0x13: {  	s26 =	sadd.s32 s10, s22;
	s0 =	smax.u32 s0, $0x1;
	[dreg:$0xc] =	wrdreg s24  }
0x14: {  	s17 =	simm.s32 $0xA;
	s22 =	simm.s32 $0x5;
	[dreg:$0xe] =	wrdreg s25  }
0x15: {  	s2 =	sadd.s32 s4, s2;
	s4 =	sadd.s32 s7, s1;
	[dreg:$0xf] =	wrdreg s26  }
0x16: {  	s7 =	sadd.s32 s9, s11;
	s19 =	sadd.s32 $0x68400, s5;
	[dreg:$0x11] =	wrdreg s0  }
0x17: {  	s24 =	simm.s32 $0x100;
	s5 =	simm.s32 $0x1;
	s9 =	simm.s32 $0x50  }
0x18: {  	s11 =	simm.s32 $0x2;
	s15 =	simm.s32 $0x5600;
	s18 =	simm.s32 $0x4  }
0x19: {  	s20 =	simm.s32 $0x9;
	s25 =	simm.s32 $0x0;
	[dreg:$0x4] =	wrdreg s4  }
.Ltmp0:
0x1a: {  	s4 =	sadd.s32 s10, s14;
	s2 =	sadd.s32 $0xB8400, s2;
	(pc) =	sbr.rel .LBB2_1-.Ltmp0, $4  }
0x1b: {  	s14 =	simm.s32 $0x3;
	[dreg:$0x7] =	wrdreg s4;
	s4 =	sadd.s32 s10, s16  }
0x1c: {  	[dreg:$0x10] =	wrdreg s2;
	s2 =	simm.s32 $0xD;
	s16 =	simm.s32 $0x8  }
0x1d: {  	[dreg:$0x9] =	wrdreg s4;
	s4 =	sadd.s32 s10, s21;
	s10 =	simm.s32 $0x600  }
0x1e: {  	s21 =	simm.s32 $0xB;
	[dreg:$0xd] =	wrdreg s4;
	s4 =	simm.s32 $0x180  }
.LBB2_6:
0x1f: {  	_ =	swait.ge [sflag:s13], $0x2800  }
0x20: {  	[sflag:s13] =	ssyncset.done $0x0  }
0x21: {  	s0 =	simm.s32 $0x380;
	[sflag:s13] =	ssyncadd.s32 $0xFFFFD800  }
0x22: {  	[spmem:s1] =	stream.indirect.scatter.add.f32 [tilespmem:s10], [sflag:$0xA], $0x80, s0, s9, $0xb8;
	[tilespmem:$0x1BE00] =	vst v63  }
0x23: {  	_ =	swait.ge [sflag:s6], $0x2800  }
0x24: {  	[sflag:s6] =	ssyncset.done $0x0  }
0x25: {  	[sflag:s6] =	ssyncadd.s32 $0xFFFFD800  }
0x26: {  	_ =	swait.ge [sflag:s17], $0x2800  }
0x27: {  	[sflag:s17] =	ssyncset.done $0x0  }
0x28: {  	s28 =	simm.s32 $0x200;
	s24 =	simm.s32 $0x100;
	[sflag:s17] =	ssyncadd.s32 $0xFFFFD800  }
.LBB2_4:
0x29: {  	[bflag:$0x0] =	sbarrier.arrive $0xFFFF  }
0x2a: {  	s23 =	rddreg [dreg:$0x5]  }
0x2b: {  	s0 =	rddreg [dreg:$0x10]  }
0x2c: {  	s2 =	rddreg [dreg:$0x13]  }
0x2d: {  	[hbm:s0], [sflag:s23] =	dma.local [spmem:s2], $0x2800  }
0x2e: {  	s2 =	simm.s32 $0xD  }
0x2f: {  	_ =	swait.ge [sflag:s2], $0x2800  }
0x30: {  	s25 =	rddreg [dreg:$0x12]  }
0x31: {  	s26 =	rddreg [dreg:$0x11];
	s25 =	sadd.s32 $0x1, s25  }
0x32: {  	p0 =	sne.s32 s25, s26  }
.Ltmp1:
0x33: {  	_ = 	snop;
	(pc) =	sbr.rel @!p0 .LBB2_5-.Ltmp1, $3  }
0x34: {  	_ =	sdelay $0x1  }
0x35: {  	[sflag:s2] =	ssyncset.done $0x0  }
0x36: {  	s4 =	simm.s32 $0x180;
	[sflag:s2] =	ssyncadd.s32 $0xFFFFD800  }
.LBB2_1:
0x37: {  	[dreg:$0x12] =	wrdreg s25  }
0x38: {  	s0 =	rddreg [dreg:$0x4]  }
0x39: {  	s26 =	rddreg [dreg:$0x3];
	s0 =	sshrl.u32 s0, $0x3  }
0x3a: {  	[dreg:$0x13] =	wrdreg s0  }
0x3b: {  	[spmem:s0], [sflag:s23] =	dma.local [hbm:s26], $0x2800  }
0x3c: {  	_ =	swait.ge [sflag:s2], $0x2800  }
0x3d: {  	[sflag:s2] =	ssyncset.done $0x0  }
0x3e: {  	[sflag:s2] =	ssyncadd.s32 $0xFFFFD800  }
0x3f: {  	[bflag:$0x0] =	sbarrier.arrive $0xFFFF  }
0x40: {  	[tilespmem:s3], [sflag:$0x1] =	stream.linear.gather [hbm4b:s7+s3], $0x50, $0x38;
	[tilespmem:$0x1BE00] =	vst v63  }
0x41: {  	s23 =	simm.s32 $0x80  }
0x42: {  	[tilespmem:s23], [sflag:$0x1] =	stream.linear.gather [hbm4b:s8+s3], $0x50, $0x38;
	[tilespmem:$0x1BE00] =	vst v63  }
0x43: {  	s25 =	rddreg [dreg:$0x6]  }
0x44: {  	[tilespmem:s24], [sflag:$0x2] =	stream.linear.gather [hbm4b:s25+s3], $0x50, $0x38;
	[tilespmem:$0x1BE00] =	vst v63  }
0x45: {  	s26 =	rddreg [dreg:$0x7]  }
0x46: {  	[tilespmem:s4], [sflag:$0x2] =	stream.linear.gather [hbm4b:s26+s3], $0x50, $0x38;
	[tilespmem:$0x1BE00] =	vst v63  }
0x47: {  	s2 =	rddreg [dreg:$0x8]  }
0x48: {  	[tilespmem:s28], [sflag:$0x3] =	stream.linear.gather [hbm4b:s2+s3], $0x50, $0x38;
	[tilespmem:$0x1BE00] =	vst v63  }
0x49: {  	s4 =	rddreg [dreg:$0x9]  }
0x4a: {  	[tilespmem:s29], [sflag:$0x3] =	stream.linear.gather [hbm4b:s4+s3], $0x50, $0x38;
	[tilespmem:$0x1BE00] =	vst v63  }
0x4b: {  	s23 =	rddreg [dreg:$0xa]  }
0x4c: {  	[tilespmem:s30], [sflag:$0x4] =	stream.linear.gather [hbm4b:s23+s3], $0x50, $0x38;
	[tilespmem:$0x1BE00] =	vst v63  }
0x4d: {  	s25 =	rddreg [dreg:$0xb];
	s26 =	simm.s32 $0x380  }
0x4e: {  	[tilespmem:s26], [sflag:$0x4] =	stream.linear.gather [hbm4b:s25+s3], $0x50, $0x38;
	[tilespmem:$0x1BE00] =	vst v63  }
0x4f: {  	s4 =	rddreg [dreg:$0xc];
	s23 =	simm.s32 $0x400  }
0x50: {  	[tilespmem:s23], [sflag:$0x5] =	stream.linear.gather [hbm4b:s4+s3], $0x50, $0x38;
	[tilespmem:$0x1BE00] =	vst v63  }
0x51: {  	s25 =	rddreg [dreg:$0xd];
	s26 =	simm.s32 $0x480  }
0x52: {  	[tilespmem:s26], [sflag:$0x5] =	stream.linear.gather [hbm4b:s25+s3], $0x50, $0x38;
	[tilespmem:$0x1BE00] =	vst v63  }
0x53: {  	s4 =	rddreg [dreg:$0xe];
	s23 =	simm.s32 $0x500  }
0x54: {  	[tilespmem:s23], [sflag:$0x6] =	stream.linear.gather [hbm4b:s4+s3], $0x50, $0x38;
	[tilespmem:$0x1BE00] =	vst v63  }
0x55: {  	s25 =	rddreg [dreg:$0xf];
	s26 =	simm.s32 $0x580  }
0x56: {  	[tilespmem:s26], [sflag:$0x6] =	stream.linear.gather [hbm4b:s25+s3], $0x50, $0x38;
	[tilespmem:$0x1BE00] =	vst v63  }
0x57: {  	_ =	swait.ge [sflag:s5], $0x50  }
0x58: {  	[sflag:s5] =	ssyncset.done $0x0  }
0x59: {  	[sflag:s5] =	ssyncadd.s32 $0xFFFFFFB0  }
0x5a: {  	_ =	swait.ge [sflag:s5], $0x50  }
0x5b: {  	[sflag:s5] =	ssyncset.done $0x0  }
0x5c: {  	[sflag:s5] =	ssyncadd.s32 $0xFFFFFFB0  }
0x5d: {  	[tilespmem:s10], [sflag:$0x7] =	stream.indirect.gather [hbm4b:s19+s9], $0x80, s3, s9, $0xb8;
	[tilespmem:$0x1BE00] =	vst v63  }
0x5e: {  	_ =	swait.ge [sflag:s11], $0x50  }
0x5f: {  	[sflag:s11] =	ssyncset.done $0x0  }
0x60: {  	[sflag:s11] =	ssyncadd.s32 $0xFFFFFFB0  }
0x61: {  	_ =	swait.ge [sflag:s11], $0x50  }
0x62: {  	s0 =	simm.s32 $0x0;
	[sflag:s11] =	ssyncset.done $0x0  }
0x63: {  	s2 =	simm.s32 $0x0;
	s23 =	simm.s32 $0xFFFFFFFE;
	[sflag:s11] =	ssyncadd.s32 $0xFFFFFFB0  }
0x64: {  	[tilespmem:s12], [sflag:$0x8] =	stream.indirect.gather [hbm4b:s19+s9], $0x80, s24, s9, $0xb8;
	[tilespmem:$0x1BE00] =	vst v63  }
.LBB2_2:
0x65: {  	_ =	swait.ge [sflag:s13], $0x2800  }
0x66: {  	[sflag:s13] =	ssyncset.done $0x0  }
0x67: {  	s4 =	simm.s32 $0x80;
	p0 =	sgt.u32 s23, $0xF9;
	[sflag:s13] =	ssyncadd.s32 $0xFFFFD800  }
0x68: {  	[spmem:s1] =	stream.indirect.scatter.add.f32 [tilespmem:s10], [sflag:$0xA], $0x80, s4, s9, $0xb8;
	[tilespmem:$0x1BE00] =	vst v63  }
0x69: {  	s4 =	simm.s32 @!p0 $0xC  }
0x6a: {  	p1 =	seq.s32 @!p0 s0, $0x99C0;
	_ =	swait.ge @!p0 [sflag:s4], $0x2800  }
0x6b: {  	p1 =	por p1, p0;
	[sflag:s4] =	ssyncset.done @!p0 $0x0  }
0x6c: {  	[sflag:s4] =	ssyncadd.s32 @!p0 $0xFFFFD800;
	s4 =	sadd.s32 @!p1 s0, s7  }
0x6d: {  	s25 =	simm.s32 @!p1 $0x0;
	s26 =	simm.s32 @!p1 $0x500;
	s4 =	sadd.s32 @!p1 $0x320, s4  }
0x6e: {  	[tilespmem:s26], [sflag:$0x6] =	stream.linear.gather @!p1 [hbm4b:s4+s25], $0x50, $0x38;
	[tilespmem:$0x1BE00] =	vst v63  }
0x6f: {  	s4 =	sadd.s32 @!p1 s0, s8  }
0x70: {  	s26 =	simm.s32 @!p1 $0x580;
	s4 =	sadd.s32 @!p1 $0x320, s4  }
0x71: {  	[tilespmem:s26], [sflag:$0x6] =	stream.linear.gather @!p1 [hbm4b:s4+s25], $0x50, $0x38;
	[tilespmem:$0x1BE00] =	vst v63  }
0x72: {  	_ =	swait.ge [sflag:s14], $0x50  }
0x73: {  	[sflag:s14] =	ssyncset.done $0x0  }
0x74: {  	[sflag:s14] =	ssyncadd.s32 $0xFFFFFFB0  }
0x75: {  	_ =	swait.ge [sflag:s14], $0x50  }
0x76: {  	[sflag:s14] =	ssyncset.done $0x0  }
0x77: {  	[sflag:s14] =	ssyncadd.s32 $0xFFFFFFB0  }
0x78: {  	[tilespmem:s15], [sflag:$0x9] =	stream.indirect.gather [hbm4b:s19+s9], $0x80, s28, s9, $0xb8;
	[tilespmem:$0x1BE00] =	vst v63  }
0x79: {  	_ =	swait.ge [sflag:s16], $0x2800  }
0x7a: {  	[sflag:s16] =	ssyncset.done $0x0  }
0x7b: {  	s28 =	simm.s32 $0x180;
	[sflag:s16] =	ssyncadd.s32 $0xFFFFD800  }
0x7c: {  	[spmem:s1] =	stream.indirect.scatter.add.f32 [tilespmem:s12], [sflag:$0xB], $0x80, s28, s9, $0xb8;
	[tilespmem:$0x1BE00] =	vst v63  }
0x7d: {  	p0 =	seq.s32 s0, $0x99C0;
	_ =	swait.ge [sflag:s17], $0x2800  }
0x7e: {  	s4 =	sadd.s32 @!p0 s0, s7;
	[sflag:s17] =	ssyncset.done $0x0  }
0x7f: {  	s25 =	simm.s32 @!p0 $0x0;
	s4 =	sadd.s32 @!p0 $0x3C0, s4;
	[sflag:s17] =	ssyncadd.s32 $0xFFFFD800  }
0x80: {  	[tilespmem:s25], [sflag:$0x1] =	stream.linear.gather @!p0 [hbm4b:s4+s25], $0x50, $0x38;
	[tilespmem:$0x1BE00] =	vst v63  }
0x81: {  	s4 =	sadd.s32 @!p0 s0, s8  }
0x82: {  	s26 =	simm.s32 @!p0 $0x80;
	s4 =	sadd.s32 @!p0 $0x3C0, s4  }
0x83: {  	[tilespmem:s26], [sflag:$0x1] =	stream.linear.gather @!p0 [hbm4b:s4+s25], $0x50, $0x38;
	[tilespmem:$0x1BE00] =	vst v63  }
0x84: {  	_ =	swait.ge [sflag:s18], $0x50  }
0x85: {  	[sflag:s18] =	ssyncset.done $0x0  }
0x86: {  	[sflag:s18] =	ssyncadd.s32 $0xFFFFFFB0  }
0x87: {  	_ =	swait.ge [sflag:s18], $0x50  }
0x88: {  	[sflag:s18] =	ssyncset.done $0x0  }
0x89: {  	[sflag:s18] =	ssyncadd.s32 $0xFFFFFFB0  }
0x8a: {  	[tilespmem:s10], [sflag:$0x7] =	stream.indirect.gather [hbm4b:s19+s9], $0x80, s30, s9, $0xb8;
	[tilespmem:$0x1BE00] =	vst v63  }
0x8b: {  	_ =	swait.ge [sflag:s20], $0x2800  }
0x8c: {  	[sflag:s20] =	ssyncset.done $0x0  }
.Ltmp2:
0x8d: {  	[sflag:s20] =	ssyncadd.s32 $0xFFFFD800;
	(pc) =	sbr.rel @p0 .LBB2_6-.Ltmp2, $4  }
0x8e: {  	[spmem:s1] =	stream.indirect.scatter.add.f32 [tilespmem:s15], [sflag:$0xC], $0x80, s29, s9, $0xb8;
	[tilespmem:$0x1BE00] =	vst v63  }
0x8f: {  	_ =	swait.ge [sflag:s21], $0x2800  }
0x90: {  	[sflag:s21] =	ssyncset.done $0x0  }
0x91: {  	s24 =	simm.s32 $0x200;
	[sflag:s21] =	ssyncadd.s32 $0xFFFFD800  }
0x92: {  	s4 =	sadd.s32 s0, s7  }
0x93: {  	s29 =	simm.s32 $0x100;
	s25 =	sadd.s32 $0x460, s4  }
0x94: {  	[tilespmem:s29], [sflag:$0x2] =	stream.linear.gather [hbm4b:s25+s3], $0x50, $0x38;
	[tilespmem:$0x1BE00] =	vst v63  }
0x95: {  	s25 =	sadd.s32 s0, s8  }
0x96: {  	s26 =	sadd.s32 $0x460, s25  }
0x97: {  	[tilespmem:s28], [sflag:$0x2] =	stream.linear.gather [hbm4b:s26+s3], $0x50, $0x38;
	[tilespmem:$0x1BE00] =	vst v63  }
0x98: {  	_ =	swait.ge [sflag:s22], $0x50  }
0x99: {  	[sflag:s22] =	ssyncset.done $0x0  }
0x9a: {  	[sflag:s22] =	ssyncadd.s32 $0xFFFFFFB0  }
0x9b: {  	_ =	swait.ge [sflag:s22], $0x50  }
0x9c: {  	[sflag:s22] =	ssyncset.done $0x0  }
0x9d: {  	s26 =	simm.s32 $0x400;
	[sflag:s22] =	ssyncadd.s32 $0xFFFFFFB0  }
0x9e: {  	[tilespmem:s12], [sflag:$0x8] =	stream.indirect.gather [hbm4b:s19+s9], $0x80, s26, s9, $0xb8;
	[tilespmem:$0x1BE00] =	vst v63  }
0x9f: {  	_ =	swait.ge [sflag:s13], $0x2800  }
0xa0: {  	[sflag:s13] =	ssyncset.done $0x0  }
0xa1: {  	s28 =	simm.s32 $0x380;
	[sflag:s13] =	ssyncadd.s32 $0xFFFFD800  }
0xa2: {  	[spmem:s1] =	stream.indirect.scatter.add.f32 [tilespmem:s10], [sflag:$0xA], $0x80, s28, s9, $0xb8;
	[tilespmem:$0x1BE00] =	vst v63  }
0xa3: {  	_ =	swait.ge [sflag:s6], $0x2800  }
0xa4: {  	[sflag:s6] =	ssyncset.done $0x0  }
0xa5: {  	s26 =	sadd.s32 $0x500, s4;
	[sflag:s6] =	ssyncadd.s32 $0xFFFFD800  }
0xa6: {  	[tilespmem:s24], [sflag:$0x3] =	stream.linear.gather [hbm4b:s26+s3], $0x50, $0x38;
	[tilespmem:$0x1BE00] =	vst v63  }
0xa7: {  	s30 =	simm.s32 $0x280;
	s24 =	sadd.s32 $0x500, s25  }
0xa8: {  	[tilespmem:s30], [sflag:$0x3] =	stream.linear.gather [hbm4b:s24+s3], $0x50, $0x38;
	[tilespmem:$0x1BE00] =	vst v63  }
0xa9: {  	_ =	swait.ge [sflag:s31], $0x50  }
0xaa: {  	[sflag:s31] =	ssyncset.done $0x0  }
0xab: {  	[sflag:s31] =	ssyncadd.s32 $0xFFFFFFB0  }
0xac: {  	_ =	swait.ge [sflag:s31], $0x50  }
0xad: {  	[sflag:s31] =	ssyncset.done $0x0  }
0xae: {  	s26 =	simm.s32 $0x500;
	[sflag:s31] =	ssyncadd.s32 $0xFFFFFFB0  }
0xaf: {  	[tilespmem:s15], [sflag:$0x9] =	stream.indirect.gather [hbm4b:s19+s9], $0x80, s26, s9, $0xb8;
	[tilespmem:$0x1BE00] =	vst v63  }
0xb0: {  	_ =	swait.ge [sflag:s16], $0x2800  }
0xb1: {  	[sflag:s16] =	ssyncset.done $0x0  }
0xb2: {  	s26 =	simm.s32 $0x480;
	[sflag:s16] =	ssyncadd.s32 $0xFFFFD800  }
0xb3: {  	[spmem:s1] =	stream.indirect.scatter.add.f32 [tilespmem:s12], [sflag:$0xB], $0x80, s26, s9, $0xb8;
	[tilespmem:$0x1BE00] =	vst v63  }
0xb4: {  	_ =	swait.ge [sflag:s17], $0x2800  }
0xb5: {  	[sflag:s17] =	ssyncset.done $0x0  }
0xb6: {  	s4 =	sadd.s32 $0x5A0, s4;
	s30 =	simm.s32 $0x300;
	[sflag:s17] =	ssyncadd.s32 $0xFFFFD800  }
0xb7: {  	[tilespmem:s30], [sflag:$0x4] =	stream.linear.gather [hbm4b:s4+s3], $0x50, $0x38;
	[tilespmem:$0x1BE00] =	vst v63  }
0xb8: {  	s25 =	sadd.s32 $0x5A0, s25  }
0xb9: {  	[tilespmem:s28], [sflag:$0x4] =	stream.linear.gather [hbm4b:s25+s3], $0x50, $0x38;
	[tilespmem:$0x1BE00] =	vst v63  }
0xba: {  	_ =	swait.ge [sflag:s5], $0x50  }
0xbb: {  	[sflag:s5] =	ssyncset.done $0x0  }
0xbc: {  	[sflag:s5] =	ssyncadd.s32 $0xFFFFFFB0  }
0xbd: {  	_ =	swait.ge [sflag:s5], $0x50  }
0xbe: {  	[sflag:s5] =	ssyncset.done $0x0  }
0xbf: {  	[sflag:s5] =	ssyncadd.s32 $0xFFFFFFB0  }
0xc0: {  	[tilespmem:s10], [sflag:$0x7] =	stream.indirect.gather [hbm4b:s19+s9], $0x80, s3, s9, $0xb8;
	[tilespmem:$0x1BE00] =	vst v63  }
0xc1: {  	_ =	swait.ge [sflag:s20], $0x2800  }
0xc2: {  	[sflag:s20] =	ssyncset.done $0x0  }
0xc3: {  	p0 =	slt.u32 s2, $0x28;
	s26 =	simm.s32 $0x580;
	[sflag:s20] =	ssyncadd.s32 $0xFFFFD800  }
0xc4: {  	[spmem:s1] =	stream.indirect.scatter.add.f32 [tilespmem:s15], [sflag:$0xC], $0x80, s26, s9, $0xb8;
	[tilespmem:$0x1BE00] =	vst v63  }
0xc5: {  	s4 =	sadd.s32 @p0 s0, s7;
	_ =	swait.ge [sflag:s21], $0x2800  }
0xc6: {  	s4 =	sadd.s32 @p0 $0x640, s4;
	[sflag:s21] =	ssyncset.done $0x0  }
0xc7: {  	s25 =	simm.s32 @p0 $0x0;
	s26 =	simm.s32 @p0 $0x400;
	[sflag:s21] =	ssyncadd.s32 $0xFFFFD800  }
0xc8: {  	[tilespmem:s26], [sflag:$0x5] =	stream.linear.gather @p0 [hbm4b:s4+s25], $0x50, $0x38;
	[tilespmem:$0x1BE00] =	vst v63  }
0xc9: {  	s4 =	sadd.s32 @p0 s0, s8  }
0xca: {  	s26 =	simm.s32 @p0 $0x480;
	s4 =	sadd.s32 @p0 $0x640, s4  }
0xcb: {  	[tilespmem:s26], [sflag:$0x5] =	stream.linear.gather @p0 [hbm4b:s4+s25], $0x50, $0x38;
	[tilespmem:$0x1BE00] =	vst v63  }
0xcc: {  	_ =	swait.ge [sflag:s11], $0x50  }
0xcd: {  	s0 =	sadd.s32 $0x3C0, s0;
	[sflag:s11] =	ssyncset.done $0x0  }
0xce: {  	p0 =	sne.s32 s0, $0x9D80;
	[sflag:s11] =	ssyncadd.s32 $0xFFFFFFB0  }
.Ltmp3:
0xcf: {  	_ =	swait.ge [sflag:s11], $0x50;
	(pc) =	sbr.rel @p0 .LBB2_2-.Ltmp3, $4  }
.Ltmp4:
0xd0: {  	[sflag:s11] =	ssyncset.done $0x0;
	(pc) =	sbr.rel @!p0 .LBB2_4-.Ltmp4, $4  }
0xd1: {  	s2 =	sadd.s32 $0x1, s2;
	s23 =	sadd.s32 $0x6, s23;
	[sflag:s11] =	ssyncadd.s32 $0xFFFFFFB0  }
0xd2: {  	[tilespmem:s12], [sflag:$0x8] =	stream.indirect.gather [hbm4b:s19+s9], $0x80, s29, s9, $0xb8;
	[tilespmem:$0x1BE00] =	vst v63  }
0xd3: {  	s24 =	simm.s32 $0x100;
	s28 =	simm.s32 $0x200;
	s29 =	simm.s32 $0x280  }
0xd4: {  	_ = 	snop  }
.LBB2_5:
0xd5: {  	_ =	sfence.sel $0x180000  }
0xd6: {  	[bflag:$0x0] =	sbarrier.arrive $0xFFFF  }
0xd7: {  	_ =	strace $0x9000004D  }
0xd8: {  	s0 =	stileid.u32;
	[bflag:$0x2] =	sbarrier.arrive $0xFFFF  }
0xd9: {  	p0 =	sne.s32 s0, $0x0;
	s0 =	rddreg [dreg:$0x2]  }
0xda: {  	s0 =	sadd.s32 @!p0 $0x100000, s0  }
0xdb: {  	[sflag:s0] =	ssyncadd.tile.s32 @!p0 $0x1;
	_ =	shalt  }
.Lfunc_end2:
_tile_overlayer_lowered:
.L_overlay_start_2:
0xdc: {  	(tag) =	ssettag $0x2  }
0xdd: {  	s0 =	rddreg [dreg:$0x0];
	s2 =	stileid.u32  }
0xde: {  	s1 =	rddreg [dreg:$0x1];
	p0 =	sne.s32 s2, $0x0  }
0xdf: {  	s3 =	rddreg [dreg:$0x2];
	[bflag:$0x3] =	sbarrier.arrive $0xFFFF;
	s2 =	simm.s32 @!p0 $0x1C0D  }
0xe0: {  	[timem:s3], [sflag:s2] =	dma.local @!p0 [hbm:s0], s1  }
0xe1: {  	s0 =	simm.s32 @!p0 $0xD  }
0xe2: {  	_ =	swait.ge @!p0 [sflag:s0], s1  }
0xe3: {  	s1 =	ssub.s32 @!p0 $0x0, s1;
	[sflag:s0] =	ssyncset.done @!p0 $0x0  }
0xe4: {  	[sflag:s0] =	ssyncadd.s32 @!p0 s1  }
0xe5: {  	[bflag:$0x3] =	sbarrier.arrive $0xFFFF  }
0xe6: {  	_ =	shalt  }

// kernel: kernel.8.cloned.1.call-start
scs
__scs_entry_jumppad:
0x0: {  	(pc) =	sbr.rel $0x88, $3  }
0x1: {  	(tag) =	ssettag $0x0;
	lr =	simm.s32 $0x1  }
0x2: {  	[smem:$0x3F99] =	sst lr;
	_ =	strace $0xD0000000  }
0x3: {  	_ = 	snop  }
0x4: {  	_ = 	snop  }
0x5: {  	_ = 	snop  }
0x6: {  	_ = 	snop  }
0x7: {  	_ = 	snop  }
__scs_overlays_trampoline_lowered:
0x8: {  	[smem:$0x3FA8] =	sst s0  }
0x9: {  	[smem:$0x3FA9] =	sst s1  }
0xa: {  	[smem:$0x3FAA] =	sst s2  }
0xb: {  	[smem:$0x3FAB] =	sst s3  }
0xc: {  	[smem:$0x3FAC] =	sst s4  }
0xd: {  	[smem:$0x3FAD] =	sst s5  }
0xe: {  	[smem:$0x3FAE] =	sst s6  }
0xf: {  	[smem:$0x3FAF] =	sst s7  }
0x10: {  	[smem:$0x3FB0] =	sst s8  }
0x11: {  	[smem:$0x3FB1] =	sst s9;
	s0 =	simm.s32 @!p0 $0x0  }
0x12: {  	s1 =	sld [smem:$0x3F97];
	s0 =	simm.s32 @p0 $0x1  }
0x13: {  	[smem:$0x3FB2] =	sst s0;
	s0 =	simm.s32 @!p1 $0x0  }
0x14: {  	s2 =	sld [smem:$0x3F96];
	s0 =	simm.s32 @p1 $0x1  }
0x15: {  	[smem:$0x3FB3] =	sst s0;
	s0 =	simm.s32 @!p2 $0x0  }
0x16: {  	s3 =	sld [smem:$0x3FDB];
	s0 =	simm.s32 @p2 $0x1  }
0x17: {  	s4 =	simm.s32 $0x1BF5;
	[smem:$0x3FB5] =	sst s0  }
0x18: {  	s0 =	sld [smem:$0x3F98];
	_ =	swait.ge [sflag:s4], $0x0  }
0x19: {  	s7 =	sld [smem:$0x3F99]  }
0x1a: {  	s8 =	sadd.s32 $0xFFFFE003, lr  }
0x1b: {  	s9 =	sadd.s32 $0xFFFFFEF7, lr;
	s5 =	simm.s32 $0xFFFFFFFF;
	p2 =	slt.u32 s8, $0xFFFFF086  }
0x1c: {  	p1 =	slt.u32 s9, $0xF7A;
	s5 =	simm.s32 @!p2 $0x0  }
0x1d: {  	s5 =	simm.s32 @p1 $0x1;
	p0 =	seq.s32 s7, s2  }
0x1e: {  	s7 =	smul.u32 @!p0 $0xF7A, s2;
	p2 =	seq.s32 @!p0 s5, $0x0  }
0x1f: {  	s9 =	smul.u32 $0xF7A, s1;
	s8 =	simm.s32 @!p0 $0x1BF5;
	p2 =	por !p2, p0  }
0x20: {  	[sflag:s8] =	ssyncset.s32 @!p0 $0xFFFFF086;
	s6 =	sadd.s32 @!p0 s3, s7;
	s7 =	simm.s32 @!p0 $0x108  }
0x21: {  	s3 =	sadd.s32 s3, s9;
	s6 =	sadd.s32 @!p0 $0x88, s6;
	s7 =	simm.s32 @p2 $0x1082  }
0x22: {  	[simem:s7], [sflag:s8] =	dma.local @!p0 [hbm:s6], $0xF7A  }
0x23: {  	s9 =	sor.u32 $0xD0000000, s2;
	s6 =	simm.s32 $0x108;
	_ =	swait.ge @!p0 [sflag:s8], $0x0  }
0x24: {  	s3 =	sadd.s32 $0x88, s3;
	s6 =	simm.s32 @!p1 $0x1082;
	[sflag:s4] =	ssyncset.s32 $0xFFFFF086  }
0x25: {  	[simem:s6], [sflag:s4] =	dma.local [hbm:s3], $0xF7A  }
0x26: {  	[smem:$0x3F99] =	sst s1;
	(tag) =	ssettag s2;
	_ =	strace s9  }
0x27: {  	s1 =	sld [smem:$0x3FA9]  }
0x28: {  	s2 =	sld [smem:$0x3FAA]  }
0x29: {  	s4 =	sld [smem:$0x3FAC]  }
0x2a: {  	p0 =	seq.s32 s5, $0x0;
	s5 =	sld [smem:$0x3FAD]  }
0x2b: {  	s6 =	sld [smem:$0x3FAE]  }
0x2c: {  	s7 =	sld [smem:$0x3FAF]  }
0x2d: {  	s3 =	simm.s32 $0x108;
	s8 =	sld [smem:$0x3FB0]  }
0x2e: {  	s3 =	simm.s32 @!p0 $0x1082;
	s9 =	sld [smem:$0x3FB1]  }
0x2f: {  	lr =	sadd.s32 s0, s3;
	s0 =	sld [smem:$0x3FA8]  }
0x30: {  	s3 =	sld [smem:$0x3FAB]  }
0x31: {  	[smem:$0x3FB4] =	sst s10  }
0x32: {  	s10 =	sld [smem:$0x3FB2];
	_ =	sdelay $0x3  }
0x33: {  	p0 =	seq.s32 s10, $0x1;
	s10 =	sld [smem:$0x3FB4];
	_ =	sdelay $0x3  }
0x34: {  	[smem:$0x3FB4] =	sst s10  }
0x35: {  	s10 =	sld [smem:$0x3FB3];
	_ =	sdelay $0x3  }
0x36: {  	p1 =	seq.s32 s10, $0x1;
	s10 =	sld [smem:$0x3FB4];
	_ =	sdelay $0x3  }
0x37: {  	[smem:$0x3FB4] =	sst s10  }
0x38: {  	s10 =	sld [smem:$0x3FB5]  }
0x39: {  	_ = 	snop;
	(pc) =	sbr.ind lr, $3  }
0x3a: {  	_ = 	snop  }
0x3b: {  	_ = 	snop  }
0x3c: {  	p2 =	seq.s32 s10, $0x1;
	s10 =	sld [smem:$0x3FB4]  }
0x3d: {  	_ =	shalt  }
0x3e: {  	_ =	shalt  }
0x3f: {  	_ =	shalt  }
0x40: {  	_ =	shalt  }
0x41: {  	_ =	shalt  }
0x42: {  	_ =	shalt  }
0x43: {  	_ =	shalt  }
0x44: {  	_ =	shalt  }
0x45: {  	_ =	shalt  }
0x46: {  	_ =	shalt  }
0x47: {  	_ =	shalt  }
0x48: {  	_ =	shalt  }
0x49: {  	_ =	shalt  }
0x4a: {  	_ =	shalt  }
0x4b: {  	_ =	shalt  }
0x4c: {  	_ =	shalt  }
0x4d: {  	_ =	shalt  }
0x4e: {  	_ =	shalt  }
0x4f: {  	_ =	shalt  }
0x50: {  	_ =	shalt  }
0x51: {  	_ =	shalt  }
0x52: {  	_ =	shalt  }
0x53: {  	_ =	shalt  }
0x54: {  	_ =	shalt  }
0x55: {  	_ =	shalt  }
0x56: {  	_ =	shalt  }
0x57: {  	_ =	shalt  }
0x58: {  	_ =	shalt  }
0x59: {  	_ =	shalt  }
0x5a: {  	_ =	shalt  }
0x5b: {  	_ =	shalt  }
0x5c: {  	_ =	shalt  }
0x5d: {  	_ =	shalt  }
0x5e: {  	_ =	shalt  }
0x5f: {  	_ =	shalt  }
0x60: {  	_ =	shalt  }
0x61: {  	_ =	shalt  }
0x62: {  	_ =	shalt  }
0x63: {  	_ =	shalt  }
0x64: {  	_ =	shalt  }
0x65: {  	_ =	shalt  }
0x66: {  	_ =	shalt  }
0x67: {  	_ =	shalt  }
0x68: {  	_ =	shalt  }
0x69: {  	_ =	shalt  }
0x6a: {  	_ =	shalt  }
0x6b: {  	_ =	shalt  }
0x6c: {  	_ =	shalt  }
0x6d: {  	_ =	shalt  }
0x6e: {  	_ =	shalt  }
0x6f: {  	_ =	shalt  }
0x70: {  	_ =	shalt  }
0x71: {  	_ =	shalt  }
0x72: {  	_ =	shalt  }
0x73: {  	_ =	shalt  }
0x74: {  	_ =	shalt  }
0x75: {  	_ =	shalt  }
0x76: {  	_ =	shalt  }
0x77: {  	_ =	shalt  }
0x78: {  	_ =	shalt  }
0x79: {  	_ =	shalt  }
0x7a: {  	_ =	shalt  }
0x7b: {  	_ =	shalt  }
0x7c: {  	_ =	shalt  }
0x7d: {  	_ =	shalt  }
0x7e: {  	_ =	shalt  }
0x7f: {  	_ =	shalt  }
0x80: {  	_ =	shalt  }
0x81: {  	_ =	shalt  }
0x82: {  	_ =	shalt  }
0x83: {  	_ =	shalt  }
0x84: {  	_ =	shalt  }
0x85: {  	_ =	shalt  }
0x86: {  	_ =	shalt  }
0x87: {  	_ =	shalt  }
.Lfunc_end0:
.L_simem_size_0:
called_computation_lowered:
.L_overlay_start_0:
0x88: {  	s2 =	sld [smem:$0x3FD9]  }
0x89: {  	s3 =	sld [smem:$0x3FFE];
	_ =	sdelay $0x1  }
0x8a: {  	s1 =	srdreg.scid  }
0x8b: {  	s0 =	sand.u32 $0x1, s1  }
0x8c: {  	s17 =	sshll.u32 s0, $0xA;
	s2 =	sadd.s32 s3, s2  }
0x8d: {  	s2 =	sadd.s32 s2, s17  }
0x8e: {  	[smem:$0x3FC0] =	sst s2  }
0x8f: {  	_ = 	snop  }
0x90: {  	s2 =	sld [smem:$0x3FD0];
	(tm) =	ssettm $0x1  }
0x91: {  	s18 =	sld [smem:$0x3FFB];
	_ =	sdelay $0x3  }
0x92: {  	_ =	strace s18  }
0x93: {  	s3 =	sld [smem:$0x3FFC];
	_ =	sdelay $0x3  }
0x94: {  	_ =	strace s3  }
0x95: {  	s3 =	sld [smem:$0x3FFD];
	_ =	sdelay $0x3  }
0x96: {  	_ =	strace s3  }
0x97: {  	_ =	strace $0x8FFFFFFF  }
0x98: {  	s19 =	sld [smem:$0x3FDB];
	_ =	sdelay $0x1  }
0x99: {  	s4 =	simm.s32 $_scs_section_size  }
0x9a: {  	s5 =	simm.s32 $_size__tile_overlayer_lowered;
	s6 =	simm.s32 $_tile_overlayer_lowered  }
0x9b: {  	s22 =	simm.s32 $0x1BFF;
	s21 =	sshll.u32 s6, $0x1;
	s3 =	sadd.s32 s4, s19  }
0x9c: {  	s7 =	simm.s32 $0x0;
	s20 =	sshll.u32 s5, $0x1;
	s5 =	sadd.s32 s21, s3  }
0x9d: {  	[timem:s7], [sflag:s22] =	dma.local [hbm:s5], s20  }
0x9e: {  	_ =	swait.ge [sflag:s22], s20  }
0x9f: {  	s4 =	ssub.s32 $0x0, s20;
	[sflag:s22] =	ssyncset.done $0x0  }
0xa0: {  	[sflag:s22] =	ssyncadd.s32 s4;
	_ =	sdelay $0x1  }
0xa1: {  	s23 =	simm.s32 $0x1B8B  }
0xa2: {  	_ =	swait.ge [sflag:s23], $0x1  }
0xa3: {  	[sflag:s23] =	ssyncset.done $0x0  }
0xa4: {  	s25 =	simm.s32 $0x1B8E;
	s24 =	sld [smem:$0x3FFE];
	[sflag:s23] =	ssyncadd.s32 $0xFFFFFFFF  }
0xa5: {  	s26 =	simm.s32 $execute0_lowered;
	[smem:$0x3FD2] =	sst s25  }
0xa6: {  	s5 =	sshll.u32 s26, $0x1;
	_ =	strace $0x80000046;
	[dreg:$0x1] =	wrdreg $0xFFFFFFFF  }
0xa7: {  	s28 =	simm.s32 $_size_execute0_lowered;
	s3 =	sadd.s32 s3, s5;
	[dreg:$0x0] =	wrdreg $0x0  }
0xa8: {  	s5 =	sshll.u32 s28, $0x1;
	[dreg:$0x2] =	wrdreg s3  }
0xa9: {  	[dreg:$0x3] =	wrdreg s5  }
0xaa: {  	[dreg:$0x4] =	wrdreg $0xC0  }
0xab: {  	_ =	task [dreg:s7], $0x5FFFF  }
0xac: {  	[dreg:$0x1] =	wrdreg $0xFFFFFFFF  }
0xad: {  	[dreg:$0x0] =	wrdreg $0x60  }
0xae: {  	[dreg:$0x2] =	wrdreg s24  }
0xaf: {  	[dreg:$0x3] =	wrdreg s2  }
0xb0: {  	[dreg:$0x4] =	wrdreg $0x2C000  }
0xb1: {  	[dreg:$0x5] =	wrdreg $0x9  }
0xb2: {  	_ =	task.clear_ibuf [dreg:s7], $0x6FFFF;
	_ =	strace $0x90000046  }
0xb3: {  	s29 =	simm.s32 $0x9;
	_ =	strace $0x80000048  }
0xb4: {  	_ =	swait.ge [sflag:s29], $0x1  }
0xb5: {  	[sflag:s29] =	ssyncadd.s32 $0xFFFFFFFF  }
0xb6: {  	_ =	strace $0x90000048  }
0xb7: {  	_ =	sfence  }
0xb8: {  	s30 =	sld [smem:$0x0];
	_ =	sdelay $0x2  }
0xb9: {  	s31 =	sshll.u32 s1, $0xD;
	s1 =	sshrl.u32 s1, $0x2  }
0xba: {  	s3 =	sand.u32 $0x4000, s31;
	s1 =	sadd.s32 s1, s30  }
0xbb: {  	s0 =	sor.u32 s3, s0;
	s1 =	sshll.u32 s1, $0x11  }
0xbc: {  	s0 =	sor.u32 s1, s0  }
0xbd: {  	s0 =	sadd.s32 $0x8F2B, s0  }
0xbe: {  	[sflag:s0] =	ssyncadd.remote.s32 $0x1  }
0xbf: {  	_ =	sfence.sel $0xFFFF  }
0xc0: {  	[dreg:$0x0] =	wrdreg $0xFFFFFFFF;
	(pc) =	sbr.abs _section_cstart, $3  }
0xc1: {  	[dreg:$0x1] =	wrdreg $0xFFFFFFFF  }
0xc2: {  	_ =	task.clear_ibuf [dreg:s7], $0x2FFFF;
	_ =	strace $0x9FFFFFFF  }
0xc3: {  	(tm) =	ssettm $0x7FFFFFFF  }
tec
execute0_lowered:
.L_overlay_start_1:
0x0: {  	(tag) =	ssettag $0x1  }
0x1: {  	s0 =	rddreg [dreg:$0x0];
	s1 =	srdreg.scid  }
0x2: {  	s3 =	rddreg [dreg:$0x2];
	s9 =	stileid.u32;
	s4 =	simm.s32 $0x0  }
0x3: {  	s29 =	simm.s32 $0xD;
	s30 =	simm.s32 $0x5;
	s31 =	simm.s32 $0x50  }
0x4: {  	s1 =	sand.u32 $0x1, s1;
	s5 =	smul.u32 $0x14000, s9;
	[smem:$0x7FF] =	sst s4  }
0x5: {  	s14 =	sadd.s32 $0xBE00, s0;
	s16 =	sadd.s32 $0x15C00, s0;
	s7 =	smul.u32 $0x50000, s9  }
0x6: {  	s20 =	sshll.u32 s9, $0x6;
	s2 =	smul.u32 $0x140000, s1;
	_ =	strace $0x80000047  }
0x7: {  	s17 =	sshll.u32 s1, $0x4;
	s6 =	ssub.s32 $0x2, s1;
	s1 =	smul.u32 $0xA0, s1  }
0x8: {  	[dreg:$0x4] =	wrdreg s16;
	s16 =	smul.u32 $0xA, s9;
	s18 =	sshrl.u32 s6, $0x1  }
0x9: {  	s19 =	sshrl.u32 s7, $0x2;
	s2 =	sadd.s32 s5, s2;
	s5 =	sor.u32 s9, s17  }
0xa: {  	s17 =	sadd.s32 s19, s3;
	s1 =	sadd.s32 s1, s14;
	s8 =	smul.u32 $0x50, s5  }
0xb: {  	s19 =	simm.s32 $0x11;
	s2 =	sshrl.u32 s2, $0x3;
	s5 =	smul.u32 $0xA, s5  }
0xc: {  	s26 =	sadd.s32 s16, s1;
	s1 =	simm.s32 $0x6;
	s0 =	sadd.s32 s2, s0  }
0xd: {  	s2 =	ssub.s32 s6, s18;
	s6 =	sor.u32 $0x1C11, s20;
	s28 =	sadd.s32 $0xDC0, s26  }
0xe: {  	s18 =	sshrl.u32 s17, $0x3;
	s20 =	simm.s32 $0x400;
	s8 =	sshrl.u32 s8, $0x3  }
0xf: {  	s5 =	sadd.s32 s14, s5;
	s15 =	sadd.s32 $0x18400, s0;
	s16 =	smax.u32 s2, $0x1  }
0x10: {  	s0 =	simm.s32 $0x9;
	s2 =	simm.s32 $0xA;
	s21 =	sadd.s32 s14, s8  }
0x11: {  	[dreg:$0x5] =	wrdreg s5;
	s22 =	sadd.s32 $0x140, s21;
	s23 =	sadd.s32 $0x280, s21  }
.Ltmp0:
0x12: {  	s24 =	sadd.s32 $0x3C0, s21;
	[dreg:$0x6] =	wrdreg s22;
	(pc) =	sbr.rel .LBB2_1-.Ltmp0, $4  }
0x13: {  	s25 =	sadd.s32 $0x500, s21;
	s12 =	sadd.s32 $0x640, s21;
	[dreg:$0x7] =	wrdreg s23  }
0x14: {  	s13 =	sadd.s32 $0x780, s21;
	s14 =	sadd.s32 $0x8C0, s21;
	[dreg:$0x8] =	wrdreg s24  }
0x15: {  	s21 =	simm.s32 $0xB;
	[dreg:$0x9] =	wrdreg s25;
	s24 =	simm.s32 $0x200  }
0x16: {  	s25 =	simm.s32 $0x280;
	s22 =	simm.s32 $0xC;
	s23 =	simm.s32 $0x0  }
.LBB2_12:
0x17: {  	s23 =	sadd.s32 $0x1, s23  }
0x18: {  	p0 =	sne.s32 s23, s16  }
.Ltmp1:
0x19: {  	[bflag:$0x0] =	sbarrier.arrive $0xFFFF;
	(pc) =	sbr.rel @!p0 .LBB2_13-.Ltmp1, $4  }
0x1a: {  	[hbm:s15], [sflag:s6] =	dma.local [spmem:s18], $0x2800  }
0x1b: {  	_ =	swait.ge [sflag:s19], $0x2800  }
0x1c: {  	[sflag:s19] =	ssyncset.done $0x0  }
0x1d: {  	[sflag:s19] =	ssyncadd.s32 $0xFFFFD800  }
.LBB2_1:
0x1e: {  	s5 =	rddreg [dreg:$0x4]  }
0x1f: {  	[spmem:s18], [sflag:s6] =	dma.local [hbm:s5], $0x2800  }
0x20: {  	_ =	swait.ge [sflag:s19], $0x2800  }
0x21: {  	[sflag:s19] =	ssyncset.done $0x0  }
0x22: {  	[sflag:s19] =	ssyncadd.s32 $0xFFFFD800  }
0x23: {  	s11 =	rddreg [dreg:$0x1]  }
0x24: {  	[tilespmem:s20], [sflag:$0x11] =	stream.linear.gather [hbm4b:s11+s4], $0x2800, $0x38;
	[tilespmem:$0x16C00] =	vst v63  }
0x25: {  	_ =	swait.ge [sflag:s19], $0x2800  }
0x26: {  	[sflag:s19] =	ssyncset.done $0x0  }
0x27: {  	[sflag:s19] =	ssyncadd.s32 $0xFFFFD800  }
0x28: {  	[bflag:$0x0] =	sbarrier.arrive $0xFFFF  }
0x29: {  	s17 =	rddreg [dreg:$0x5]  }
0x2a: {  	[tilespmem:s4], [sflag:$0x1] =	stream.linear.gather [hbm4b:s17+s4], $0x50, $0x38;
	[tilespmem:$0x16C00] =	vst v63  }
0x2b: {  	s7 =	simm.s32 $0x80;
	s26 =	rddreg [dreg:$0x6]  }
0x2c: {  	[tilespmem:s7], [sflag:$0x2] =	stream.linear.gather [hbm4b:s26+s4], $0x50, $0x38;
	[tilespmem:$0x16C00] =	vst v63  }
0x2d: {  	s8 =	simm.s32 $0x100;
	s7 =	rddreg [dreg:$0x7]  }
0x2e: {  	[tilespmem:s8], [sflag:$0x3] =	stream.linear.gather [hbm4b:s7+s4], $0x50, $0x38;
	[tilespmem:$0x16C00] =	vst v63  }
0x2f: {  	s10 =	simm.s32 $0x180;
	s9 =	rddreg [dreg:$0x8]  }
0x30: {  	[tilespmem:s10], [sflag:$0x4] =	stream.linear.gather [hbm4b:s9+s4], $0x50, $0x38;
	[tilespmem:$0x16C00] =	vst v63  }
0x31: {  	s11 =	rddreg [dreg:$0x9]  }
0x32: {  	[tilespmem:s24], [sflag:$0x5] =	stream.linear.gather [hbm4b:s11+s4], $0x50, $0x38;
	[tilespmem:$0x16C00] =	vst v63  }
0x33: {  	_ = 	snop  }
0x34: {  	[tilespmem:s25], [sflag:$0x6] =	stream.linear.gather [hbm4b:s12+s4], $0x50, $0x38;
	[tilespmem:$0x16C00] =	vst v63  }
.Ltmp2:
0x35: {  	s17 =	simm.s32 $0x300;
	(pc) =	sbr.rel .LBB2_2-.Ltmp2, $4  }
0x36: {  	[tilespmem:s17], [sflag:$0x7] =	stream.linear.gather [hbm4b:s13+s4], $0x50, $0x38;
	[tilespmem:$0x16C00] =	vst v63  }
0x37: {  	s26 =	simm.s32 $0x380  }
0x38: {  	[tilespmem:s26], [sflag:$0x8] =	stream.linear.gather [hbm4b:s14+s4], $0x50, $0x38;
	[tilespmem:$0x16C00] =	vst v63  }
0x39: {  	s5 =	simm.s32 $0x0;
	s17 =	smov.u32 s28;
	s26 =	simm.s32 $0x7  }
.LBB2_8:
0x3a: {  	s7 =	sadd.s32 $0xFFFFFC40, s17  }
0x3b: {  	[tilespmem:s4], [sflag:$0x1] =	stream.linear.gather [hbm4b:s7+s4], $0x50, $0x38;
	[tilespmem:$0x16C00] =	vst v63  }
0x3c: {  	_ =	swait.ge [sflag:s1], $0x50  }
0x3d: {  	[sflag:s1] =	ssyncset.done $0x0  }
0x3e: {  	[sflag:s1] =	ssyncadd.s32 $0xFFFFFFB0  }
0x3f: {  	[spmem:s3] =	stream.indirect.scatter.add.f32 [tilespmem:s20], [sflag:$0xE], $0x80, s25, s31, $0xb8;
	[tilespmem:$0x16C00] =	vst v63  }
.LBB2_10:
0x40: {  	_ =	swait.ge [sflag:s2], $0x2800;
	p0 =	seq.s32 s26, $0x7F  }
0x41: {  	[sflag:s2] =	ssyncset.done $0x0;
	s7 =	sadd.s32 @!p0 $0xFFFFFD80, s17  }
0x42: {  	s8 =	simm.s32 @!p0 $0x0;
	s9 =	simm.s32 @!p0 $0x80;
	[sflag:s2] =	ssyncadd.s32 $0xFFFFD800  }
0x43: {  	[tilespmem:s9], [sflag:$0x2] =	stream.linear.gather @!p0 [hbm4b:s7+s8], $0x50, $0x38;
	[tilespmem:$0x16C00] =	vst v63  }
0x44: {  	s7 =	simm.s32 @!p0 $0x7  }
0x45: {  	_ =	swait.ge @!p0 [sflag:s7], $0x50  }
0x46: {  	s10 =	simm.s32 @!p0 $0x400;
	[sflag:s7] =	ssyncset.done @!p0 $0x0  }
0x47: {  	s9 =	simm.s32 @!p0 $0x300;
	[sflag:s7] =	ssyncadd.s32 @!p0 $0xFFFFFFB0;
	s7 =	simm.s32 @!p0 $0x50  }
0x48: {  	[spmem:s3] =	stream.indirect.scatter.add.f32 @!p0 [tilespmem:s10], [sflag:$0xF], $0x80, s9, s7, $0xb8;
	[tilespmem:$0x16C00] =	vst v63  }
0x49: {  	_ =	swait.ge [sflag:s21], $0x2800  }
0x4a: {  	[sflag:s21] =	ssyncset.done $0x0  }
0x4b: {  	s11 =	simm.s32 @!p0 $0x100;
	s9 =	sadd.s32 @!p0 $0xFFFFFEC0, s17;
	[sflag:s21] =	ssyncadd.s32 $0xFFFFD800  }
0x4c: {  	[tilespmem:s11], [sflag:$0x3] =	stream.linear.gather @!p0 [hbm4b:s9+s8], $0x50, $0x38;
	[tilespmem:$0x16C00] =	vst v63  }
0x4d: {  	s9 =	simm.s32 @!p0 $0x8  }
0x4e: {  	_ =	swait.ge @!p0 [sflag:s9], $0x50  }
0x4f: {  	[sflag:s9] =	ssyncset.done @!p0 $0x0  }
0x50: {  	[sflag:s9] =	ssyncadd.s32 @!p0 $0xFFFFFFB0;
	s9 =	simm.s32 @!p0 $0x380  }
0x51: {  	[spmem:s3] =	stream.indirect.scatter.add.f32 @!p0 [tilespmem:s10], [sflag:$0x10], $0x80, s9, s7, $0xb8;
	[tilespmem:$0x16C00] =	vst v63  }
0x52: {  	_ =	swait.ge [sflag:s22], $0x2800  }
0x53: {  	[sflag:s22] =	ssyncset.done $0x0  }
0x54: {  	s7 =	simm.s32 @!p0 $0x180;
	[sflag:s22] =	ssyncadd.s32 $0xFFFFD800  }
0x55: {  	[tilespmem:s7], [sflag:$0x4] =	stream.linear.gather @!p0 [hbm4b:s17+s8], $0x50, $0x38;
	[tilespmem:$0x16C00] =	vst v63  }
.LBB2_11:
0x56: {  	s26 =	sadd.s32 $0x8, s26  }
0x57: {  	p0 =	sne.s32 s26, $0x8F  }
.Ltmp3:
0x58: {  	_ = 	snop;
	(pc) =	sbr.rel @!p0 .LBB2_12-.Ltmp3, $2  }
0x59: {  	_ =	sdelay $0x2  }
0x5a: {  	s5 =	sadd.s32 $0x1, s5;
	s17 =	sadd.s32 $0xA00, s17  }
.LBB2_2:
0x5b: {  	p0 =	seq.s32 s26, $0x87  }
0x5c: {  	s7 =	simm.s32 @!p0 $0x1  }
0x5d: {  	_ =	swait.ge @!p0 [sflag:s7], $0x50  }
0x5e: {  	s8 =	simm.s32 @!p0 $0x0;
	[sflag:s7] =	ssyncset.done @!p0 $0x0  }
0x5f: {  	s9 =	simm.s32 @!p0 $0x400;
	[sflag:s7] =	ssyncadd.s32 @!p0 $0xFFFFFFB0;
	s7 =	simm.s32 @!p0 $0x50  }
0x60: {  	[spmem:s3] =	stream.indirect.scatter.add.f32 @!p0 [tilespmem:s9], [sflag:$0x9], $0x80, s8, s7, $0xb8;
	[tilespmem:$0x16C00] =	vst v63  }
0x61: {  	s7 =	sadd.s32 @!p0 $0xFFFFFFF5, s26  }
0x62: {  	p1 =	sgt.u32 @!p0 s7, $0x7C  }
0x63: {  	p1 =	por p0, !p1  }
.Ltmp4:
0x64: {  	_ = 	snop;
	(pc) =	sbr.rel @!p1 .LBB2_4-.Ltmp4, $1  }
0x65: {  	_ =	sdelay $0x3  }
0x66: {  	_ =	swait.ge [sflag:s29], $0x2800  }
0x67: {  	s7 =	sadd.s32 $0xFFFFFFFD, s26;
	[sflag:s29] =	ssyncset.done $0x0  }
0x68: {  	p1 =	sgt.u32 s7, $0x7C;
	[sflag:s29] =	ssyncadd.s32 $0xFFFFD800  }
0x69: {  	s7 =	sadd.s32 @!p1 $0xFFFFF740, s17;
	s8 =	simm.s32 @!p1 $0x0;
	s9 =	simm.s32 @!p1 $0x200  }
0x6a: {  	[tilespmem:s9], [sflag:$0x5] =	stream.linear.gather @!p1 [hbm4b:s7+s8], $0x50, $0x38;
	[tilespmem:$0x16C00] =	vst v63  }
.LBB2_4:
0x6b: {  	p1 =	sgt.u32 s5, $0xF  }
0x6c: {  	s7 =	simm.s32 @!p1 $0x2  }
0x6d: {  	s11 =	sadd.s32 $0xFFFFFFF6, s26;
	_ =	swait.ge @!p1 [sflag:s7], $0x50  }
0x6e: {  	s8 =	simm.s32 @!p1 $0x80;
	s9 =	simm.s32 @!p1 $0x400;
	[sflag:s7] =	ssyncset.done @!p1 $0x0  }
0x6f: {  	p2 =	sgt.u32 s11, $0x7C;
	[sflag:s7] =	ssyncadd.s32 @!p1 $0xFFFFFFB0;
	s7 =	simm.s32 @!p1 $0x50  }
0x70: {  	[spmem:s3] =	stream.indirect.scatter.add.f32 @!p1 [tilespmem:s9], [sflag:$0xA], $0x80, s8, s7, $0xb8;
	[tilespmem:$0x16C00] =	vst v63  }
0x71: {  	s8 =	simm.s32 @!p2 $0xE  }
0x72: {  	s10 =	sadd.s32 @!p2 $0xFFFFFFFE, s26;
	_ =	swait.ge @!p2 [sflag:s8], $0x2800  }
0x73: {  	p3 =	sgt.u32 @!p2 s10, $0x7C;
	[sflag:s8] =	ssyncset.done @!p2 $0x0  }
0x74: {  	[sflag:s8] =	ssyncadd.s32 @!p2 $0xFFFFD800;
	p2 =	por p3, p2  }
0x75: {  	s8 =	sadd.s32 @!p2 $0xFFFFF880, s17;
	s10 =	simm.s32 @!p2 $0x0;
	s11 =	simm.s32 @!p2 $0x280  }
0x76: {  	[tilespmem:s11], [sflag:$0x6] =	stream.linear.gather @!p2 [hbm4b:s8+s10], $0x50, $0x38;
	[tilespmem:$0x16C00] =	vst v63  }
0x77: {  	s8 =	simm.s32 @!p1 $0x3  }
0x78: {  	_ =	swait.ge @!p1 [sflag:s8], $0x50  }
0x79: {  	s10 =	sadd.s32 $0xFFFFFFF7, s26;
	[sflag:s8] =	ssyncset.done @!p1 $0x0  }
0x7a: {  	p2 =	sgt.u32 s10, $0x7C;
	[sflag:s8] =	ssyncadd.s32 @!p1 $0xFFFFFFB0;
	s8 =	simm.s32 @!p1 $0x100  }
0x7b: {  	[spmem:s3] =	stream.indirect.scatter.add.f32 @!p1 [tilespmem:s9], [sflag:$0xB], $0x80, s8, s7, $0xb8;
	[tilespmem:$0x16C00] =	vst v63  }
0x7c: {  	s8 =	simm.s32 @!p2 $0xF  }
0x7d: {  	s10 =	sadd.s32 @!p2 $0xFFFFFFFF, s26;
	_ =	swait.ge @!p2 [sflag:s8], $0x2800  }
0x7e: {  	p3 =	sgt.u32 @!p2 s10, $0x7C;
	[sflag:s8] =	ssyncset.done @!p2 $0x0  }
0x7f: {  	[sflag:s8] =	ssyncadd.s32 @!p2 $0xFFFFD800;
	p2 =	por p3, p2  }
0x80: {  	s8 =	sadd.s32 @!p2 $0xFFFFF9C0, s17;
	s10 =	simm.s32 @!p2 $0x0;
	s11 =	simm.s32 @!p2 $0x300  }
0x81: {  	[tilespmem:s11], [sflag:$0x7] =	stream.linear.gather @!p2 [hbm4b:s8+s10], $0x50, $0x38;
	[tilespmem:$0x16C00] =	vst v63  }
0x82: {  	s8 =	simm.s32 @!p1 $0x4  }
0x83: {  	_ =	swait.ge @!p1 [sflag:s8], $0x50  }
0x84: {  	s11 =	sadd.s32 $0xFFFFFFF8, s26;
	[sflag:s8] =	ssyncset.done @!p1 $0x0  }
0x85: {  	p2 =	sgt.u32 s11, $0x7C;
	[sflag:s8] =	ssyncadd.s32 @!p1 $0xFFFFFFB0;
	s8 =	simm.s32 @!p1 $0x180  }
0x86: {  	[spmem:s3] =	stream.indirect.scatter.add.f32 @!p1 [tilespmem:s9], [sflag:$0xC], $0x80, s8, s7, $0xb8;
	[tilespmem:$0x16C00] =	vst v63  }
0x87: {  	s7 =	simm.s32 @!p2 $0x10  }
.Ltmp5:
0x88: {  	_ =	swait.ge @!p2 [sflag:s7], $0x2800;
	(pc) =	sbr.rel @p1 .LBB2_6-.Ltmp5, $4  }
0x89: {  	p3 =	sgt.u32 @!p2 s26, $0x7C;
	[sflag:s7] =	ssyncset.done @!p2 $0x0  }
0x8a: {  	[sflag:s7] =	ssyncadd.s32 @!p2 $0xFFFFD800;
	p2 =	por p3, p2  }
0x8b: {  	s7 =	sadd.s32 @!p2 $0xFFFFFB00, s17;
	s8 =	simm.s32 @!p2 $0x0;
	s9 =	simm.s32 @!p2 $0x380  }
0x8c: {  	[tilespmem:s9], [sflag:$0x8] =	stream.linear.gather @!p2 [hbm4b:s7+s8], $0x50, $0x38;
	[tilespmem:$0x16C00] =	vst v63  }
.Ltmp6:
0x8d: {  	(pc) =	sbr.rel .LBB2_7-.Ltmp6, $4  }
0x8e: {  	_ =	swait.ge [sflag:s30], $0x50  }
0x8f: {  	[sflag:s30] =	ssyncset.done $0x0  }
0x90: {  	[sflag:s30] =	ssyncadd.s32 $0xFFFFFFB0  }
0x91: {  	[spmem:s3] =	stream.indirect.scatter.add.f32 [tilespmem:s20], [sflag:$0xD], $0x80, s24, s31, $0xb8;
	[tilespmem:$0x16C00] =	vst v63  }
.LBB2_6:
.Ltmp7:
0x92: {  	(pc) =	sbr.rel @p0 .LBB2_12-.Ltmp7, $1  }
0x93: {  	_ =	sdelay $0x3  }
.LBB2_7:
0x94: {  	p0 =	sgt.u32 s5, $0xE  }
.Ltmp8:
0x95: {  	_ = 	snop;
	(pc) =	sbr.rel @!p0 .LBB2_8-.Ltmp8, $4  }
0x96: {  	_ = 	snop  }
0x97: {  	_ =	swait.ge [sflag:s0], $0x2800  }
0x98: {  	[sflag:s0] =	ssyncset.done $0x0  }
0x99: {  	[sflag:s0] =	ssyncadd.s32 $0xFFFFD800  }
.Ltmp9:
0x9a: {  	(pc) =	sbr.rel @p1 .LBB2_11-.Ltmp9, $4  }
.Ltmp10:
0x9b: {  	(pc) =	sbr.rel @!p1 .LBB2_10-.Ltmp10, $4  }
0x9c: {  	_ = 	snop  }
0x9d: {  	_ = 	snop  }
0x9e: {  	_ = 	snop  }
0x9f: {  	_ = 	snop  }
.LBB2_13:
0xa0: {  	_ =	sfence.sel $0x180000  }
0xa1: {  	[bflag:$0x0] =	sbarrier.arrive $0xFFFF  }
0xa2: {  	_ =	strace $0x90000047  }
0xa3: {  	s0 =	stileid.u32;
	[bflag:$0x2] =	sbarrier.arrive $0xFFFF  }
0xa4: {  	p0 =	sne.s32 s0, $0x0;
	s0 =	rddreg [dreg:$0x3]  }
0xa5: {  	s0 =	sadd.s32 @!p0 $0x100000, s0  }
0xa6: {  	[sflag:s0] =	ssyncadd.tile.s32 @!p0 $0x1;
	_ =	shalt  }
.Lfunc_end2:
_tile_overlayer_lowered:
.L_overlay_start_2:
0xa7: {  	(tag) =	ssettag $0x2  }
0xa8: {  	s0 =	rddreg [dreg:$0x0];
	s2 =	stileid.u32  }
0xa9: {  	s1 =	rddreg [dreg:$0x1];
	p0 =	sne.s32 s2, $0x0  }
0xaa: {  	s3 =	rddreg [dreg:$0x2];
	[bflag:$0x3] =	sbarrier.arrive $0xFFFF;
	s2 =	simm.s32 @!p0 $0x1C11  }
0xab: {  	[timem:s3], [sflag:s2] =	dma.local @!p0 [hbm:s0], s1  }
0xac: {  	s0 =	simm.s32 @!p0 $0x11  }
0xad: {  	_ =	swait.ge @!p0 [sflag:s0], s1  }
0xae: {  	s1 =	ssub.s32 @!p0 $0x0, s1;
	[sflag:s0] =	ssyncset.done @!p0 $0x0  }
0xaf: {  	[sflag:s0] =	ssyncadd.s32 @!p0 s1  }
0xb0: {  	[bflag:$0x3] =	sbarrier.arrive $0xFFFF  }
0xb1: {  	_ =	shalt  }

</sc_bundles>
